<compile_context>
chip_gen: v7x
topology: tpu7x:2x2x1
jax: 0.10.2.dev20260603
libtpu: 0.0.44.dev20260713+nightly
codegen_flags: <defaults>
</compile_context>

<pallas_src>
import functools

import jax
import jax.numpy as jnp
from jax import lax
from jax.experimental import pallas as pl
from jax.experimental.pallas import tpu as pltpu
from jax.experimental.pallas import tpu_sc as plsc

N_NODES = 10000
N_EDGES = 160000
D_IN = 256
D_HID = 256
N_CLASSES = 40
N_EXPERTS = 8
D_P = N_EXPERTS * N_CLASSES

NC = 2
NS = 16
E_PER_TILE = 5120
E_PAD = NC * NS * E_PER_TILE
ROWS_PER_TILE = 632
N_ACC = ROWS_PER_TILE * NS
TRASH = N_NODES + 4

BLK = 2000
GRID = N_NODES // BLK


def _make_segsum(d, chunk, super_, nsuper):
    mesh = plsc.VectorSubcoreMesh(core_axis_name="c", subcore_axis_name="s")
    pairs = nsuper // 2

    @functools.partial(
        pl.kernel,
        mesh=mesh,
        out_type=jax.ShapeDtypeStruct((NC, N_ACC, d), jnp.bfloat16),
        compiler_params=pltpu.CompilerParams(use_tc_tiling_on_sc=False),
        scratch_types=[
            pltpu.VMEM((super_, 2, chunk), jnp.int32),
            pltpu.VMEM((super_, 2, chunk), jnp.int32),
            pltpu.VMEM((chunk, d), jnp.bfloat16),
            pltpu.VMEM((chunk, d), jnp.bfloat16),
            pltpu.VMEM_SHARED((N_ACC, d), jnp.bfloat16),
            pltpu.SemaphoreType.DMA,
            pltpu.SemaphoreType.DMA,
            pltpu.SemaphoreType.DMA,
            pltpu.SemaphoreType.DMA,
        ],
    )
    def seg_kernel(table, idx_hbm, zrows, out_hbm,
                   idx0, idx1, rows0, rows1, acc,
                   semi0, semi1, semr0, semr1):
        c = lax.axis_index("c")
        s = lax.axis_index("s")
        ih = idx_hbm.at[c, s]
        idx_bufs = (idx0, idx1)
        idx_sems = (semi0, semi1)
        row_bufs = (rows0, rows1)
        row_sems = (semr0, semr1)

        pltpu.async_copy(ih.at[0], idx0, semi0)
        pltpu.async_copy(ih.at[1], idx1, semi1)
        pltpu.sync_copy(zrows, acc.at[pl.ds(s * ROWS_PER_TILE, ROWS_PER_TILE)])
        plsc.subcore_barrier()

        def run_super(j, b, not_last):
            idx = idx_bufs[b]
            cps = [None, None]
            cps[0] = pltpu.async_copy(table.at[idx.at[0, 0]], rows0, semr0)
            for ci in range(super_):
                rb = ci % 2
                if ci + 1 < super_:
                    nb = (ci + 1) % 2
                    cps[nb] = pltpu.async_copy(
                        table.at[idx.at[ci + 1, 0]], row_bufs[nb], row_sems[nb])
                cps[rb].wait()
                pltpu.sync_copy(row_bufs[rb], acc.at[idx.at[ci, 1]], add=True)
            @pl.when(not_last)
            def _():
                pltpu.async_copy(ih.at[j + 2], idx_bufs[b], idx_sems[b])

        def pair(k, carry):
            not_last = k < pairs - 1
            pltpu.make_async_copy(ih.at[2 * k], idx0, semi0).wait()
            run_super(2 * k, 0, not_last)
            pltpu.make_async_copy(ih.at[2 * k + 1], idx1, semi1).wait()
            run_super(2 * k + 1, 1, not_last)
            return carry

        lax.fori_loop(0, pairs, pair, 0)
        plsc.subcore_barrier()
        pltpu.sync_copy(acc.at[pl.ds(s * ROWS_PER_TILE, ROWS_PER_TILE)],
                        out_hbm.at[c, pl.ds(s * ROWS_PER_TILE, ROWS_PER_TILE)])

    return seg_kernel


CFG_X = (128, 4, 10)
CFG_P = (80, 8, 8)
_segsum_x = _make_segsum(D_IN, *CFG_X)
_segsum_p = _make_segsum(D_P, *CFG_P)


def _front_body(x_ref, agg1_ref, noise_ref, wg_ref, wn_ref, thr_ref,
                w1_ref, w2_ref, gates_ref, p_ref):
    x = x_ref[...]
    agg1 = (agg1_ref[0] + agg1_ref[1]).astype(jnp.float32)
    z = x + agg1
    clean = jnp.dot(x, wg_ref[...], preferred_element_type=jnp.float32)
    nlog = jnp.dot(x, wn_ref[...], preferred_element_type=jnp.float32)
    std = jax.nn.softplus(nlog) + 1e-2
    noisy = clean + noise_ref[...] * std
    scores = noisy - thr_ref[...]
    open_mask = (scores > 0).astype(jnp.float32)
    m = jnp.max(noisy, axis=1, keepdims=True)
    ex = jnp.exp(noisy - m)
    sm = ex / jnp.sum(ex, axis=1, keepdims=True)
    raw = sm * open_mask
    gates_ref[...] = raw / (jnp.sum(raw, axis=1, keepdims=True) + 1e-9)
    zb = z.astype(jnp.bfloat16)
    for e in range(N_EXPERTS):
        h = jnp.maximum(
            jnp.dot(zb, w1_ref[e].astype(jnp.bfloat16),
                    preferred_element_type=jnp.float32), 0.0)
        p = jnp.dot(h.astype(jnp.bfloat16), w2_ref[e].astype(jnp.bfloat16),
                    preferred_element_type=jnp.float32)
        p_ref[:, e * N_CLASSES:(e + 1) * N_CLASSES] = p.astype(jnp.bfloat16)


def _combine_body(gates_ref, p_ref, agg2_ref, y_ref):
    g = gates_ref[...]
    p = p_ref[...].astype(jnp.float32)
    agg2 = (agg2_ref[0] + agg2_ref[1]).astype(jnp.float32)
    o = agg2 + p
    acc = jnp.zeros((BLK, N_CLASSES), jnp.float32)
    for e in range(N_EXPERTS):
        acc = acc + g[:, e:e + 1] * o[:, e * N_CLASSES:(e + 1) * N_CLASSES]
    y_ref[...] = acc


def kernel(x, edge_index, noise, w_gate, w_noise, gate_threshold, W1, W2):
    src = edge_index[0].astype(jnp.int32)
    dst = edge_index[1].astype(jnp.int32)
    pad = E_PAD - N_EDGES
    src_p = jnp.concatenate([src, jnp.zeros((pad,), jnp.int32)])
    dst_p = jnp.concatenate([dst, jnp.full((pad,), TRASH, jnp.int32)])
    def build_idx(chunk, super_, nsuper):
        srcE = src_p.reshape(NS, nsuper, super_, NC, chunk)
        dstE = dst_p.reshape(NS, nsuper, super_, NC, chunk)
        coff = (jnp.arange(NC, dtype=jnp.int32) * N_NODES)[None, None, None, :, None]
        idx6 = jnp.stack([srcE + coff, dstE])
        return idx6.transpose(4, 1, 2, 3, 0, 5)

    idx_x = build_idx(*CFG_X)
    idx_p = build_idx(*CFG_P)

    ztab_x = jnp.zeros((ROWS_PER_TILE, D_IN), jnp.bfloat16)
    ztab_p = jnp.zeros((ROWS_PER_TILE, D_P), jnp.bfloat16)

    xb = x.astype(jnp.bfloat16)
    x_tab = jnp.concatenate([xb, xb])
    agg1_s = _segsum_x(x_tab, idx_x, ztab_x)

    thr = gate_threshold.reshape(1, N_EXPERTS)
    gates, p_out = pl.pallas_call(
        _front_body,
        grid=(GRID,),
        in_specs=[
            pl.BlockSpec((BLK, D_IN), lambda i: (i, 0)),
            pl.BlockSpec((NC, BLK, D_IN), lambda i: (0, i, 0)),
            pl.BlockSpec((BLK, N_EXPERTS), lambda i: (i, 0)),
            pl.BlockSpec((D_IN, N_EXPERTS), lambda i: (0, 0)),
            pl.BlockSpec((D_IN, N_EXPERTS), lambda i: (0, 0)),
            pl.BlockSpec((1, N_EXPERTS), lambda i: (0, 0)),
            pl.BlockSpec((N_EXPERTS, D_IN, D_HID), lambda i: (0, 0, 0)),
            pl.BlockSpec((N_EXPERTS, D_HID, N_CLASSES), lambda i: (0, 0, 0)),
        ],
        out_specs=[
            pl.BlockSpec((BLK, N_EXPERTS), lambda i: (i, 0)),
            pl.BlockSpec((BLK, D_P), lambda i: (i, 0)),
        ],
        out_shape=[
            jax.ShapeDtypeStruct((N_NODES, N_EXPERTS), jnp.float32),
            jax.ShapeDtypeStruct((N_NODES, D_P), jnp.bfloat16),
        ],
    )(x, agg1_s, noise, w_gate, w_noise, thr, W1, W2)

    p_tab = jnp.concatenate([p_out, p_out])
    agg2_s = _segsum_p(p_tab, idx_p, ztab_p)

    y = pl.pallas_call(
        _combine_body,
        grid=(GRID,),
        in_specs=[
            pl.BlockSpec((BLK, N_EXPERTS), lambda i: (i, 0)),
            pl.BlockSpec((BLK, D_P), lambda i: (i, 0)),
            pl.BlockSpec((NC, BLK, D_P), lambda i: (0, i, 0)),
        ],
        out_specs=pl.BlockSpec((BLK, N_CLASSES), lambda i: (i, 0)),
        out_shape=jax.ShapeDtypeStruct((N_NODES, N_CLASSES), jnp.float32),
    )(gates, p_out, agg2_s)
    return y

# --- scband reference (transcript-rebuilt; emitter-appended) ---
"""Pipeline reference for scband-sagmm-network-1623497638190 (READ-ONLY COPY).

The authoritative reference and input builder live on the scoring server;
editing this copy changes nothing except your own understanding.
"""

import jax, jax.numpy as jnp
import numpy as np

N_NODES = 10000
N_EDGES = 160000
D_IN = 256
D_HID = 256
N_CLASSES = 40
N_EXPERTS = 8


def setup_inputs(seed: int = 0) -> dict:
    key = jax.random.key(seed)
    ks = jax.random.split(key, 8)
    x = jax.random.normal(ks[0], (N_NODES, D_IN), dtype=jnp.float32)
    edge_index = jax.random.randint(ks[1], (2, N_EDGES), 0, N_NODES, dtype=jnp.int64)
    noise = jax.random.normal(ks[2], (N_NODES, N_EXPERTS), dtype=jnp.float32)
    # gating parameters (noisy_top_any): initialized zeros in the module, use small values so gates are non-degenerate
    w_gate = jax.random.normal(ks[3], (D_IN, N_EXPERTS), dtype=jnp.float32) * 0.02
    w_noise = jax.random.normal(ks[4], (D_IN, N_EXPERTS), dtype=jnp.float32) * 0.02
    # gate_type == 'zeros' -> threshold initialized to zeros
    gate_threshold = jnp.zeros((N_EXPERTS,), dtype=jnp.float32)
    # stand-in expert parameters: each expert is a 2-layer message-passing GNN
    W1 = jax.random.normal(ks[5], (N_EXPERTS, D_IN, D_HID), dtype=jnp.float32) * (1.0 / np.sqrt(D_IN))
    W2 = jax.random.normal(ks[6], (N_EXPERTS, D_HID, N_CLASSES), dtype=jnp.float32) * (1.0 / np.sqrt(D_HID))
    return {"x": x, "edge_index": edge_index, "noise": noise, "w_gate": w_gate,
            "w_noise": w_noise, "gate_threshold": gate_threshold, "W1": W1, "W2": W2}


def reference(x, edge_index, noise, w_gate, w_noise, gate_threshold, W1, W2):
    N = x.shape[0]
    src = edge_index[0]
    dst = edge_index[1]
    # ---- noisy gating (noisy_top_any) ----
    clean_logits = x @ w_gate
    noise_std = jax.nn.softplus(x @ w_noise) + 1e-2
    noisy_logits = clean_logits + noise * noise_std
    scores = noisy_logits - gate_threshold[None, :]
    # SAGMMGateBackward: sign in forward, straight-through (identity) in backward
    sign_st = scores + jax.lax.stop_gradient(jnp.sign(scores) - scores)
    open_mask = jax.nn.relu(sign_st)  # 1 where gate open, 0 otherwise (ST grad)
    raw_gates = jax.nn.softmax(noisy_logits, axis=1) * open_mask
    gates = raw_gates / (jnp.sum(raw_gates, axis=1, keepdims=True) + 1e-9)
    # ---- expert forward (message passing per expert) ----
    expert_outs = []
    for e in range(W1.shape[0]):
        agg1 = jax.ops.segment_sum(x[src], dst, num_segments=N)
        h = jax.nn.relu((agg1 + x) @ W1[e])
        agg2 = jax.ops.segment_sum(h[src], dst, num_segments=N)
        o = (agg2 + h) @ W2[e]
        expert_outs.append(o)
    expert_out = jnp.stack(expert_outs, axis=0)  # [E, N, C]
    y = jnp.einsum('ne,enc->nc', gates, expert_out)
    return y

if __name__ == "__main__":
    import jax
    _d = setup_inputs()
    print(jax.jit(kernel)(*tuple(_d.values())))

</pallas_src>

<mosaic_0001>
#map = affine_map<(d0, d1) -> (0, 0)>
#map1 = affine_map<(d0, d1) -> (0, 0, 0, 0, 0, 0)>
#map2 = affine_map<(d0, d1) -> (0, 0, 0)>
module attributes {stable_mosaic.version = 14 : i64} {
  func.func @seg_kernel(%arg0: i32, %arg1: i32, %arg2: memref<20000x320xbf16, #tpu.memory_space<hbm>>, %arg3: memref<2x16x8x8x2x80xi32, #tpu.memory_space<hbm>>, %arg4: memref<632x320xbf16, #tpu.memory_space<hbm>>, %arg5: memref<2x10112x320xbf16, #tpu.memory_space<hbm>>, %arg6: memref<8x2x80xi32, #tpu.memory_space<vmem>>, %arg7: memref<8x2x80xi32, #tpu.memory_space<vmem>>, %arg8: memref<80x320xbf16, #tpu.memory_space<vmem>>, %arg9: memref<80x320xbf16, #tpu.memory_space<vmem>>, %arg10: memref<10112x320xbf16, #tpu.memory_space<vmem_shared>>, %arg11: memref<!tpu.dma_semaphore, #tpu.memory_space<semaphore_mem>>, %arg12: memref<!tpu.dma_semaphore, #tpu.memory_space<semaphore_mem>>, %arg13: memref<!tpu.dma_semaphore, #tpu.memory_space<semaphore_mem>>, %arg14: memref<!tpu.dma_semaphore, #tpu.memory_space<semaphore_mem>>) attributes {dimension_semantics = [#tpu.dimension_semantics<core_parallel>, #tpu.dimension_semantics<subcore_parallel>], iteration_bounds = array<i64: 2, 16>, scalar_prefetch = 0 : i64, scratch_operands = 9 : i64, tpu.core_type = #tpu.core_type<sc_vector_subcore>, window_params = [{transform_indices = #map}, {transform_indices = #map1}, {transform_indices = #map}, {transform_indices = #map2}]} {
    %dma_start3A = arith.constant 0 : i32
    %dma_start3A_0 = arith.constant 0 : i32
    %dma_start3A_1 = arith.constant 0 : i32
    %dma_start3A_2 = arith.constant 0 : i32
    %dma_start3A_3 = arith.constant 0 : i32
    %dma_start3A_4 = tpu.memref_slice %arg3[%arg0, %arg1, %dma_start3A_0, %dma_start3A_1, %dma_start3A_2, %dma_start3A_3] : memref<2x16x8x8x2x80xi32, #tpu.memory_space<hbm>> -> memref<1x1x8x8x2x80xi32, #tpu.memory_space<hbm>>
    %dma_start3A_5 = tpu.memref_squeeze %dma_start3A_4 : memref<1x1x8x8x2x80xi32, #tpu.memory_space<hbm>> -> memref<8x8x2x80xi32, #tpu.memory_space<hbm>>
    %dma_start3A_6 = arith.constant 0 : i32
    %dma_start3A_7 = arith.constant 0 : i32
    %dma_start3A_8 = arith.constant 0 : i32
    %dma_start3A_9 = tpu.memref_slice %dma_start3A_5[%dma_start3A, %dma_start3A_6, %dma_start3A_7, %dma_start3A_8] : memref<8x8x2x80xi32, #tpu.memory_space<hbm>> -> memref<1x8x2x80xi32, #tpu.memory_space<hbm>>
    %dma_start3A_10 = tpu.memref_squeeze %dma_start3A_9 : memref<1x8x2x80xi32, #tpu.memory_space<hbm>> -> memref<8x2x80xi32, #tpu.memory_space<hbm>>
    %dma_start3A_11 = arith.constant 0 : i32
    %dma_start3A_12 = arith.constant 0 : i32
    %dma_start3A_13 = arith.constant 0 : i32
    %dma_start3A_14 = arith.constant 0 : i32
    %dma_start3A_15 = tpu.memref_slice %arg3[%arg0, %arg1, %dma_start3A_11, %dma_start3A_12, %dma_start3A_13, %dma_start3A_14] : memref<2x16x8x8x2x80xi32, #tpu.memory_space<hbm>> -> memref<1x1x8x8x2x80xi32, #tpu.memory_space<hbm>>
    %dma_start3A_16 = tpu.memref_squeeze %dma_start3A_15 : memref<1x1x8x8x2x80xi32, #tpu.memory_space<hbm>> -> memref<8x8x2x80xi32, #tpu.memory_space<hbm>>
    %dma_start3A_17 = arith.constant 0 : i32
    %dma_start3A_18 = arith.constant 0 : i32
    %dma_start3A_19 = arith.constant 0 : i32
    %dma_start3A_20 = tpu.memref_slice %dma_start3A_16[%dma_start3A, %dma_start3A_17, %dma_start3A_18, %dma_start3A_19] : memref<8x8x2x80xi32, #tpu.memory_space<hbm>> -> memref<1x8x2x80xi32, #tpu.memory_space<hbm>>
    %dma_start3A_21 = tpu.memref_squeeze %dma_start3A_20 : memref<1x8x2x80xi32, #tpu.memory_space<hbm>> -> memref<8x2x80xi32, #tpu.memory_space<hbm>>
    tpu.enqueue_dma source(%dma_start3A_21 : memref<8x2x80xi32, #tpu.memory_space<hbm>>) target(%arg6 : memref<8x2x80xi32, #tpu.memory_space<vmem>>) target_semaphore(%arg11 : memref<!tpu.dma_semaphore, #tpu.memory_space<semaphore_mem>>)
    %dma_start3A_22 = arith.constant 1 : i32
    %dma_start3A_23 = arith.constant 0 : i32
    %dma_start3A_24 = arith.constant 0 : i32
    %dma_start3A_25 = arith.constant 0 : i32
    %dma_start3A_26 = arith.constant 0 : i32
    %dma_start3A_27 = tpu.memref_slice %arg3[%arg0, %arg1, %dma_start3A_23, %dma_start3A_24, %dma_start3A_25, %dma_start3A_26] : memref<2x16x8x8x2x80xi32, #tpu.memory_space<hbm>> -> memref<1x1x8x8x2x80xi32, #tpu.memory_space<hbm>>
    %dma_start3A_28 = tpu.memref_squeeze %dma_start3A_27 : memref<1x1x8x8x2x80xi32, #tpu.memory_space<hbm>> -> memref<8x8x2x80xi32, #tpu.memory_space<hbm>>
    %dma_start3A_29 = arith.constant 0 : i32
    %dma_start3A_30 = arith.constant 0 : i32
    %dma_start3A_31 = arith.constant 0 : i32
    %dma_start3A_32 = tpu.memref_slice %dma_start3A_28[%dma_start3A_22, %dma_start3A_29, %dma_start3A_30, %dma_start3A_31] : memref<8x8x2x80xi32, #tpu.memory_space<hbm>> -> memref<1x8x2x80xi32, #tpu.memory_space<hbm>>
    %dma_start3A_33 = tpu.memref_squeeze %dma_start3A_32 : memref<1x8x2x80xi32, #tpu.memory_space<hbm>> -> memref<8x2x80xi32, #tpu.memory_space<hbm>>
    %dma_start3A_34 = arith.constant 0 : i32
    %dma_start3A_35 = arith.constant 0 : i32
    %dma_start3A_36 = arith.constant 0 : i32
    %dma_start3A_37 = arith.constant 0 : i32
    %dma_start3A_38 = tpu.memref_slice %arg3[%arg0, %arg1, %dma_start3A_34, %dma_start3A_35, %dma_start3A_36, %dma_start3A_37] : memref<2x16x8x8x2x80xi32, #tpu.memory_space<hbm>> -> memref<1x1x8x8x2x80xi32, #tpu.memory_space<hbm>>
    %dma_start3A_39 = tpu.memref_squeeze %dma_start3A_38 : memref<1x1x8x8x2x80xi32, #tpu.memory_space<hbm>> -> memref<8x8x2x80xi32, #tpu.memory_space<hbm>>
    %dma_start3A_40 = arith.constant 0 : i32
    %dma_start3A_41 = arith.constant 0 : i32
    %dma_start3A_42 = arith.constant 0 : i32
    %dma_start3A_43 = tpu.memref_slice %dma_start3A_39[%dma_start3A_22, %dma_start3A_40, %dma_start3A_41, %dma_start3A_42] : memref<8x8x2x80xi32, #tpu.memory_space<hbm>> -> memref<1x8x2x80xi32, #tpu.memory_space<hbm>>
    %dma_start3A_44 = tpu.memref_squeeze %dma_start3A_43 : memref<1x8x2x80xi32, #tpu.memory_space<hbm>> -> memref<8x2x80xi32, #tpu.memory_space<hbm>>
    tpu.enqueue_dma source(%dma_start3A_44 : memref<8x2x80xi32, #tpu.memory_space<hbm>>) target(%arg7 : memref<8x2x80xi32, #tpu.memory_space<vmem>>) target_semaphore(%arg12 : memref<!tpu.dma_semaphore, #tpu.memory_space<semaphore_mem>>)
    %mul3A = arith.constant 632 : i32
    %mul3A_45 = arith.muli %arg1, %mul3A : i32
    "tpu.region"() ({
      %run_scoped3A = tpu.sem_alloc : memref<!tpu.dma_semaphore, #tpu.memory_space<semaphore_mem>>
      %dma_start3A_56 = arith.constant 0 : i32
      %dma_start3A_57 = tpu.memref_slice %arg10[%mul3A_45, %dma_start3A_56] : memref<10112x320xbf16, #tpu.memory_space<vmem_shared>> -> memref<632x320xbf16, #tpu.memory_space<vmem_shared>>
      tpu.enqueue_dma source(%arg4 : memref<632x320xbf16, #tpu.memory_space<hbm>>) target(%dma_start3A_57 : memref<632x320xbf16, #tpu.memory_space<vmem_shared>>) target_semaphore(%run_scoped3A : memref<!tpu.dma_semaphore, #tpu.memory_space<semaphore_mem>>)
      %dma_wait3A = arith.constant 0 : i32
      %dma_wait3A_58 = tpu.memref_slice %arg10[%mul3A_45, %dma_wait3A] : memref<10112x320xbf16, #tpu.memory_space<vmem_shared>> -> memref<632x320xbf16, #tpu.memory_space<vmem_shared>>
      tpu.wait_dma2 semaphore(%run_scoped3A : memref<!tpu.dma_semaphore, #tpu.memory_space<semaphore_mem>>) src(%arg4 : memref<632x320xbf16, #tpu.memory_space<hbm>>) dst(%dma_wait3A_58 : memref<632x320xbf16, #tpu.memory_space<vmem_shared>>)
      tpu.yield
    }) : () -> ()
    %barrier3A = arith.constant 0 : index
    tpu.barrier barrier_id(%barrier3A)
    %scan3A = arith.constant 0 : i32
    %scan3A_46 = arith.constant 0 : i32
    %scan3A_47 = arith.constant 4 : i32
    %scan3A_48 = arith.addi %scan3A_46, %scan3A_47 : i32
    %scan3A_49 = arith.constant 1 : i32
    scf.for %scan3A_56 = %scan3A_46 to %scan3A_48 step %scan3A_49  : i32 {
      %lt3A = arith.constant 3 : i32
      %lt3A_57 = arith.cmpi slt, %scan3A_56, %lt3A : i32
      %mul3A_58 = arith.constant 2 : i32
      %mul3A_59 = arith.muli %mul3A_58, %scan3A_56 : i32
      %dma_wait3A = arith.constant 0 : i32
      %dma_wait3A_60 = arith.constant 0 : i32
      %dma_wait3A_61 = arith.constant 0 : i32
      %dma_wait3A_62 = arith.constant 0 : i32
      %dma_wait3A_63 = tpu.memref_slice %arg3[%arg0, %arg1, %dma_wait3A, %dma_wait3A_60, %dma_wait3A_61, %dma_wait3A_62] : memref<2x16x8x8x2x80xi32, #tpu.memory_space<hbm>> -> memref<1x1x8x8x2x80xi32, #tpu.memory_space<hbm>>
      %dma_wait3A_64 = tpu.memref_squeeze %dma_wait3A_63 : memref<1x1x8x8x2x80xi32, #tpu.memory_space<hbm>> -> memref<8x8x2x80xi32, #tpu.memory_space<hbm>>
      %dma_wait3A_65 = arith.constant 0 : i32
      %dma_wait3A_66 = arith.constant 0 : i32
      %dma_wait3A_67 = arith.constant 0 : i32
      %dma_wait3A_68 = tpu.memref_slice %dma_wait3A_64[%mul3A_59, %dma_wait3A_65, %dma_wait3A_66, %dma_wait3A_67] : memref<8x8x2x80xi32, #tpu.memory_space<hbm>> -> memref<1x8x2x80xi32, #tpu.memory_space<hbm>>
      %dma_wait3A_69 = tpu.memref_squeeze %dma_wait3A_68 : memref<1x8x2x80xi32, #tpu.memory_space<hbm>> -> memref<8x2x80xi32, #tpu.memory_space<hbm>>
      %dma_wait3A_70 = arith.constant 0 : i32
      %dma_wait3A_71 = arith.constant 0 : i32
      %dma_wait3A_72 = arith.constant 0 : i32
      %dma_wait3A_73 = arith.constant 0 : i32
      %dma_wait3A_74 = tpu.memref_slice %arg3[%arg0, %arg1, %dma_wait3A_70, %dma_wait3A_71, %dma_wait3A_72, %dma_wait3A_73] : memref<2x16x8x8x2x80xi32, #tpu.memory_space<hbm>> -> memref<1x1x8x8x2x80xi32, #tpu.memory_space<hbm>>
      %dma_wait3A_75 = tpu.memref_squeeze %dma_wait3A_74 : memref<1x1x8x8x2x80xi32, #tpu.memory_space<hbm>> -> memref<8x8x2x80xi32, #tpu.memory_space<hbm>>
      %dma_wait3A_76 = arith.constant 0 : i32
      %dma_wait3A_77 = arith.constant 0 : i32
      %dma_wait3A_78 = arith.constant 0 : i32
      %dma_wait3A_79 = tpu.memref_slice %dma_wait3A_75[%mul3A_59, %dma_wait3A_76, %dma_wait3A_77, %dma_wait3A_78] : memref<8x8x2x80xi32, #tpu.memory_space<hbm>> -> memref<1x8x2x80xi32, #tpu.memory_space<hbm>>
      %dma_wait3A_80 = tpu.memref_squeeze %dma_wait3A_79 : memref<1x8x2x80xi32, #tpu.memory_space<hbm>> -> memref<8x2x80xi32, #tpu.memory_space<hbm>>
      tpu.wait_dma2 semaphore(%arg11 : memref<!tpu.dma_semaphore, #tpu.memory_space<semaphore_mem>>) src(%dma_wait3A_80 : memref<8x2x80xi32, #tpu.memory_space<hbm>>) dst(%arg6 : memref<8x2x80xi32, #tpu.memory_space<vmem>>)
      %mul3A_81 = arith.constant 2 : i32
      %mul3A_82 = arith.muli %mul3A_81, %scan3A_56 : i32
      %dma_start3A_83 = arith.constant 0 : i32
      %dma_start3A_84 = arith.constant 0 : i32
      %dma_start3A_85 = arith.constant 0 : i32
      %dma_start3A_86 = tpu.memref_slice %arg6[%dma_start3A_83, %dma_start3A_84, %dma_start3A_85] : memref<8x2x80xi32, #tpu.memory_space<vmem>> -> memref<1x1x80xi32, #tpu.memory_space<vmem>>
      %dma_start3A_87 = tpu.memref_squeeze %dma_start3A_86 : memref<1x1x80xi32, #tpu.memory_space<vmem>> -> memref<80xi32, #tpu.memory_space<vmem>>
      %dma_start3A_88 = arith.constant 0 : i32
      %dma_start3A_89 = arith.constant 0 : i32
      %dma_start3A_90 = tpu.memref_slice %arg2[%dma_start3A_88, %dma_start3A_89] : memref<20000x320xbf16, #tpu.memory_space<hbm>> -> memref<20000x320xbf16, #tpu.memory_space<hbm>>
      tpu.enqueue_indirect_dma source(%dma_start3A_90 : memref<20000x320xbf16, #tpu.memory_space<hbm>>) target(%arg8 : memref<80x320xbf16, #tpu.memory_space<vmem>>) offsets(%dma_start3A_87 : memref<80xi32, #tpu.memory_space<vmem>>) semaphore(%arg13 : memref<!tpu.dma_semaphore, #tpu.memory_space<semaphore_mem>>)
      %dma_start3A_91 = arith.constant 1 : i32
      %dma_start3A_92 = arith.constant 0 : i32
      %dma_start3A_93 = arith.constant 0 : i32
      %dma_start3A_94 = tpu.memref_slice %arg6[%dma_start3A_91, %dma_start3A_92, %dma_start3A_93] : memref<8x2x80xi32, #tpu.memory_space<vmem>> -> memref<1x1x80xi32, #tpu.memory_space<vmem>>
      %dma_start3A_95 = tpu.memref_squeeze %dma_start3A_94 : memref<1x1x80xi32, #tpu.memory_space<vmem>> -> memref<80xi32, #tpu.memory_space<vmem>>
      %dma_start3A_96 = arith.constant 0 : i32
      %dma_start3A_97 = arith.constant 0 : i32
      %dma_start3A_98 = tpu.memref_slice %arg2[%dma_start3A_96, %dma_start3A_97] : memref<20000x320xbf16, #tpu.memory_space<hbm>> -> memref<20000x320xbf16, #tpu.memory_space<hbm>>
      tpu.enqueue_indirect_dma source(%dma_start3A_98 : memref<20000x320xbf16, #tpu.memory_space<hbm>>) target(%arg9 : memref<80x320xbf16, #tpu.memory_space<vmem>>) offsets(%dma_start3A_95 : memref<80xi32, #tpu.memory_space<vmem>>) semaphore(%arg14 : memref<!tpu.dma_semaphore, #tpu.memory_space<semaphore_mem>>)
      %dma_wait3A_99 = arith.constant 0 : i32
      %dma_wait3A_100 = arith.constant 0 : i32
      %dma_wait3A_101 = arith.constant 0 : i32
      %dma_wait3A_102 = tpu.memref_slice %arg6[%dma_wait3A_99, %dma_wait3A_100, %dma_wait3A_101] : memref<8x2x80xi32, #tpu.memory_space<vmem>> -> memref<1x1x80xi32, #tpu.memory_space<vmem>>
      %dma_wait3A_103 = tpu.memref_squeeze %dma_wait3A_102 : memref<1x1x80xi32, #tpu.memory_space<vmem>> -> memref<80xi32, #tpu.memory_space<vmem>>
      %dma_wait3A_104 = arith.constant 0 : i32
      %dma_wait3A_105 = arith.constant 0 : i32
      %dma_wait3A_106 = tpu.memref_slice %arg2[%dma_wait3A_104, %dma_wait3A_105] : memref<20000x320xbf16, #tpu.memory_space<hbm>> -> memref<20000x320xbf16, #tpu.memory_space<hbm>>
      tpu.wait_indirect_dma semaphore(%arg13 : memref<!tpu.dma_semaphore, #tpu.memory_space<semaphore_mem>>) src(%dma_wait3A_106 : memref<20000x320xbf16, #tpu.memory_space<hbm>>) dst(%arg8 : memref<80x320xbf16, #tpu.memory_space<vmem>>)
      %run_scoped3A = arith.constant 0 : i32
      %run_scoped3A_107 = arith.constant 1 : i32
      "tpu.region"() ({
        %run_scoped3A_403 = tpu.sem_alloc : memref<!tpu.dma_semaphore, #tpu.memory_space<semaphore_mem>>
        %dma_start3A_404 = arith.constant 0 : i32
        %dma_start3A_405 = tpu.memref_slice %arg6[%run_scoped3A, %run_scoped3A_107, %dma_start3A_404] : memref<8x2x80xi32, #tpu.memory_space<vmem>> -> memref<1x1x80xi32, #tpu.memory_space<vmem>>
        %dma_start3A_406 = tpu.memref_squeeze %dma_start3A_405 : memref<1x1x80xi32, #tpu.memory_space<vmem>> -> memref<80xi32, #tpu.memory_space<vmem>>
        %dma_start3A_407 = arith.constant 0 : i32
        %dma_start3A_408 = arith.constant 0 : i32
        %dma_start3A_409 = tpu.memref_slice %arg10[%dma_start3A_407, %dma_start3A_408] : memref<10112x320xbf16, #tpu.memory_space<vmem_shared>> -> memref<10112x320xbf16, #tpu.memory_space<vmem_shared>>
        tpu.enqueue_indirect_dma source(%arg8 : memref<80x320xbf16, #tpu.memory_space<vmem>>) target(%dma_start3A_409 : memref<10112x320xbf16, #tpu.memory_space<vmem_shared>>) offsets(%dma_start3A_406 : memref<80xi32, #tpu.memory_space<vmem>>) semaphore(%run_scoped3A_403 : memref<!tpu.dma_semaphore, #tpu.memory_space<semaphore_mem>>) {add = true}
        %dma_wait3A_410 = arith.constant 0 : i32
        %dma_wait3A_411 = tpu.memref_slice %arg6[%run_scoped3A, %run_scoped3A_107, %dma_wait3A_410] : memref<8x2x80xi32, #tpu.memory_space<vmem>> -> memref<1x1x80xi32, #tpu.memory_space<vmem>>
        %dma_wait3A_412 = tpu.memref_squeeze %dma_wait3A_411 : memref<1x1x80xi32, #tpu.memory_space<vmem>> -> memref<80xi32, #tpu.memory_space<vmem>>
        %dma_wait3A_413 = arith.constant 0 : i32
        %dma_wait3A_414 = arith.constant 0 : i32
        %dma_wait3A_415 = tpu.memref_slice %arg10[%dma_wait3A_413, %dma_wait3A_414] : memref<10112x320xbf16, #tpu.memory_space<vmem_shared>> -> memref<10112x320xbf16, #tpu.memory_space<vmem_shared>>
        tpu.wait_indirect_dma semaphore(%run_scoped3A_403 : memref<!tpu.dma_semaphore, #tpu.memory_space<semaphore_mem>>) src(%arg8 : memref<80x320xbf16, #tpu.memory_space<vmem>>) dst(%dma_wait3A_415 : memref<10112x320xbf16, #tpu.memory_space<vmem_shared>>)
        tpu.yield
      }) : () -> ()
      %dma_start3A_108 = arith.constant 2 : i32
      %dma_start3A_109 = arith.constant 0 : i32
      %dma_start3A_110 = arith.constant 0 : i32
      %dma_start3A_111 = tpu.memref_slice %arg6[%dma_start3A_108, %dma_start3A_109, %dma_start3A_110] : memref<8x2x80xi32, #tpu.memory_space<vmem>> -> memref<1x1x80xi32, #tpu.memory_space<vmem>>
      %dma_start3A_112 = tpu.memref_squeeze %dma_start3A_111 : memref<1x1x80xi32, #tpu.memory_space<vmem>> -> memref<80xi32, #tpu.memory_space<vmem>>
      %dma_start3A_113 = arith.constant 0 : i32
      %dma_start3A_114 = arith.constant 0 : i32
      %dma_start3A_115 = tpu.memref_slice %arg2[%dma_start3A_113, %dma_start3A_114] : memref<20000x320xbf16, #tpu.memory_space<hbm>> -> memref<20000x320xbf16, #tpu.memory_space<hbm>>
      tpu.enqueue_indirect_dma source(%dma_start3A_115 : memref<20000x320xbf16, #tpu.memory_space<hbm>>) target(%arg8 : memref<80x320xbf16, #tpu.memory_space<vmem>>) offsets(%dma_start3A_112 : memref<80xi32, #tpu.memory_space<vmem>>) semaphore(%arg13 : memref<!tpu.dma_semaphore, #tpu.memory_space<semaphore_mem>>)
      %dma_wait3A_116 = arith.constant 1 : i32
      %dma_wait3A_117 = arith.constant 0 : i32
      %dma_wait3A_118 = arith.constant 0 : i32
      %dma_wait3A_119 = tpu.memref_slice %arg6[%dma_wait3A_116, %dma_wait3A_117, %dma_wait3A_118] : memref<8x2x80xi32, #tpu.memory_space<vmem>> -> memref<1x1x80xi32, #tpu.memory_space<vmem>>
      %dma_wait3A_120 = tpu.memref_squeeze %dma_wait3A_119 : memref<1x1x80xi32, #tpu.memory_space<vmem>> -> memref<80xi32, #tpu.memory_space<vmem>>
      %dma_wait3A_121 = arith.constant 0 : i32
      %dma_wait3A_122 = arith.constant 0 : i32
      %dma_wait3A_123 = tpu.memref_slice %arg2[%dma_wait3A_121, %dma_wait3A_122] : memref<20000x320xbf16, #tpu.memory_space<hbm>> -> memref<20000x320xbf16, #tpu.memory_space<hbm>>
      tpu.wait_indirect_dma semaphore(%arg14 : memref<!tpu.dma_semaphore, #tpu.memory_space<semaphore_mem>>) src(%dma_wait3A_123 : memref<20000x320xbf16, #tpu.memory_space<hbm>>) dst(%arg9 : memref<80x320xbf16, #tpu.memory_space<vmem>>)
      %run_scoped3A_124 = arith.constant 1 : i32
      %run_scoped3A_125 = arith.constant 1 : i32
      "tpu.region"() ({
        %run_scoped3A_403 = tpu.sem_alloc : memref<!tpu.dma_semaphore, #tpu.memory_space<semaphore_mem>>
        %dma_start3A_404 = arith.constant 0 : i32
        %dma_start3A_405 = tpu.memref_slice %arg6[%run_scoped3A_124, %run_scoped3A_125, %dma_start3A_404] : memref<8x2x80xi32, #tpu.memory_space<vmem>> -> memref<1x1x80xi32, #tpu.memory_space<vmem>>
        %dma_start3A_406 = tpu.memref_squeeze %dma_start3A_405 : memref<1x1x80xi32, #tpu.memory_space<vmem>> -> memref<80xi32, #tpu.memory_space<vmem>>
        %dma_start3A_407 = arith.constant 0 : i32
        %dma_start3A_408 = arith.constant 0 : i32
        %dma_start3A_409 = tpu.memref_slice %arg10[%dma_start3A_407, %dma_start3A_408] : memref<10112x320xbf16, #tpu.memory_space<vmem_shared>> -> memref<10112x320xbf16, #tpu.memory_space<vmem_shared>>
        tpu.enqueue_indirect_dma source(%arg9 : memref<80x320xbf16, #tpu.memory_space<vmem>>) target(%dma_start3A_409 : memref<10112x320xbf16, #tpu.memory_space<vmem_shared>>) offsets(%dma_start3A_406 : memref<80xi32, #tpu.memory_space<vmem>>) semaphore(%run_scoped3A_403 : memref<!tpu.dma_semaphore, #tpu.memory_space<semaphore_mem>>) {add = true}
        %dma_wait3A_410 = arith.constant 0 : i32
        %dma_wait3A_411 = tpu.memref_slice %arg6[%run_scoped3A_124, %run_scoped3A_125, %dma_wait3A_410] : memref<8x2x80xi32, #tpu.memory_space<vmem>> -> memref<1x1x80xi32, #tpu.memory_space<vmem>>
        %dma_wait3A_412 = tpu.memref_squeeze %dma_wait3A_411 : memref<1x1x80xi32, #tpu.memory_space<vmem>> -> memref<80xi32, #tpu.memory_space<vmem>>
        %dma_wait3A_413 = arith.constant 0 : i32
        %dma_wait3A_414 = arith.constant 0 : i32
        %dma_wait3A_415 = tpu.memref_slice %arg10[%dma_wait3A_413, %dma_wait3A_414] : memref<10112x320xbf16, #tpu.memory_space<vmem_shared>> -> memref<10112x320xbf16, #tpu.memory_space<vmem_shared>>
        tpu.wait_indirect_dma semaphore(%run_scoped3A_403 : memref<!tpu.dma_semaphore, #tpu.memory_space<semaphore_mem>>) src(%arg9 : memref<80x320xbf16, #tpu.memory_space<vmem>>) dst(%dma_wait3A_415 : memref<10112x320xbf16, #tpu.memory_space<vmem_shared>>)
        tpu.yield
      }) : () -> ()
      %dma_start3A_126 = arith.constant 3 : i32
      %dma_start3A_127 = arith.constant 0 : i32
      %dma_start3A_128 = arith.constant 0 : i32
      %dma_start3A_129 = tpu.memref_slice %arg6[%dma_start3A_126, %dma_start3A_127, %dma_start3A_128] : memref<8x2x80xi32, #tpu.memory_space<vmem>> -> memref<1x1x80xi32, #tpu.memory_space<vmem>>
      %dma_start3A_130 = tpu.memref_squeeze %dma_start3A_129 : memref<1x1x80xi32, #tpu.memory_space<vmem>> -> memref<80xi32, #tpu.memory_space<vmem>>
      %dma_start3A_131 = arith.constant 0 : i32
      %dma_start3A_132 = arith.constant 0 : i32
      %dma_start3A_133 = tpu.memref_slice %arg2[%dma_start3A_131, %dma_start3A_132] : memref<20000x320xbf16, #tpu.memory_space<hbm>> -> memref<20000x320xbf16, #tpu.memory_space<hbm>>
      tpu.enqueue_indirect_dma source(%dma_start3A_133 : memref<20000x320xbf16, #tpu.memory_space<hbm>>) target(%arg9 : memref<80x320xbf16, #tpu.memory_space<vmem>>) offsets(%dma_start3A_130 : memref<80xi32, #tpu.memory_space<vmem>>) semaphore(%arg14 : memref<!tpu.dma_semaphore, #tpu.memory_space<semaphore_mem>>)
      %dma_wait3A_134 = arith.constant 2 : i32
      %dma_wait3A_135 = arith.constant 0 : i32
      %dma_wait3A_136 = arith.constant 0 : i32
      %dma_wait3A_137 = tpu.memref_slice %arg6[%dma_wait3A_134, %dma_wait3A_135, %dma_wait3A_136] : memref<8x2x80xi32, #tpu.memory_space<vmem>> -> memref<1x1x80xi32, #tpu.memory_space<vmem>>
      %dma_wait3A_138 = tpu.memref_squeeze %dma_wait3A_137 : memref<1x1x80xi32, #tpu.memory_space<vmem>> -> memref<80xi32, #tpu.memory_space<vmem>>
      %dma_wait3A_139 = arith.constant 0 : i32
      %dma_wait3A_140 = arith.constant 0 : i32
      %dma_wait3A_141 = tpu.memref_slice %arg2[%dma_wait3A_139, %dma_wait3A_140] : memref<20000x320xbf16, #tpu.memory_space<hbm>> -> memref<20000x320xbf16, #tpu.memory_space<hbm>>
      tpu.wait_indirect_dma semaphore(%arg13 : memref<!tpu.dma_semaphore, #tpu.memory_space<semaphore_mem>>) src(%dma_wait3A_141 : memref<20000x320xbf16, #tpu.memory_space<hbm>>) dst(%arg8 : memref<80x320xbf16, #tpu.memory_space<vmem>>)
      %run_scoped3A_142 = arith.constant 2 : i32
      %run_scoped3A_143 = arith.constant 1 : i32
      "tpu.region"() ({
        %run_scoped3A_403 = tpu.sem_alloc : memref<!tpu.dma_semaphore, #tpu.memory_space<semaphore_mem>>
        %dma_start3A_404 = arith.constant 0 : i32
        %dma_start3A_405 = tpu.memref_slice %arg6[%run_scoped3A_142, %run_scoped3A_143, %dma_start3A_404] : memref<8x2x80xi32, #tpu.memory_space<vmem>> -> memref<1x1x80xi32, #tpu.memory_space<vmem>>
        %dma_start3A_406 = tpu.memref_squeeze %dma_start3A_405 : memref<1x1x80xi32, #tpu.memory_space<vmem>> -> memref<80xi32, #tpu.memory_space<vmem>>
        %dma_start3A_407 = arith.constant 0 : i32
        %dma_start3A_408 = arith.constant 0 : i32
        %dma_start3A_409 = tpu.memref_slice %arg10[%dma_start3A_407, %dma_start3A_408] : memref<10112x320xbf16, #tpu.memory_space<vmem_shared>> -> memref<10112x320xbf16, #tpu.memory_space<vmem_shared>>
        tpu.enqueue_indirect_dma source(%arg8 : memref<80x320xbf16, #tpu.memory_space<vmem>>) target(%dma_start3A_409 : memref<10112x320xbf16, #tpu.memory_space<vmem_shared>>) offsets(%dma_start3A_406 : memref<80xi32, #tpu.memory_space<vmem>>) semaphore(%run_scoped3A_403 : memref<!tpu.dma_semaphore, #tpu.memory_space<semaphore_mem>>) {add = true}
        %dma_wait3A_410 = arith.constant 0 : i32
        %dma_wait3A_411 = tpu.memref_slice %arg6[%run_scoped3A_142, %run_scoped3A_143, %dma_wait3A_410] : memref<8x2x80xi32, #tpu.memory_space<vmem>> -> memref<1x1x80xi32, #tpu.memory_space<vmem>>
        %dma_wait3A_412 = tpu.memref_squeeze %dma_wait3A_411 : memref<1x1x80xi32, #tpu.memory_space<vmem>> -> memref<80xi32, #tpu.memory_space<vmem>>
        %dma_wait3A_413 = arith.constant 0 : i32
        %dma_wait3A_414 = arith.constant 0 : i32
        %dma_wait3A_415 = tpu.memref_slice %arg10[%dma_wait3A_413, %dma_wait3A_414] : memref<10112x320xbf16, #tpu.memory_space<vmem_shared>> -> memref<10112x320xbf16, #tpu.memory_space<vmem_shared>>
        tpu.wait_indirect_dma semaphore(%run_scoped3A_403 : memref<!tpu.dma_semaphore, #tpu.memory_space<semaphore_mem>>) src(%arg8 : memref<80x320xbf16, #tpu.memory_space<vmem>>) dst(%dma_wait3A_415 : memref<10112x320xbf16, #tpu.memory_space<vmem_shared>>)
        tpu.yield
      }) : () -> ()
      %dma_start3A_144 = arith.constant 4 : i32
      %dma_start3A_145 = arith.constant 0 : i32
      %dma_start3A_146 = arith.constant 0 : i32
      %dma_start3A_147 = tpu.memref_slice %arg6[%dma_start3A_144, %dma_start3A_145, %dma_start3A_146] : memref<8x2x80xi32, #tpu.memory_space<vmem>> -> memref<1x1x80xi32, #tpu.memory_space<vmem>>
      %dma_start3A_148 = tpu.memref_squeeze %dma_start3A_147 : memref<1x1x80xi32, #tpu.memory_space<vmem>> -> memref<80xi32, #tpu.memory_space<vmem>>
      %dma_start3A_149 = arith.constant 0 : i32
      %dma_start3A_150 = arith.constant 0 : i32
      %dma_start3A_151 = tpu.memref_slice %arg2[%dma_start3A_149, %dma_start3A_150] : memref<20000x320xbf16, #tpu.memory_space<hbm>> -> memref<20000x320xbf16, #tpu.memory_space<hbm>>
      tpu.enqueue_indirect_dma source(%dma_start3A_151 : memref<20000x320xbf16, #tpu.memory_space<hbm>>) target(%arg8 : memref<80x320xbf16, #tpu.memory_space<vmem>>) offsets(%dma_start3A_148 : memref<80xi32, #tpu.memory_space<vmem>>) semaphore(%arg13 : memref<!tpu.dma_semaphore, #tpu.memory_space<semaphore_mem>>)
      %dma_wait3A_152 = arith.constant 3 : i32
      %dma_wait3A_153 = arith.constant 0 : i32
      %dma_wait3A_154 = arith.constant 0 : i32
      %dma_wait3A_155 = tpu.memref_slice %arg6[%dma_wait3A_152, %dma_wait3A_153, %dma_wait3A_154] : memref<8x2x80xi32, #tpu.memory_space<vmem>> -> memref<1x1x80xi32, #tpu.memory_space<vmem>>
      %dma_wait3A_156 = tpu.memref_squeeze %dma_wait3A_155 : memref<1x1x80xi32, #tpu.memory_space<vmem>> -> memref<80xi32, #tpu.memory_space<vmem>>
      %dma_wait3A_157 = arith.constant 0 : i32
      %dma_wait3A_158 = arith.constant 0 : i32
      %dma_wait3A_159 = tpu.memref_slice %arg2[%dma_wait3A_157, %dma_wait3A_158] : memref<20000x320xbf16, #tpu.memory_space<hbm>> -> memref<20000x320xbf16, #tpu.memory_space<hbm>>
      tpu.wait_indirect_dma semaphore(%arg14 : memref<!tpu.dma_semaphore, #tpu.memory_space<semaphore_mem>>) src(%dma_wait3A_159 : memref<20000x320xbf16, #tpu.memory_space<hbm>>) dst(%arg9 : memref<80x320xbf16, #tpu.memory_space<vmem>>)
      %run_scoped3A_160 = arith.constant 3 : i32
      %run_scoped3A_161 = arith.constant 1 : i32
      "tpu.region"() ({
        %run_scoped3A_403 = tpu.sem_alloc : memref<!tpu.dma_semaphore, #tpu.memory_space<semaphore_mem>>
        %dma_start3A_404 = arith.constant 0 : i32
        %dma_start3A_405 = tpu.memref_slice %arg6[%run_scoped3A_160, %run_scoped3A_161, %dma_start3A_404] : memref<8x2x80xi32, #tpu.memory_space<vmem>> -> memref<1x1x80xi32, #tpu.memory_space<vmem>>
        %dma_start3A_406 = tpu.memref_squeeze %dma_start3A_405 : memref<1x1x80xi32, #tpu.memory_space<vmem>> -> memref<80xi32, #tpu.memory_space<vmem>>
        %dma_start3A_407 = arith.constant 0 : i32
        %dma_start3A_408 = arith.constant 0 : i32
        %dma_start3A_409 = tpu.memref_slice %arg10[%dma_start3A_407, %dma_start3A_408] : memref<10112x320xbf16, #tpu.memory_space<vmem_shared>> -> memref<10112x320xbf16, #tpu.memory_space<vmem_shared>>
        tpu.enqueue_indirect_dma source(%arg9 : memref<80x320xbf16, #tpu.memory_space<vmem>>) target(%dma_start3A_409 : memref<10112x320xbf16, #tpu.memory_space<vmem_shared>>) offsets(%dma_start3A_406 : memref<80xi32, #tpu.memory_space<vmem>>) semaphore(%run_scoped3A_403 : memref<!tpu.dma_semaphore, #tpu.memory_space<semaphore_mem>>) {add = true}
        %dma_wait3A_410 = arith.constant 0 : i32
        %dma_wait3A_411 = tpu.memref_slice %arg6[%run_scoped3A_160, %run_scoped3A_161, %dma_wait3A_410] : memref<8x2x80xi32, #tpu.memory_space<vmem>> -> memref<1x1x80xi32, #tpu.memory_space<vmem>>
        %dma_wait3A_412 = tpu.memref_squeeze %dma_wait3A_411 : memref<1x1x80xi32, #tpu.memory_space<vmem>> -> memref<80xi32, #tpu.memory_space<vmem>>
        %dma_wait3A_413 = arith.constant 0 : i32
        %dma_wait3A_414 = arith.constant 0 : i32
        %dma_wait3A_415 = tpu.memref_slice %arg10[%dma_wait3A_413, %dma_wait3A_414] : memref<10112x320xbf16, #tpu.memory_space<vmem_shared>> -> memref<10112x320xbf16, #tpu.memory_space<vmem_shared>>
        tpu.wait_indirect_dma semaphore(%run_scoped3A_403 : memref<!tpu.dma_semaphore, #tpu.memory_space<semaphore_mem>>) src(%arg9 : memref<80x320xbf16, #tpu.memory_space<vmem>>) dst(%dma_wait3A_415 : memref<10112x320xbf16, #tpu.memory_space<vmem_shared>>)
        tpu.yield
      }) : () -> ()
      %dma_start3A_162 = arith.constant 5 : i32
      %dma_start3A_163 = arith.constant 0 : i32
      %dma_start3A_164 = arith.constant 0 : i32
      %dma_start3A_165 = tpu.memref_slice %arg6[%dma_start3A_162, %dma_start3A_163, %dma_start3A_164] : memref<8x2x80xi32, #tpu.memory_space<vmem>> -> memref<1x1x80xi32, #tpu.memory_space<vmem>>
      %dma_start3A_166 = tpu.memref_squeeze %dma_start3A_165 : memref<1x1x80xi32, #tpu.memory_space<vmem>> -> memref<80xi32, #tpu.memory_space<vmem>>
      %dma_start3A_167 = arith.constant 0 : i32
      %dma_start3A_168 = arith.constant 0 : i32
      %dma_start3A_169 = tpu.memref_slice %arg2[%dma_start3A_167, %dma_start3A_168] : memref<20000x320xbf16, #tpu.memory_space<hbm>> -> memref<20000x320xbf16, #tpu.memory_space<hbm>>
      tpu.enqueue_indirect_dma source(%dma_start3A_169 : memref<20000x320xbf16, #tpu.memory_space<hbm>>) target(%arg9 : memref<80x320xbf16, #tpu.memory_space<vmem>>) offsets(%dma_start3A_166 : memref<80xi32, #tpu.memory_space<vmem>>) semaphore(%arg14 : memref<!tpu.dma_semaphore, #tpu.memory_space<semaphore_mem>>)
      %dma_wait3A_170 = arith.constant 4 : i32
      %dma_wait3A_171 = arith.constant 0 : i32
      %dma_wait3A_172 = arith.constant 0 : i32
      %dma_wait3A_173 = tpu.memref_slice %arg6[%dma_wait3A_170, %dma_wait3A_171, %dma_wait3A_172] : memref<8x2x80xi32, #tpu.memory_space<vmem>> -> memref<1x1x80xi32, #tpu.memory_space<vmem>>
      %dma_wait3A_174 = tpu.memref_squeeze %dma_wait3A_173 : memref<1x1x80xi32, #tpu.memory_space<vmem>> -> memref<80xi32, #tpu.memory_space<vmem>>
      %dma_wait3A_175 = arith.constant 0 : i32
      %dma_wait3A_176 = arith.constant 0 : i32
      %dma_wait3A_177 = tpu.memref_slice %arg2[%dma_wait3A_175, %dma_wait3A_176] : memref<20000x320xbf16, #tpu.memory_space<hbm>> -> memref<20000x320xbf16, #tpu.memory_space<hbm>>
      tpu.wait_indirect_dma semaphore(%arg13 : memref<!tpu.dma_semaphore, #tpu.memory_space<semaphore_mem>>) src(%dma_wait3A_177 : memref<20000x320xbf16, #tpu.memory_space<hbm>>) dst(%arg8 : memref<80x320xbf16, #tpu.memory_space<vmem>>)
      %run_scoped3A_178 = arith.constant 4 : i32
      %run_scoped3A_179 = arith.constant 1 : i32
      "tpu.region"() ({
        %run_scoped3A_403 = tpu.sem_alloc : memref<!tpu.dma_semaphore, #tpu.memory_space<semaphore_mem>>
        %dma_start3A_404 = arith.constant 0 : i32
        %dma_start3A_405 = tpu.memref_slice %arg6[%run_scoped3A_178, %run_scoped3A_179, %dma_start3A_404] : memref<8x2x80xi32, #tpu.memory_space<vmem>> -> memref<1x1x80xi32, #tpu.memory_space<vmem>>
        %dma_start3A_406 = tpu.memref_squeeze %dma_start3A_405 : memref<1x1x80xi32, #tpu.memory_space<vmem>> -> memref<80xi32, #tpu.memory_space<vmem>>
        %dma_start3A_407 = arith.constant 0 : i32
        %dma_start3A_408 = arith.constant 0 : i32
        %dma_start3A_409 = tpu.memref_slice %arg10[%dma_start3A_407, %dma_start3A_408] : memref<10112x320xbf16, #tpu.memory_space<vmem_shared>> -> memref<10112x320xbf16, #tpu.memory_space<vmem_shared>>
        tpu.enqueue_indirect_dma source(%arg8 : memref<80x320xbf16, #tpu.memory_space<vmem>>) target(%dma_start3A_409 : memref<10112x320xbf16, #tpu.memory_space<vmem_shared>>) offsets(%dma_start3A_406 : memref<80xi32, #tpu.memory_space<vmem>>) semaphore(%run_scoped3A_403 : memref<!tpu.dma_semaphore, #tpu.memory_space<semaphore_mem>>) {add = true}
        %dma_wait3A_410 = arith.constant 0 : i32
        %dma_wait3A_411 = tpu.memref_slice %arg6[%run_scoped3A_178, %run_scoped3A_179, %dma_wait3A_410] : memref<8x2x80xi32, #tpu.memory_space<vmem>> -> memref<1x1x80xi32, #tpu.memory_space<vmem>>
        %dma_wait3A_412 = tpu.memref_squeeze %dma_wait3A_411 : memref<1x1x80xi32, #tpu.memory_space<vmem>> -> memref<80xi32, #tpu.memory_space<vmem>>
        %dma_wait3A_413 = arith.constant 0 : i32
        %dma_wait3A_414 = arith.constant 0 : i32
        %dma_wait3A_415 = tpu.memref_slice %arg10[%dma_wait3A_413, %dma_wait3A_414] : memref<10112x320xbf16, #tpu.memory_space<vmem_shared>> -> memref<10112x320xbf16, #tpu.memory_space<vmem_shared>>
        tpu.wait_indirect_dma semaphore(%run_scoped3A_403 : memref<!tpu.dma_semaphore, #tpu.memory_space<semaphore_mem>>) src(%arg8 : memref<80x320xbf16, #tpu.memory_space<vmem>>) dst(%dma_wait3A_415 : memref<10112x320xbf16, #tpu.memory_space<vmem_shared>>)
        tpu.yield
      }) : () -> ()
      %dma_start3A_180 = arith.constant 6 : i32
      %dma_start3A_181 = arith.constant 0 : i32
      %dma_start3A_182 = arith.constant 0 : i32
      %dma_start3A_183 = tpu.memref_slice %arg6[%dma_start3A_180, %dma_start3A_181, %dma_start3A_182] : memref<8x2x80xi32, #tpu.memory_space<vmem>> -> memref<1x1x80xi32, #tpu.memory_space<vmem>>
      %dma_start3A_184 = tpu.memref_squeeze %dma_start3A_183 : memref<1x1x80xi32, #tpu.memory_space<vmem>> -> memref<80xi32, #tpu.memory_space<vmem>>
      %dma_start3A_185 = arith.constant 0 : i32
      %dma_start3A_186 = arith.constant 0 : i32
      %dma_start3A_187 = tpu.memref_slice %arg2[%dma_start3A_185, %dma_start3A_186] : memref<20000x320xbf16, #tpu.memory_space<hbm>> -> memref<20000x320xbf16, #tpu.memory_space<hbm>>
      tpu.enqueue_indirect_dma source(%dma_start3A_187 : memref<20000x320xbf16, #tpu.memory_space<hbm>>) target(%arg8 : memref<80x320xbf16, #tpu.memory_space<vmem>>) offsets(%dma_start3A_184 : memref<80xi32, #tpu.memory_space<vmem>>) semaphore(%arg13 : memref<!tpu.dma_semaphore, #tpu.memory_space<semaphore_mem>>)
      %dma_wait3A_188 = arith.constant 5 : i32
      %dma_wait3A_189 = arith.constant 0 : i32
      %dma_wait3A_190 = arith.constant 0 : i32
      %dma_wait3A_191 = tpu.memref_slice %arg6[%dma_wait3A_188, %dma_wait3A_189, %dma_wait3A_190] : memref<8x2x80xi32, #tpu.memory_space<vmem>> -> memref<1x1x80xi32, #tpu.memory_space<vmem>>
      %dma_wait3A_192 = tpu.memref_squeeze %dma_wait3A_191 : memref<1x1x80xi32, #tpu.memory_space<vmem>> -> memref<80xi32, #tpu.memory_space<vmem>>
      %dma_wait3A_193 = arith.constant 0 : i32
      %dma_wait3A_194 = arith.constant 0 : i32
      %dma_wait3A_195 = tpu.memref_slice %arg2[%dma_wait3A_193, %dma_wait3A_194] : memref<20000x320xbf16, #tpu.memory_space<hbm>> -> memref<20000x320xbf16, #tpu.memory_space<hbm>>
      tpu.wait_indirect_dma semaphore(%arg14 : memref<!tpu.dma_semaphore, #tpu.memory_space<semaphore_mem>>) src(%dma_wait3A_195 : memref<20000x320xbf16, #tpu.memory_space<hbm>>) dst(%arg9 : memref<80x320xbf16, #tpu.memory_space<vmem>>)
      %run_scoped3A_196 = arith.constant 5 : i32
      %run_scoped3A_197 = arith.constant 1 : i32
      "tpu.region"() ({
        %run_scoped3A_403 = tpu.sem_alloc : memref<!tpu.dma_semaphore, #tpu.memory_space<semaphore_mem>>
        %dma_start3A_404 = arith.constant 0 : i32
        %dma_start3A_405 = tpu.memref_slice %arg6[%run_scoped3A_196, %run_scoped3A_197, %dma_start3A_404] : memref<8x2x80xi32, #tpu.memory_space<vmem>> -> memref<1x1x80xi32, #tpu.memory_space<vmem>>
        %dma_start3A_406 = tpu.memref_squeeze %dma_start3A_405 : memref<1x1x80xi32, #tpu.memory_space<vmem>> -> memref<80xi32, #tpu.memory_space<vmem>>
        %dma_start3A_407 = arith.constant 0 : i32
        %dma_start3A_408 = arith.constant 0 : i32
        %dma_start3A_409 = tpu.memref_slice %arg10[%dma_start3A_407, %dma_start3A_408] : memref<10112x320xbf16, #tpu.memory_space<vmem_shared>> -> memref<10112x320xbf16, #tpu.memory_space<vmem_shared>>
        tpu.enqueue_indirect_dma source(%arg9 : memref<80x320xbf16, #tpu.memory_space<vmem>>) target(%dma_start3A_409 : memref<10112x320xbf16, #tpu.memory_space<vmem_shared>>) offsets(%dma_start3A_406 : memref<80xi32, #tpu.memory_space<vmem>>) semaphore(%run_scoped3A_403 : memref<!tpu.dma_semaphore, #tpu.memory_space<semaphore_mem>>) {add = true}
        %dma_wait3A_410 = arith.constant 0 : i32
        %dma_wait3A_411 = tpu.memref_slice %arg6[%run_scoped3A_196, %run_scoped3A_197, %dma_wait3A_410] : memref<8x2x80xi32, #tpu.memory_space<vmem>> -> memref<1x1x80xi32, #tpu.memory_space<vmem>>
        %dma_wait3A_412 = tpu.memref_squeeze %dma_wait3A_411 : memref<1x1x80xi32, #tpu.memory_space<vmem>> -> memref<80xi32, #tpu.memory_space<vmem>>
        %dma_wait3A_413 = arith.constant 0 : i32
        %dma_wait3A_414 = arith.constant 0 : i32
        %dma_wait3A_415 = tpu.memref_slice %arg10[%dma_wait3A_413, %dma_wait3A_414] : memref<10112x320xbf16, #tpu.memory_space<vmem_shared>> -> memref<10112x320xbf16, #tpu.memory_space<vmem_shared>>
        tpu.wait_indirect_dma semaphore(%run_scoped3A_403 : memref<!tpu.dma_semaphore, #tpu.memory_space<semaphore_mem>>) src(%arg9 : memref<80x320xbf16, #tpu.memory_space<vmem>>) dst(%dma_wait3A_415 : memref<10112x320xbf16, #tpu.memory_space<vmem_shared>>)
        tpu.yield
      }) : () -> ()
      %dma_start3A_198 = arith.constant 7 : i32
      %dma_start3A_199 = arith.constant 0 : i32
      %dma_start3A_200 = arith.constant 0 : i32
      %dma_start3A_201 = tpu.memref_slice %arg6[%dma_start3A_198, %dma_start3A_199, %dma_start3A_200] : memref<8x2x80xi32, #tpu.memory_space<vmem>> -> memref<1x1x80xi32, #tpu.memory_space<vmem>>
      %dma_start3A_202 = tpu.memref_squeeze %dma_start3A_201 : memref<1x1x80xi32, #tpu.memory_space<vmem>> -> memref<80xi32, #tpu.memory_space<vmem>>
      %dma_start3A_203 = arith.constant 0 : i32
      %dma_start3A_204 = arith.constant 0 : i32
      %dma_start3A_205 = tpu.memref_slice %arg2[%dma_start3A_203, %dma_start3A_204] : memref<20000x320xbf16, #tpu.memory_space<hbm>> -> memref<20000x320xbf16, #tpu.memory_space<hbm>>
      tpu.enqueue_indirect_dma source(%dma_start3A_205 : memref<20000x320xbf16, #tpu.memory_space<hbm>>) target(%arg9 : memref<80x320xbf16, #tpu.memory_space<vmem>>) offsets(%dma_start3A_202 : memref<80xi32, #tpu.memory_space<vmem>>) semaphore(%arg14 : memref<!tpu.dma_semaphore, #tpu.memory_space<semaphore_mem>>)
      %dma_wait3A_206 = arith.constant 6 : i32
      %dma_wait3A_207 = arith.constant 0 : i32
      %dma_wait3A_208 = arith.constant 0 : i32
      %dma_wait3A_209 = tpu.memref_slice %arg6[%dma_wait3A_206, %dma_wait3A_207, %dma_wait3A_208] : memref<8x2x80xi32, #tpu.memory_space<vmem>> -> memref<1x1x80xi32, #tpu.memory_space<vmem>>
      %dma_wait3A_210 = tpu.memref_squeeze %dma_wait3A_209 : memref<1x1x80xi32, #tpu.memory_space<vmem>> -> memref<80xi32, #tpu.memory_space<vmem>>
      %dma_wait3A_211 = arith.constant 0 : i32
      %dma_wait3A_212 = arith.constant 0 : i32
      %dma_wait3A_213 = tpu.memref_slice %arg2[%dma_wait3A_211, %dma_wait3A_212] : memref<20000x320xbf16, #tpu.memory_space<hbm>> -> memref<20000x320xbf16, #tpu.memory_space<hbm>>
      tpu.wait_indirect_dma semaphore(%arg13 : memref<!tpu.dma_semaphore, #tpu.memory_space<semaphore_mem>>) src(%dma_wait3A_213 : memref<20000x320xbf16, #tpu.memory_space<hbm>>) dst(%arg8 : memref<80x320xbf16, #tpu.memory_space<vmem>>)
      %run_scoped3A_214 = arith.constant 6 : i32
      %run_scoped3A_215 = arith.constant 1 : i32
      "tpu.region"() ({
        %run_scoped3A_403 = tpu.sem_alloc : memref<!tpu.dma_semaphore, #tpu.memory_space<semaphore_mem>>
        %dma_start3A_404 = arith.constant 0 : i32
        %dma_start3A_405 = tpu.memref_slice %arg6[%run_scoped3A_214, %run_scoped3A_215, %dma_start3A_404] : memref<8x2x80xi32, #tpu.memory_space<vmem>> -> memref<1x1x80xi32, #tpu.memory_space<vmem>>
        %dma_start3A_406 = tpu.memref_squeeze %dma_start3A_405 : memref<1x1x80xi32, #tpu.memory_space<vmem>> -> memref<80xi32, #tpu.memory_space<vmem>>
        %dma_start3A_407 = arith.constant 0 : i32
        %dma_start3A_408 = arith.constant 0 : i32
        %dma_start3A_409 = tpu.memref_slice %arg10[%dma_start3A_407, %dma_start3A_408] : memref<10112x320xbf16, #tpu.memory_space<vmem_shared>> -> memref<10112x320xbf16, #tpu.memory_space<vmem_shared>>
        tpu.enqueue_indirect_dma source(%arg8 : memref<80x320xbf16, #tpu.memory_space<vmem>>) target(%dma_start3A_409 : memref<10112x320xbf16, #tpu.memory_space<vmem_shared>>) offsets(%dma_start3A_406 : memref<80xi32, #tpu.memory_space<vmem>>) semaphore(%run_scoped3A_403 : memref<!tpu.dma_semaphore, #tpu.memory_space<semaphore_mem>>) {add = true}
        %dma_wait3A_410 = arith.constant 0 : i32
        %dma_wait3A_411 = tpu.memref_slice %arg6[%run_scoped3A_214, %run_scoped3A_215, %dma_wait3A_410] : memref<8x2x80xi32, #tpu.memory_space<vmem>> -> memref<1x1x80xi32, #tpu.memory_space<vmem>>
        %dma_wait3A_412 = tpu.memref_squeeze %dma_wait3A_411 : memref<1x1x80xi32, #tpu.memory_space<vmem>> -> memref<80xi32, #tpu.memory_space<vmem>>
        %dma_wait3A_413 = arith.constant 0 : i32
        %dma_wait3A_414 = arith.constant 0 : i32
        %dma_wait3A_415 = tpu.memref_slice %arg10[%dma_wait3A_413, %dma_wait3A_414] : memref<10112x320xbf16, #tpu.memory_space<vmem_shared>> -> memref<10112x320xbf16, #tpu.memory_space<vmem_shared>>
        tpu.wait_indirect_dma semaphore(%run_scoped3A_403 : memref<!tpu.dma_semaphore, #tpu.memory_space<semaphore_mem>>) src(%arg8 : memref<80x320xbf16, #tpu.memory_space<vmem>>) dst(%dma_wait3A_415 : memref<10112x320xbf16, #tpu.memory_space<vmem_shared>>)
        tpu.yield
      }) : () -> ()
      %dma_wait3A_216 = arith.constant 7 : i32
      %dma_wait3A_217 = arith.constant 0 : i32
      %dma_wait3A_218 = arith.constant 0 : i32
      %dma_wait3A_219 = tpu.memref_slice %arg6[%dma_wait3A_216, %dma_wait3A_217, %dma_wait3A_218] : memref<8x2x80xi32, #tpu.memory_space<vmem>> -> memref<1x1x80xi32, #tpu.memory_space<vmem>>
      %dma_wait3A_220 = tpu.memref_squeeze %dma_wait3A_219 : memref<1x1x80xi32, #tpu.memory_space<vmem>> -> memref<80xi32, #tpu.memory_space<vmem>>
      %dma_wait3A_221 = arith.constant 0 : i32
      %dma_wait3A_222 = arith.constant 0 : i32
      %dma_wait3A_223 = tpu.memref_slice %arg2[%dma_wait3A_221, %dma_wait3A_222] : memref<20000x320xbf16, #tpu.memory_space<hbm>> -> memref<20000x320xbf16, #tpu.memory_space<hbm>>
      tpu.wait_indirect_dma semaphore(%arg14 : memref<!tpu.dma_semaphore, #tpu.memory_space<semaphore_mem>>) src(%dma_wait3A_223 : memref<20000x320xbf16, #tpu.memory_space<hbm>>) dst(%arg9 : memref<80x320xbf16, #tpu.memory_space<vmem>>)
      %run_scoped3A_224 = arith.constant 7 : i32
      %run_scoped3A_225 = arith.constant 1 : i32
      "tpu.region"() ({
        %run_scoped3A_403 = tpu.sem_alloc : memref<!tpu.dma_semaphore, #tpu.memory_space<semaphore_mem>>
        %dma_start3A_404 = arith.constant 0 : i32
        %dma_start3A_405 = tpu.memref_slice %arg6[%run_scoped3A_224, %run_scoped3A_225, %dma_start3A_404] : memref<8x2x80xi32, #tpu.memory_space<vmem>> -> memref<1x1x80xi32, #tpu.memory_space<vmem>>
        %dma_start3A_406 = tpu.memref_squeeze %dma_start3A_405 : memref<1x1x80xi32, #tpu.memory_space<vmem>> -> memref<80xi32, #tpu.memory_space<vmem>>
        %dma_start3A_407 = arith.constant 0 : i32
        %dma_start3A_408 = arith.constant 0 : i32
        %dma_start3A_409 = tpu.memref_slice %arg10[%dma_start3A_407, %dma_start3A_408] : memref<10112x320xbf16, #tpu.memory_space<vmem_shared>> -> memref<10112x320xbf16, #tpu.memory_space<vmem_shared>>
        tpu.enqueue_indirect_dma source(%arg9 : memref<80x320xbf16, #tpu.memory_space<vmem>>) target(%dma_start3A_409 : memref<10112x320xbf16, #tpu.memory_space<vmem_shared>>) offsets(%dma_start3A_406 : memref<80xi32, #tpu.memory_space<vmem>>) semaphore(%run_scoped3A_403 : memref<!tpu.dma_semaphore, #tpu.memory_space<semaphore_mem>>) {add = true}
        %dma_wait3A_410 = arith.constant 0 : i32
        %dma_wait3A_411 = tpu.memref_slice %arg6[%run_scoped3A_224, %run_scoped3A_225, %dma_wait3A_410] : memref<8x2x80xi32, #tpu.memory_space<vmem>> -> memref<1x1x80xi32, #tpu.memory_space<vmem>>
        %dma_wait3A_412 = tpu.memref_squeeze %dma_wait3A_411 : memref<1x1x80xi32, #tpu.memory_space<vmem>> -> memref<80xi32, #tpu.memory_space<vmem>>
        %dma_wait3A_413 = arith.constant 0 : i32
        %dma_wait3A_414 = arith.constant 0 : i32
        %dma_wait3A_415 = tpu.memref_slice %arg10[%dma_wait3A_413, %dma_wait3A_414] : memref<10112x320xbf16, #tpu.memory_space<vmem_shared>> -> memref<10112x320xbf16, #tpu.memory_space<vmem_shared>>
        tpu.wait_indirect_dma semaphore(%run_scoped3A_403 : memref<!tpu.dma_semaphore, #tpu.memory_space<semaphore_mem>>) src(%arg9 : memref<80x320xbf16, #tpu.memory_space<vmem>>) dst(%dma_wait3A_415 : memref<10112x320xbf16, #tpu.memory_space<vmem_shared>>)
        tpu.yield
      }) : () -> ()
      %convert_element_type3A = arith.extui %lt3A_57 : i1 to i32
      %cond3A = arith.constant 0 : i32
      %cond3A_226 = arith.cmpi ne, %convert_element_type3A, %cond3A : i32
      scf.if %cond3A_226 {
        %add3A_403 = arith.constant 2 : i32
        %add3A_404 = arith.addi %mul3A_82, %add3A_403 : i32
        %dma_start3A_405 = arith.constant 0 : i32
        %dma_start3A_406 = arith.constant 0 : i32
        %dma_start3A_407 = arith.constant 0 : i32
        %dma_start3A_408 = arith.constant 0 : i32
        %dma_start3A_409 = tpu.memref_slice %arg3[%arg0, %arg1, %dma_start3A_405, %dma_start3A_406, %dma_start3A_407, %dma_start3A_408] : memref<2x16x8x8x2x80xi32, #tpu.memory_space<hbm>> -> memref<1x1x8x8x2x80xi32, #tpu.memory_space<hbm>>
        %dma_start3A_410 = tpu.memref_squeeze %dma_start3A_409 : memref<1x1x8x8x2x80xi32, #tpu.memory_space<hbm>> -> memref<8x8x2x80xi32, #tpu.memory_space<hbm>>
        %dma_start3A_411 = arith.constant 0 : i32
        %dma_start3A_412 = arith.constant 0 : i32
        %dma_start3A_413 = arith.constant 0 : i32
        %dma_start3A_414 = tpu.memref_slice %dma_start3A_410[%add3A_404, %dma_start3A_411, %dma_start3A_412, %dma_start3A_413] : memref<8x8x2x80xi32, #tpu.memory_space<hbm>> -> memref<1x8x2x80xi32, #tpu.memory_space<hbm>>
        %dma_start3A_415 = tpu.memref_squeeze %dma_start3A_414 : memref<1x8x2x80xi32, #tpu.memory_space<hbm>> -> memref<8x2x80xi32, #tpu.memory_space<hbm>>
        %dma_start3A_416 = arith.constant 0 : i32
        %dma_start3A_417 = arith.constant 0 : i32
        %dma_start3A_418 = arith.constant 0 : i32
        %dma_start3A_419 = arith.constant 0 : i32
        %dma_start3A_420 = tpu.memref_slice %arg3[%arg0, %arg1, %dma_start3A_416, %dma_start3A_417, %dma_start3A_418, %dma_start3A_419] : memref<2x16x8x8x2x80xi32, #tpu.memory_space<hbm>> -> memref<1x1x8x8x2x80xi32, #tpu.memory_space<hbm>>
        %dma_start3A_421 = tpu.memref_squeeze %dma_start3A_420 : memref<1x1x8x8x2x80xi32, #tpu.memory_space<hbm>> -> memref<8x8x2x80xi32, #tpu.memory_space<hbm>>
        %dma_start3A_422 = arith.constant 0 : i32
        %dma_start3A_423 = arith.constant 0 : i32
        %dma_start3A_424 = arith.constant 0 : i32
        %dma_start3A_425 = tpu.memref_slice %dma_start3A_421[%add3A_404, %dma_start3A_422, %dma_start3A_423, %dma_start3A_424] : memref<8x8x2x80xi32, #tpu.memory_space<hbm>> -> memref<1x8x2x80xi32, #tpu.memory_space<hbm>>
        %dma_start3A_426 = tpu.memref_squeeze %dma_start3A_425 : memref<1x8x2x80xi32, #tpu.memory_space<hbm>> -> memref<8x2x80xi32, #tpu.memory_space<hbm>>
        tpu.enqueue_dma source(%dma_start3A_426 : memref<8x2x80xi32, #tpu.memory_space<hbm>>) target(%arg6 : memref<8x2x80xi32, #tpu.memory_space<vmem>>) target_semaphore(%arg11 : memref<!tpu.dma_semaphore, #tpu.memory_space<semaphore_mem>>)
      } else {
      }
      %mul3A_227 = arith.constant 2 : i32
      %mul3A_228 = arith.muli %mul3A_227, %scan3A_56 : i32
      %add3A = arith.constant 1 : i32
      %add3A_229 = arith.addi %mul3A_228, %add3A : i32
      %dma_wait3A_230 = arith.constant 0 : i32
      %dma_wait3A_231 = arith.constant 0 : i32
      %dma_wait3A_232 = arith.constant 0 : i32
      %dma_wait3A_233 = arith.constant 0 : i32
      %dma_wait3A_234 = tpu.memref_slice %arg3[%arg0, %arg1, %dma_wait3A_230, %dma_wait3A_231, %dma_wait3A_232, %dma_wait3A_233] : memref<2x16x8x8x2x80xi32, #tpu.memory_space<hbm>> -> memref<1x1x8x8x2x80xi32, #tpu.memory_space<hbm>>
      %dma_wait3A_235 = tpu.memref_squeeze %dma_wait3A_234 : memref<1x1x8x8x2x80xi32, #tpu.memory_space<hbm>> -> memref<8x8x2x80xi32, #tpu.memory_space<hbm>>
      %dma_wait3A_236 = arith.constant 0 : i32
      %dma_wait3A_237 = arith.constant 0 : i32
      %dma_wait3A_238 = arith.constant 0 : i32
      %dma_wait3A_239 = tpu.memref_slice %dma_wait3A_235[%add3A_229, %dma_wait3A_236, %dma_wait3A_237, %dma_wait3A_238] : memref<8x8x2x80xi32, #tpu.memory_space<hbm>> -> memref<1x8x2x80xi32, #tpu.memory_space<hbm>>
      %dma_wait3A_240 = tpu.memref_squeeze %dma_wait3A_239 : memref<1x8x2x80xi32, #tpu.memory_space<hbm>> -> memref<8x2x80xi32, #tpu.memory_space<hbm>>
      %dma_wait3A_241 = arith.constant 0 : i32
      %dma_wait3A_242 = arith.constant 0 : i32
      %dma_wait3A_243 = arith.constant 0 : i32
      %dma_wait3A_244 = arith.constant 0 : i32
      %dma_wait3A_245 = tpu.memref_slice %arg3[%arg0, %arg1, %dma_wait3A_241, %dma_wait3A_242, %dma_wait3A_243, %dma_wait3A_244] : memref<2x16x8x8x2x80xi32, #tpu.memory_space<hbm>> -> memref<1x1x8x8x2x80xi32, #tpu.memory_space<hbm>>
      %dma_wait3A_246 = tpu.memref_squeeze %dma_wait3A_245 : memref<1x1x8x8x2x80xi32, #tpu.memory_space<hbm>> -> memref<8x8x2x80xi32, #tpu.memory_space<hbm>>
      %dma_wait3A_247 = arith.constant 0 : i32
      %dma_wait3A_248 = arith.constant 0 : i32
      %dma_wait3A_249 = arith.constant 0 : i32
      %dma_wait3A_250 = tpu.memref_slice %dma_wait3A_246[%add3A_229, %dma_wait3A_247, %dma_wait3A_248, %dma_wait3A_249] : memref<8x8x2x80xi32, #tpu.memory_space<hbm>> -> memref<1x8x2x80xi32, #tpu.memory_space<hbm>>
      %dma_wait3A_251 = tpu.memref_squeeze %dma_wait3A_250 : memref<1x8x2x80xi32, #tpu.memory_space<hbm>> -> memref<8x2x80xi32, #tpu.memory_space<hbm>>
      tpu.wait_dma2 semaphore(%arg12 : memref<!tpu.dma_semaphore, #tpu.memory_space<semaphore_mem>>) src(%dma_wait3A_251 : memref<8x2x80xi32, #tpu.memory_space<hbm>>) dst(%arg7 : memref<8x2x80xi32, #tpu.memory_space<vmem>>)
      %mul3A_252 = arith.constant 2 : i32
      %mul3A_253 = arith.muli %mul3A_252, %scan3A_56 : i32
      %add3A_254 = arith.constant 1 : i32
      %add3A_255 = arith.addi %mul3A_253, %add3A_254 : i32
      %dma_start3A_256 = arith.constant 0 : i32
      %dma_start3A_257 = arith.constant 0 : i32
      %dma_start3A_258 = arith.constant 0 : i32
      %dma_start3A_259 = tpu.memref_slice %arg7[%dma_start3A_256, %dma_start3A_257, %dma_start3A_258] : memref<8x2x80xi32, #tpu.memory_space<vmem>> -> memref<1x1x80xi32, #tpu.memory_space<vmem>>
      %dma_start3A_260 = tpu.memref_squeeze %dma_start3A_259 : memref<1x1x80xi32, #tpu.memory_space<vmem>> -> memref<80xi32, #tpu.memory_space<vmem>>
      %dma_start3A_261 = arith.constant 0 : i32
      %dma_start3A_262 = arith.constant 0 : i32
      %dma_start3A_263 = tpu.memref_slice %arg2[%dma_start3A_261, %dma_start3A_262] : memref<20000x320xbf16, #tpu.memory_space<hbm>> -> memref<20000x320xbf16, #tpu.memory_space<hbm>>
      tpu.enqueue_indirect_dma source(%dma_start3A_263 : memref<20000x320xbf16, #tpu.memory_space<hbm>>) target(%arg8 : memref<80x320xbf16, #tpu.memory_space<vmem>>) offsets(%dma_start3A_260 : memref<80xi32, #tpu.memory_space<vmem>>) semaphore(%arg13 : memref<!tpu.dma_semaphore, #tpu.memory_space<semaphore_mem>>)
      %dma_start3A_264 = arith.constant 1 : i32
      %dma_start3A_265 = arith.constant 0 : i32
      %dma_start3A_266 = arith.constant 0 : i32
      %dma_start3A_267 = tpu.memref_slice %arg7[%dma_start3A_264, %dma_start3A_265, %dma_start3A_266] : memref<8x2x80xi32, #tpu.memory_space<vmem>> -> memref<1x1x80xi32, #tpu.memory_space<vmem>>
      %dma_start3A_268 = tpu.memref_squeeze %dma_start3A_267 : memref<1x1x80xi32, #tpu.memory_space<vmem>> -> memref<80xi32, #tpu.memory_space<vmem>>
      %dma_start3A_269 = arith.constant 0 : i32
      %dma_start3A_270 = arith.constant 0 : i32
      %dma_start3A_271 = tpu.memref_slice %arg2[%dma_start3A_269, %dma_start3A_270] : memref<20000x320xbf16, #tpu.memory_space<hbm>> -> memref<20000x320xbf16, #tpu.memory_space<hbm>>
      tpu.enqueue_indirect_dma source(%dma_start3A_271 : memref<20000x320xbf16, #tpu.memory_space<hbm>>) target(%arg9 : memref<80x320xbf16, #tpu.memory_space<vmem>>) offsets(%dma_start3A_268 : memref<80xi32, #tpu.memory_space<vmem>>) semaphore(%arg14 : memref<!tpu.dma_semaphore, #tpu.memory_space<semaphore_mem>>)
      %dma_wait3A_272 = arith.constant 0 : i32
      %dma_wait3A_273 = arith.constant 0 : i32
      %dma_wait3A_274 = arith.constant 0 : i32
      %dma_wait3A_275 = tpu.memref_slice %arg7[%dma_wait3A_272, %dma_wait3A_273, %dma_wait3A_274] : memref<8x2x80xi32, #tpu.memory_space<vmem>> -> memref<1x1x80xi32, #tpu.memory_space<vmem>>
      %dma_wait3A_276 = tpu.memref_squeeze %dma_wait3A_275 : memref<1x1x80xi32, #tpu.memory_space<vmem>> -> memref<80xi32, #tpu.memory_space<vmem>>
      %dma_wait3A_277 = arith.constant 0 : i32
      %dma_wait3A_278 = arith.constant 0 : i32
      %dma_wait3A_279 = tpu.memref_slice %arg2[%dma_wait3A_277, %dma_wait3A_278] : memref<20000x320xbf16, #tpu.memory_space<hbm>> -> memref<20000x320xbf16, #tpu.memory_space<hbm>>
      tpu.wait_indirect_dma semaphore(%arg13 : memref<!tpu.dma_semaphore, #tpu.memory_space<semaphore_mem>>) src(%dma_wait3A_279 : memref<20000x320xbf16, #tpu.memory_space<hbm>>) dst(%arg8 : memref<80x320xbf16, #tpu.memory_space<vmem>>)
      %run_scoped3A_280 = arith.constant 0 : i32
      %run_scoped3A_281 = arith.constant 1 : i32
      "tpu.region"() ({
        %run_scoped3A_403 = tpu.sem_alloc : memref<!tpu.dma_semaphore, #tpu.memory_space<semaphore_mem>>
        %dma_start3A_404 = arith.constant 0 : i32
        %dma_start3A_405 = tpu.memref_slice %arg7[%run_scoped3A_280, %run_scoped3A_281, %dma_start3A_404] : memref<8x2x80xi32, #tpu.memory_space<vmem>> -> memref<1x1x80xi32, #tpu.memory_space<vmem>>
        %dma_start3A_406 = tpu.memref_squeeze %dma_start3A_405 : memref<1x1x80xi32, #tpu.memory_space<vmem>> -> memref<80xi32, #tpu.memory_space<vmem>>
        %dma_start3A_407 = arith.constant 0 : i32
        %dma_start3A_408 = arith.constant 0 : i32
        %dma_start3A_409 = tpu.memref_slice %arg10[%dma_start3A_407, %dma_start3A_408] : memref<10112x320xbf16, #tpu.memory_space<vmem_shared>> -> memref<10112x320xbf16, #tpu.memory_space<vmem_shared>>
        tpu.enqueue_indirect_dma source(%arg8 : memref<80x320xbf16, #tpu.memory_space<vmem>>) target(%dma_start3A_409 : memref<10112x320xbf16, #tpu.memory_space<vmem_shared>>) offsets(%dma_start3A_406 : memref<80xi32, #tpu.memory_space<vmem>>) semaphore(%run_scoped3A_403 : memref<!tpu.dma_semaphore, #tpu.memory_space<semaphore_mem>>) {add = true}
        %dma_wait3A_410 = arith.constant 0 : i32
        %dma_wait3A_411 = tpu.memref_slice %arg7[%run_scoped3A_280, %run_scoped3A_281, %dma_wait3A_410] : memref<8x2x80xi32, #tpu.memory_space<vmem>> -> memref<1x1x80xi32, #tpu.memory_space<vmem>>
        %dma_wait3A_412 = tpu.memref_squeeze %dma_wait3A_411 : memref<1x1x80xi32, #tpu.memory_space<vmem>> -> memref<80xi32, #tpu.memory_space<vmem>>
        %dma_wait3A_413 = arith.constant 0 : i32
        %dma_wait3A_414 = arith.constant 0 : i32
        %dma_wait3A_415 = tpu.memref_slice %arg10[%dma_wait3A_413, %dma_wait3A_414] : memref<10112x320xbf16, #tpu.memory_space<vmem_shared>> -> memref<10112x320xbf16, #tpu.memory_space<vmem_shared>>
        tpu.wait_indirect_dma semaphore(%run_scoped3A_403 : memref<!tpu.dma_semaphore, #tpu.memory_space<semaphore_mem>>) src(%arg8 : memref<80x320xbf16, #tpu.memory_space<vmem>>) dst(%dma_wait3A_415 : memref<10112x320xbf16, #tpu.memory_space<vmem_shared>>)
        tpu.yield
      }) : () -> ()
      %dma_start3A_282 = arith.constant 2 : i32
      %dma_start3A_283 = arith.constant 0 : i32
      %dma_start3A_284 = arith.constant 0 : i32
      %dma_start3A_285 = tpu.memref_slice %arg7[%dma_start3A_282, %dma_start3A_283, %dma_start3A_284] : memref<8x2x80xi32, #tpu.memory_space<vmem>> -> memref<1x1x80xi32, #tpu.memory_space<vmem>>
      %dma_start3A_286 = tpu.memref_squeeze %dma_start3A_285 : memref<1x1x80xi32, #tpu.memory_space<vmem>> -> memref<80xi32, #tpu.memory_space<vmem>>
      %dma_start3A_287 = arith.constant 0 : i32
      %dma_start3A_288 = arith.constant 0 : i32
      %dma_start3A_289 = tpu.memref_slice %arg2[%dma_start3A_287, %dma_start3A_288] : memref<20000x320xbf16, #tpu.memory_space<hbm>> -> memref<20000x320xbf16, #tpu.memory_space<hbm>>
      tpu.enqueue_indirect_dma source(%dma_start3A_289 : memref<20000x320xbf16, #tpu.memory_space<hbm>>) target(%arg8 : memref<80x320xbf16, #tpu.memory_space<vmem>>) offsets(%dma_start3A_286 : memref<80xi32, #tpu.memory_space<vmem>>) semaphore(%arg13 : memref<!tpu.dma_semaphore, #tpu.memory_space<semaphore_mem>>)
      %dma_wait3A_290 = arith.constant 1 : i32
      %dma_wait3A_291 = arith.constant 0 : i32
      %dma_wait3A_292 = arith.constant 0 : i32
      %dma_wait3A_293 = tpu.memref_slice %arg7[%dma_wait3A_290, %dma_wait3A_291, %dma_wait3A_292] : memref<8x2x80xi32, #tpu.memory_space<vmem>> -> memref<1x1x80xi32, #tpu.memory_space<vmem>>
      %dma_wait3A_294 = tpu.memref_squeeze %dma_wait3A_293 : memref<1x1x80xi32, #tpu.memory_space<vmem>> -> memref<80xi32, #tpu.memory_space<vmem>>
      %dma_wait3A_295 = arith.constant 0 : i32
      %dma_wait3A_296 = arith.constant 0 : i32
      %dma_wait3A_297 = tpu.memref_slice %arg2[%dma_wait3A_295, %dma_wait3A_296] : memref<20000x320xbf16, #tpu.memory_space<hbm>> -> memref<20000x320xbf16, #tpu.memory_space<hbm>>
      tpu.wait_indirect_dma semaphore(%arg14 : memref<!tpu.dma_semaphore, #tpu.memory_space<semaphore_mem>>) src(%dma_wait3A_297 : memref<20000x320xbf16, #tpu.memory_space<hbm>>) dst(%arg9 : memref<80x320xbf16, #tpu.memory_space<vmem>>)
      %run_scoped3A_298 = arith.constant 1 : i32
      %run_scoped3A_299 = arith.constant 1 : i32
      "tpu.region"() ({
        %run_scoped3A_403 = tpu.sem_alloc : memref<!tpu.dma_semaphore, #tpu.memory_space<semaphore_mem>>
        %dma_start3A_404 = arith.constant 0 : i32
        %dma_start3A_405 = tpu.memref_slice %arg7[%run_scoped3A_298, %run_scoped3A_299, %dma_start3A_404] : memref<8x2x80xi32, #tpu.memory_space<vmem>> -> memref<1x1x80xi32, #tpu.memory_space<vmem>>
        %dma_start3A_406 = tpu.memref_squeeze %dma_start3A_405 : memref<1x1x80xi32, #tpu.memory_space<vmem>> -> memref<80xi32, #tpu.memory_space<vmem>>
        %dma_start3A_407 = arith.constant 0 : i32
        %dma_start3A_408 = arith.constant 0 : i32
        %dma_start3A_409 = tpu.memref_slice %arg10[%dma_start3A_407, %dma_start3A_408] : memref<10112x320xbf16, #tpu.memory_space<vmem_shared>> -> memref<10112x320xbf16, #tpu.memory_space<vmem_shared>>
        tpu.enqueue_indirect_dma source(%arg9 : memref<80x320xbf16, #tpu.memory_space<vmem>>) target(%dma_start3A_409 : memref<10112x320xbf16, #tpu.memory_space<vmem_shared>>) offsets(%dma_start3A_406 : memref<80xi32, #tpu.memory_space<vmem>>) semaphore(%run_scoped3A_403 : memref<!tpu.dma_semaphore, #tpu.memory_space<semaphore_mem>>) {add = true}
        %dma_wait3A_410 = arith.constant 0 : i32
        %dma_wait3A_411 = tpu.memref_slice %arg7[%run_scoped3A_298, %run_scoped3A_299, %dma_wait3A_410] : memref<8x2x80xi32, #tpu.memory_space<vmem>> -> memref<1x1x80xi32, #tpu.memory_space<vmem>>
        %dma_wait3A_412 = tpu.memref_squeeze %dma_wait3A_411 : memref<1x1x80xi32, #tpu.memory_space<vmem>> -> memref<80xi32, #tpu.memory_space<vmem>>
        %dma_wait3A_413 = arith.constant 0 : i32
        %dma_wait3A_414 = arith.constant 0 : i32
        %dma_wait3A_415 = tpu.memref_slice %arg10[%dma_wait3A_413, %dma_wait3A_414] : memref<10112x320xbf16, #tpu.memory_space<vmem_shared>> -> memref<10112x320xbf16, #tpu.memory_space<vmem_shared>>
        tpu.wait_indirect_dma semaphore(%run_scoped3A_403 : memref<!tpu.dma_semaphore, #tpu.memory_space<semaphore_mem>>) src(%arg9 : memref<80x320xbf16, #tpu.memory_space<vmem>>) dst(%dma_wait3A_415 : memref<10112x320xbf16, #tpu.memory_space<vmem_shared>>)
        tpu.yield
      }) : () -> ()
      %dma_start3A_300 = arith.constant 3 : i32
      %dma_start3A_301 = arith.constant 0 : i32
      %dma_start3A_302 = arith.constant 0 : i32
      %dma_start3A_303 = tpu.memref_slice %arg7[%dma_start3A_300, %dma_start3A_301, %dma_start3A_302] : memref<8x2x80xi32, #tpu.memory_space<vmem>> -> memref<1x1x80xi32, #tpu.memory_space<vmem>>
      %dma_start3A_304 = tpu.memref_squeeze %dma_start3A_303 : memref<1x1x80xi32, #tpu.memory_space<vmem>> -> memref<80xi32, #tpu.memory_space<vmem>>
      %dma_start3A_305 = arith.constant 0 : i32
      %dma_start3A_306 = arith.constant 0 : i32
      %dma_start3A_307 = tpu.memref_slice %arg2[%dma_start3A_305, %dma_start3A_306] : memref<20000x320xbf16, #tpu.memory_space<hbm>> -> memref<20000x320xbf16, #tpu.memory_space<hbm>>
      tpu.enqueue_indirect_dma source(%dma_start3A_307 : memref<20000x320xbf16, #tpu.memory_space<hbm>>) target(%arg9 : memref<80x320xbf16, #tpu.memory_space<vmem>>) offsets(%dma_start3A_304 : memref<80xi32, #tpu.memory_space<vmem>>) semaphore(%arg14 : memref<!tpu.dma_semaphore, #tpu.memory_space<semaphore_mem>>)
      %dma_wait3A_308 = arith.constant 2 : i32
      %dma_wait3A_309 = arith.constant 0 : i32
      %dma_wait3A_310 = arith.constant 0 : i32
      %dma_wait3A_311 = tpu.memref_slice %arg7[%dma_wait3A_308, %dma_wait3A_309, %dma_wait3A_310] : memref<8x2x80xi32, #tpu.memory_space<vmem>> -> memref<1x1x80xi32, #tpu.memory_space<vmem>>
      %dma_wait3A_312 = tpu.memref_squeeze %dma_wait3A_311 : memref<1x1x80xi32, #tpu.memory_space<vmem>> -> memref<80xi32, #tpu.memory_space<vmem>>
      %dma_wait3A_313 = arith.constant 0 : i32
      %dma_wait3A_314 = arith.constant 0 : i32
      %dma_wait3A_315 = tpu.memref_slice %arg2[%dma_wait3A_313, %dma_wait3A_314] : memref<20000x320xbf16, #tpu.memory_space<hbm>> -> memref<20000x320xbf16, #tpu.memory_space<hbm>>
      tpu.wait_indirect_dma semaphore(%arg13 : memref<!tpu.dma_semaphore, #tpu.memory_space<semaphore_mem>>) src(%dma_wait3A_315 : memref<20000x320xbf16, #tpu.memory_space<hbm>>) dst(%arg8 : memref<80x320xbf16, #tpu.memory_space<vmem>>)
      %run_scoped3A_316 = arith.constant 2 : i32
      %run_scoped3A_317 = arith.constant 1 : i32
      "tpu.region"() ({
        %run_scoped3A_403 = tpu.sem_alloc : memref<!tpu.dma_semaphore, #tpu.memory_space<semaphore_mem>>
        %dma_start3A_404 = arith.constant 0 : i32
        %dma_start3A_405 = tpu.memref_slice %arg7[%run_scoped3A_316, %run_scoped3A_317, %dma_start3A_404] : memref<8x2x80xi32, #tpu.memory_space<vmem>> -> memref<1x1x80xi32, #tpu.memory_space<vmem>>
        %dma_start3A_406 = tpu.memref_squeeze %dma_start3A_405 : memref<1x1x80xi32, #tpu.memory_space<vmem>> -> memref<80xi32, #tpu.memory_space<vmem>>
        %dma_start3A_407 = arith.constant 0 : i32
        %dma_start3A_408 = arith.constant 0 : i32
        %dma_start3A_409 = tpu.memref_slice %arg10[%dma_start3A_407, %dma_start3A_408] : memref<10112x320xbf16, #tpu.memory_space<vmem_shared>> -> memref<10112x320xbf16, #tpu.memory_space<vmem_shared>>
        tpu.enqueue_indirect_dma source(%arg8 : memref<80x320xbf16, #tpu.memory_space<vmem>>) target(%dma_start3A_409 : memref<10112x320xbf16, #tpu.memory_space<vmem_shared>>) offsets(%dma_start3A_406 : memref<80xi32, #tpu.memory_space<vmem>>) semaphore(%run_scoped3A_403 : memref<!tpu.dma_semaphore, #tpu.memory_space<semaphore_mem>>) {add = true}
        %dma_wait3A_410 = arith.constant 0 : i32
        %dma_wait3A_411 = tpu.memref_slice %arg7[%run_scoped3A_316, %run_scoped3A_317, %dma_wait3A_410] : memref<8x2x80xi32, #tpu.memory_space<vmem>> -> memref<1x1x80xi32, #tpu.memory_space<vmem>>
        %dma_wait3A_412 = tpu.memref_squeeze %dma_wait3A_411 : memref<1x1x80xi32, #tpu.memory_space<vmem>> -> memref<80xi32, #tpu.memory_space<vmem>>
        %dma_wait3A_413 = arith.constant 0 : i32
        %dma_wait3A_414 = arith.constant 0 : i32
        %dma_wait3A_415 = tpu.memref_slice %arg10[%dma_wait3A_413, %dma_wait3A_414] : memref<10112x320xbf16, #tpu.memory_space<vmem_shared>> -> memref<10112x320xbf16, #tpu.memory_space<vmem_shared>>
        tpu.wait_indirect_dma semaphore(%run_scoped3A_403 : memref<!tpu.dma_semaphore, #tpu.memory_space<semaphore_mem>>) src(%arg8 : memref<80x320xbf16, #tpu.memory_space<vmem>>) dst(%dma_wait3A_415 : memref<10112x320xbf16, #tpu.memory_space<vmem_shared>>)
        tpu.yield
      }) : () -> ()
      %dma_start3A_318 = arith.constant 4 : i32
      %dma_start3A_319 = arith.constant 0 : i32
      %dma_start3A_320 = arith.constant 0 : i32
      %dma_start3A_321 = tpu.memref_slice %arg7[%dma_start3A_318, %dma_start3A_319, %dma_start3A_320] : memref<8x2x80xi32, #tpu.memory_space<vmem>> -> memref<1x1x80xi32, #tpu.memory_space<vmem>>
      %dma_start3A_322 = tpu.memref_squeeze %dma_start3A_321 : memref<1x1x80xi32, #tpu.memory_space<vmem>> -> memref<80xi32, #tpu.memory_space<vmem>>
      %dma_start3A_323 = arith.constant 0 : i32
      %dma_start3A_324 = arith.constant 0 : i32
      %dma_start3A_325 = tpu.memref_slice %arg2[%dma_start3A_323, %dma_start3A_324] : memref<20000x320xbf16, #tpu.memory_space<hbm>> -> memref<20000x320xbf16, #tpu.memory_space<hbm>>
      tpu.enqueue_indirect_dma source(%dma_start3A_325 : memref<20000x320xbf16, #tpu.memory_space<hbm>>) target(%arg8 : memref<80x320xbf16, #tpu.memory_space<vmem>>) offsets(%dma_start3A_322 : memref<80xi32, #tpu.memory_space<vmem>>) semaphore(%arg13 : memref<!tpu.dma_semaphore, #tpu.memory_space<semaphore_mem>>)
      %dma_wait3A_326 = arith.constant 3 : i32
      %dma_wait3A_327 = arith.constant 0 : i32
      %dma_wait3A_328 = arith.constant 0 : i32
      %dma_wait3A_329 = tpu.memref_slice %arg7[%dma_wait3A_326, %dma_wait3A_327, %dma_wait3A_328] : memref<8x2x80xi32, #tpu.memory_space<vmem>> -> memref<1x1x80xi32, #tpu.memory_space<vmem>>
      %dma_wait3A_330 = tpu.memref_squeeze %dma_wait3A_329 : memref<1x1x80xi32, #tpu.memory_space<vmem>> -> memref<80xi32, #tpu.memory_space<vmem>>
      %dma_wait3A_331 = arith.constant 0 : i32
      %dma_wait3A_332 = arith.constant 0 : i32
      %dma_wait3A_333 = tpu.memref_slice %arg2[%dma_wait3A_331, %dma_wait3A_332] : memref<20000x320xbf16, #tpu.memory_space<hbm>> -> memref<20000x320xbf16, #tpu.memory_space<hbm>>
      tpu.wait_indirect_dma semaphore(%arg14 : memref<!tpu.dma_semaphore, #tpu.memory_space<semaphore_mem>>) src(%dma_wait3A_333 : memref<20000x320xbf16, #tpu.memory_space<hbm>>) dst(%arg9 : memref<80x320xbf16, #tpu.memory_space<vmem>>)
      %run_scoped3A_334 = arith.constant 3 : i32
      %run_scoped3A_335 = arith.constant 1 : i32
      "tpu.region"() ({
        %run_scoped3A_403 = tpu.sem_alloc : memref<!tpu.dma_semaphore, #tpu.memory_space<semaphore_mem>>
        %dma_start3A_404 = arith.constant 0 : i32
        %dma_start3A_405 = tpu.memref_slice %arg7[%run_scoped3A_334, %run_scoped3A_335, %dma_start3A_404] : memref<8x2x80xi32, #tpu.memory_space<vmem>> -> memref<1x1x80xi32, #tpu.memory_space<vmem>>
        %dma_start3A_406 = tpu.memref_squeeze %dma_start3A_405 : memref<1x1x80xi32, #tpu.memory_space<vmem>> -> memref<80xi32, #tpu.memory_space<vmem>>
        %dma_start3A_407 = arith.constant 0 : i32
        %dma_start3A_408 = arith.constant 0 : i32
        %dma_start3A_409 = tpu.memref_slice %arg10[%dma_start3A_407, %dma_start3A_408] : memref<10112x320xbf16, #tpu.memory_space<vmem_shared>> -> memref<10112x320xbf16, #tpu.memory_space<vmem_shared>>
        tpu.enqueue_indirect_dma source(%arg9 : memref<80x320xbf16, #tpu.memory_space<vmem>>) target(%dma_start3A_409 : memref<10112x320xbf16, #tpu.memory_space<vmem_shared>>) offsets(%dma_start3A_406 : memref<80xi32, #tpu.memory_space<vmem>>) semaphore(%run_scoped3A_403 : memref<!tpu.dma_semaphore, #tpu.memory_space<semaphore_mem>>) {add = true}
        %dma_wait3A_410 = arith.constant 0 : i32
        %dma_wait3A_411 = tpu.memref_slice %arg7[%run_scoped3A_334, %run_scoped3A_335, %dma_wait3A_410] : memref<8x2x80xi32, #tpu.memory_space<vmem>> -> memref<1x1x80xi32, #tpu.memory_space<vmem>>
        %dma_wait3A_412 = tpu.memref_squeeze %dma_wait3A_411 : memref<1x1x80xi32, #tpu.memory_space<vmem>> -> memref<80xi32, #tpu.memory_space<vmem>>
        %dma_wait3A_413 = arith.constant 0 : i32
        %dma_wait3A_414 = arith.constant 0 : i32
        %dma_wait3A_415 = tpu.memref_slice %arg10[%dma_wait3A_413, %dma_wait3A_414] : memref<10112x320xbf16, #tpu.memory_space<vmem_shared>> -> memref<10112x320xbf16, #tpu.memory_space<vmem_shared>>
        tpu.wait_indirect_dma semaphore(%run_scoped3A_403 : memref<!tpu.dma_semaphore, #tpu.memory_space<semaphore_mem>>) src(%arg9 : memref<80x320xbf16, #tpu.memory_space<vmem>>) dst(%dma_wait3A_415 : memref<10112x320xbf16, #tpu.memory_space<vmem_shared>>)
        tpu.yield
      }) : () -> ()
      %dma_start3A_336 = arith.constant 5 : i32
      %dma_start3A_337 = arith.constant 0 : i32
      %dma_start3A_338 = arith.constant 0 : i32
      %dma_start3A_339 = tpu.memref_slice %arg7[%dma_start3A_336, %dma_start3A_337, %dma_start3A_338] : memref<8x2x80xi32, #tpu.memory_space<vmem>> -> memref<1x1x80xi32, #tpu.memory_space<vmem>>
      %dma_start3A_340 = tpu.memref_squeeze %dma_start3A_339 : memref<1x1x80xi32, #tpu.memory_space<vmem>> -> memref<80xi32, #tpu.memory_space<vmem>>
      %dma_start3A_341 = arith.constant 0 : i32
      %dma_start3A_342 = arith.constant 0 : i32
      %dma_start3A_343 = tpu.memref_slice %arg2[%dma_start3A_341, %dma_start3A_342] : memref<20000x320xbf16, #tpu.memory_space<hbm>> -> memref<20000x320xbf16, #tpu.memory_space<hbm>>
      tpu.enqueue_indirect_dma source(%dma_start3A_343 : memref<20000x320xbf16, #tpu.memory_space<hbm>>) target(%arg9 : memref<80x320xbf16, #tpu.memory_space<vmem>>) offsets(%dma_start3A_340 : memref<80xi32, #tpu.memory_space<vmem>>) semaphore(%arg14 : memref<!tpu.dma_semaphore, #tpu.memory_space<semaphore_mem>>)
      %dma_wait3A_344 = arith.constant 4 : i32
      %dma_wait3A_345 = arith.constant 0 : i32
      %dma_wait3A_346 = arith.constant 0 : i32
      %dma_wait3A_347 = tpu.memref_slice %arg7[%dma_wait3A_344, %dma_wait3A_345, %dma_wait3A_346] : memref<8x2x80xi32, #tpu.memory_space<vmem>> -> memref<1x1x80xi32, #tpu.memory_space<vmem>>
      %dma_wait3A_348 = tpu.memref_squeeze %dma_wait3A_347 : memref<1x1x80xi32, #tpu.memory_space<vmem>> -> memref<80xi32, #tpu.memory_space<vmem>>
      %dma_wait3A_349 = arith.constant 0 : i32
      %dma_wait3A_350 = arith.constant 0 : i32
      %dma_wait3A_351 = tpu.memref_slice %arg2[%dma_wait3A_349, %dma_wait3A_350] : memref<20000x320xbf16, #tpu.memory_space<hbm>> -> memref<20000x320xbf16, #tpu.memory_space<hbm>>
      tpu.wait_indirect_dma semaphore(%arg13 : memref<!tpu.dma_semaphore, #tpu.memory_space<semaphore_mem>>) src(%dma_wait3A_351 : memref<20000x320xbf16, #tpu.memory_space<hbm>>) dst(%arg8 : memref<80x320xbf16, #tpu.memory_space<vmem>>)
      %run_scoped3A_352 = arith.constant 4 : i32
      %run_scoped3A_353 = arith.constant 1 : i32
      "tpu.region"() ({
        %run_scoped3A_403 = tpu.sem_alloc : memref<!tpu.dma_semaphore, #tpu.memory_space<semaphore_mem>>
        %dma_start3A_404 = arith.constant 0 : i32
        %dma_start3A_405 = tpu.memref_slice %arg7[%run_scoped3A_352, %run_scoped3A_353, %dma_start3A_404] : memref<8x2x80xi32, #tpu.memory_space<vmem>> -> memref<1x1x80xi32, #tpu.memory_space<vmem>>
        %dma_start3A_406 = tpu.memref_squeeze %dma_start3A_405 : memref<1x1x80xi32, #tpu.memory_space<vmem>> -> memref<80xi32, #tpu.memory_space<vmem>>
        %dma_start3A_407 = arith.constant 0 : i32
        %dma_start3A_408 = arith.constant 0 : i32
        %dma_start3A_409 = tpu.memref_slice %arg10[%dma_start3A_407, %dma_start3A_408] : memref<10112x320xbf16, #tpu.memory_space<vmem_shared>> -> memref<10112x320xbf16, #tpu.memory_space<vmem_shared>>
        tpu.enqueue_indirect_dma source(%arg8 : memref<80x320xbf16, #tpu.memory_space<vmem>>) target(%dma_start3A_409 : memref<10112x320xbf16, #tpu.memory_space<vmem_shared>>) offsets(%dma_start3A_406 : memref<80xi32, #tpu.memory_space<vmem>>) semaphore(%run_scoped3A_403 : memref<!tpu.dma_semaphore, #tpu.memory_space<semaphore_mem>>) {add = true}
        %dma_wait3A_410 = arith.constant 0 : i32
        %dma_wait3A_411 = tpu.memref_slice %arg7[%run_scoped3A_352, %run_scoped3A_353, %dma_wait3A_410] : memref<8x2x80xi32, #tpu.memory_space<vmem>> -> memref<1x1x80xi32, #tpu.memory_space<vmem>>
        %dma_wait3A_412 = tpu.memref_squeeze %dma_wait3A_411 : memref<1x1x80xi32, #tpu.memory_space<vmem>> -> memref<80xi32, #tpu.memory_space<vmem>>
        %dma_wait3A_413 = arith.constant 0 : i32
        %dma_wait3A_414 = arith.constant 0 : i32
        %dma_wait3A_415 = tpu.memref_slice %arg10[%dma_wait3A_413, %dma_wait3A_414] : memref<10112x320xbf16, #tpu.memory_space<vmem_shared>> -> memref<10112x320xbf16, #tpu.memory_space<vmem_shared>>
        tpu.wait_indirect_dma semaphore(%run_scoped3A_403 : memref<!tpu.dma_semaphore, #tpu.memory_space<semaphore_mem>>) src(%arg8 : memref<80x320xbf16, #tpu.memory_space<vmem>>) dst(%dma_wait3A_415 : memref<10112x320xbf16, #tpu.memory_space<vmem_shared>>)
        tpu.yield
      }) : () -> ()
      %dma_start3A_354 = arith.constant 6 : i32
      %dma_start3A_355 = arith.constant 0 : i32
      %dma_start3A_356 = arith.constant 0 : i32
      %dma_start3A_357 = tpu.memref_slice %arg7[%dma_start3A_354, %dma_start3A_355, %dma_start3A_356] : memref<8x2x80xi32, #tpu.memory_space<vmem>> -> memref<1x1x80xi32, #tpu.memory_space<vmem>>
      %dma_start3A_358 = tpu.memref_squeeze %dma_start3A_357 : memref<1x1x80xi32, #tpu.memory_space<vmem>> -> memref<80xi32, #tpu.memory_space<vmem>>
      %dma_start3A_359 = arith.constant 0 : i32
      %dma_start3A_360 = arith.constant 0 : i32
      %dma_start3A_361 = tpu.memref_slice %arg2[%dma_start3A_359, %dma_start3A_360] : memref<20000x320xbf16, #tpu.memory_space<hbm>> -> memref<20000x320xbf16, #tpu.memory_space<hbm>>
      tpu.enqueue_indirect_dma source(%dma_start3A_361 : memref<20000x320xbf16, #tpu.memory_space<hbm>>) target(%arg8 : memref<80x320xbf16, #tpu.memory_space<vmem>>) offsets(%dma_start3A_358 : memref<80xi32, #tpu.memory_space<vmem>>) semaphore(%arg13 : memref<!tpu.dma_semaphore, #tpu.memory_space<semaphore_mem>>)
      %dma_wait3A_362 = arith.constant 5 : i32
      %dma_wait3A_363 = arith.constant 0 : i32
      %dma_wait3A_364 = arith.constant 0 : i32
      %dma_wait3A_365 = tpu.memref_slice %arg7[%dma_wait3A_362, %dma_wait3A_363, %dma_wait3A_364] : memref<8x2x80xi32, #tpu.memory_space<vmem>> -> memref<1x1x80xi32, #tpu.memory_space<vmem>>
      %dma_wait3A_366 = tpu.memref_squeeze %dma_wait3A_365 : memref<1x1x80xi32, #tpu.memory_space<vmem>> -> memref<80xi32, #tpu.memory_space<vmem>>
      %dma_wait3A_367 = arith.constant 0 : i32
      %dma_wait3A_368 = arith.constant 0 : i32
      %dma_wait3A_369 = tpu.memref_slice %arg2[%dma_wait3A_367, %dma_wait3A_368] : memref<20000x320xbf16, #tpu.memory_space<hbm>> -> memref<20000x320xbf16, #tpu.memory_space<hbm>>
      tpu.wait_indirect_dma semaphore(%arg14 : memref<!tpu.dma_semaphore, #tpu.memory_space<semaphore_mem>>) src(%dma_wait3A_369 : memref<20000x320xbf16, #tpu.memory_space<hbm>>) dst(%arg9 : memref<80x320xbf16, #tpu.memory_space<vmem>>)
      %run_scoped3A_370 = arith.constant 5 : i32
      %run_scoped3A_371 = arith.constant 1 : i32
      "tpu.region"() ({
        %run_scoped3A_403 = tpu.sem_alloc : memref<!tpu.dma_semaphore, #tpu.memory_space<semaphore_mem>>
        %dma_start3A_404 = arith.constant 0 : i32
        %dma_start3A_405 = tpu.memref_slice %arg7[%run_scoped3A_370, %run_scoped3A_371, %dma_start3A_404] : memref<8x2x80xi32, #tpu.memory_space<vmem>> -> memref<1x1x80xi32, #tpu.memory_space<vmem>>
        %dma_start3A_406 = tpu.memref_squeeze %dma_start3A_405 : memref<1x1x80xi32, #tpu.memory_space<vmem>> -> memref<80xi32, #tpu.memory_space<vmem>>
        %dma_start3A_407 = arith.constant 0 : i32
        %dma_start3A_408 = arith.constant 0 : i32
        %dma_start3A_409 = tpu.memref_slice %arg10[%dma_start3A_407, %dma_start3A_408] : memref<10112x320xbf16, #tpu.memory_space<vmem_shared>> -> memref<10112x320xbf16, #tpu.memory_space<vmem_shared>>
        tpu.enqueue_indirect_dma source(%arg9 : memref<80x320xbf16, #tpu.memory_space<vmem>>) target(%dma_start3A_409 : memref<10112x320xbf16, #tpu.memory_space<vmem_shared>>) offsets(%dma_start3A_406 : memref<80xi32, #tpu.memory_space<vmem>>) semaphore(%run_scoped3A_403 : memref<!tpu.dma_semaphore, #tpu.memory_space<semaphore_mem>>) {add = true}
        %dma_wait3A_410 = arith.constant 0 : i32
        %dma_wait3A_411 = tpu.memref_slice %arg7[%run_scoped3A_370, %run_scoped3A_371, %dma_wait3A_410] : memref<8x2x80xi32, #tpu.memory_space<vmem>> -> memref<1x1x80xi32, #tpu.memory_space<vmem>>
        %dma_wait3A_412 = tpu.memref_squeeze %dma_wait3A_411 : memref<1x1x80xi32, #tpu.memory_space<vmem>> -> memref<80xi32, #tpu.memory_space<vmem>>
        %dma_wait3A_413 = arith.constant 0 : i32
        %dma_wait3A_414 = arith.constant 0 : i32
        %dma_wait3A_415 = tpu.memref_slice %arg10[%dma_wait3A_413, %dma_wait3A_414] : memref<10112x320xbf16, #tpu.memory_space<vmem_shared>> -> memref<10112x320xbf16, #tpu.memory_space<vmem_shared>>
        tpu.wait_indirect_dma semaphore(%run_scoped3A_403 : memref<!tpu.dma_semaphore, #tpu.memory_space<semaphore_mem>>) src(%arg9 : memref<80x320xbf16, #tpu.memory_space<vmem>>) dst(%dma_wait3A_415 : memref<10112x320xbf16, #tpu.memory_space<vmem_shared>>)
        tpu.yield
      }) : () -> ()
      %dma_start3A_372 = arith.constant 7 : i32
      %dma_start3A_373 = arith.constant 0 : i32
      %dma_start3A_374 = arith.constant 0 : i32
      %dma_start3A_375 = tpu.memref_slice %arg7[%dma_start3A_372, %dma_start3A_373, %dma_start3A_374] : memref<8x2x80xi32, #tpu.memory_space<vmem>> -> memref<1x1x80xi32, #tpu.memory_space<vmem>>
      %dma_start3A_376 = tpu.memref_squeeze %dma_start3A_375 : memref<1x1x80xi32, #tpu.memory_space<vmem>> -> memref<80xi32, #tpu.memory_space<vmem>>
      %dma_start3A_377 = arith.constant 0 : i32
      %dma_start3A_378 = arith.constant 0 : i32
      %dma_start3A_379 = tpu.memref_slice %arg2[%dma_start3A_377, %dma_start3A_378] : memref<20000x320xbf16, #tpu.memory_space<hbm>> -> memref<20000x320xbf16, #tpu.memory_space<hbm>>
      tpu.enqueue_indirect_dma source(%dma_start3A_379 : memref<20000x320xbf16, #tpu.memory_space<hbm>>) target(%arg9 : memref<80x320xbf16, #tpu.memory_space<vmem>>) offsets(%dma_start3A_376 : memref<80xi32, #tpu.memory_space<vmem>>) semaphore(%arg14 : memref<!tpu.dma_semaphore, #tpu.memory_space<semaphore_mem>>)
      %dma_wait3A_380 = arith.constant 6 : i32
      %dma_wait3A_381 = arith.constant 0 : i32
      %dma_wait3A_382 = arith.constant 0 : i32
      %dma_wait3A_383 = tpu.memref_slice %arg7[%dma_wait3A_380, %dma_wait3A_381, %dma_wait3A_382] : memref<8x2x80xi32, #tpu.memory_space<vmem>> -> memref<1x1x80xi32, #tpu.memory_space<vmem>>
      %dma_wait3A_384 = tpu.memref_squeeze %dma_wait3A_383 : memref<1x1x80xi32, #tpu.memory_space<vmem>> -> memref<80xi32, #tpu.memory_space<vmem>>
      %dma_wait3A_385 = arith.constant 0 : i32
      %dma_wait3A_386 = arith.constant 0 : i32
      %dma_wait3A_387 = tpu.memref_slice %arg2[%dma_wait3A_385, %dma_wait3A_386] : memref<20000x320xbf16, #tpu.memory_space<hbm>> -> memref<20000x320xbf16, #tpu.memory_space<hbm>>
      tpu.wait_indirect_dma semaphore(%arg13 : memref<!tpu.dma_semaphore, #tpu.memory_space<semaphore_mem>>) src(%dma_wait3A_387 : memref<20000x320xbf16, #tpu.memory_space<hbm>>) dst(%arg8 : memref<80x320xbf16, #tpu.memory_space<vmem>>)
      %run_scoped3A_388 = arith.constant 6 : i32
      %run_scoped3A_389 = arith.constant 1 : i32
      "tpu.region"() ({
        %run_scoped3A_403 = tpu.sem_alloc : memref<!tpu.dma_semaphore, #tpu.memory_space<semaphore_mem>>
        %dma_start3A_404 = arith.constant 0 : i32
        %dma_start3A_405 = tpu.memref_slice %arg7[%run_scoped3A_388, %run_scoped3A_389, %dma_start3A_404] : memref<8x2x80xi32, #tpu.memory_space<vmem>> -> memref<1x1x80xi32, #tpu.memory_space<vmem>>
        %dma_start3A_406 = tpu.memref_squeeze %dma_start3A_405 : memref<1x1x80xi32, #tpu.memory_space<vmem>> -> memref<80xi32, #tpu.memory_space<vmem>>
        %dma_start3A_407 = arith.constant 0 : i32
        %dma_start3A_408 = arith.constant 0 : i32
        %dma_start3A_409 = tpu.memref_slice %arg10[%dma_start3A_407, %dma_start3A_408] : memref<10112x320xbf16, #tpu.memory_space<vmem_shared>> -> memref<10112x320xbf16, #tpu.memory_space<vmem_shared>>
        tpu.enqueue_indirect_dma source(%arg8 : memref<80x320xbf16, #tpu.memory_space<vmem>>) target(%dma_start3A_409 : memref<10112x320xbf16, #tpu.memory_space<vmem_shared>>) offsets(%dma_start3A_406 : memref<80xi32, #tpu.memory_space<vmem>>) semaphore(%run_scoped3A_403 : memref<!tpu.dma_semaphore, #tpu.memory_space<semaphore_mem>>) {add = true}
        %dma_wait3A_410 = arith.constant 0 : i32
        %dma_wait3A_411 = tpu.memref_slice %arg7[%run_scoped3A_388, %run_scoped3A_389, %dma_wait3A_410] : memref<8x2x80xi32, #tpu.memory_space<vmem>> -> memref<1x1x80xi32, #tpu.memory_space<vmem>>
        %dma_wait3A_412 = tpu.memref_squeeze %dma_wait3A_411 : memref<1x1x80xi32, #tpu.memory_space<vmem>> -> memref<80xi32, #tpu.memory_space<vmem>>
        %dma_wait3A_413 = arith.constant 0 : i32
        %dma_wait3A_414 = arith.constant 0 : i32
        %dma_wait3A_415 = tpu.memref_slice %arg10[%dma_wait3A_413, %dma_wait3A_414] : memref<10112x320xbf16, #tpu.memory_space<vmem_shared>> -> memref<10112x320xbf16, #tpu.memory_space<vmem_shared>>
        tpu.wait_indirect_dma semaphore(%run_scoped3A_403 : memref<!tpu.dma_semaphore, #tpu.memory_space<semaphore_mem>>) src(%arg8 : memref<80x320xbf16, #tpu.memory_space<vmem>>) dst(%dma_wait3A_415 : memref<10112x320xbf16, #tpu.memory_space<vmem_shared>>)
        tpu.yield
      }) : () -> ()
      %dma_wait3A_390 = arith.constant 7 : i32
      %dma_wait3A_391 = arith.constant 0 : i32
      %dma_wait3A_392 = arith.constant 0 : i32
      %dma_wait3A_393 = tpu.memref_slice %arg7[%dma_wait3A_390, %dma_wait3A_391, %dma_wait3A_392] : memref<8x2x80xi32, #tpu.memory_space<vmem>> -> memref<1x1x80xi32, #tpu.memory_space<vmem>>
      %dma_wait3A_394 = tpu.memref_squeeze %dma_wait3A_393 : memref<1x1x80xi32, #tpu.memory_space<vmem>> -> memref<80xi32, #tpu.memory_space<vmem>>
      %dma_wait3A_395 = arith.constant 0 : i32
      %dma_wait3A_396 = arith.constant 0 : i32
      %dma_wait3A_397 = tpu.memref_slice %arg2[%dma_wait3A_395, %dma_wait3A_396] : memref<20000x320xbf16, #tpu.memory_space<hbm>> -> memref<20000x320xbf16, #tpu.memory_space<hbm>>
      tpu.wait_indirect_dma semaphore(%arg14 : memref<!tpu.dma_semaphore, #tpu.memory_space<semaphore_mem>>) src(%dma_wait3A_397 : memref<20000x320xbf16, #tpu.memory_space<hbm>>) dst(%arg9 : memref<80x320xbf16, #tpu.memory_space<vmem>>)
      %run_scoped3A_398 = arith.constant 7 : i32
      %run_scoped3A_399 = arith.constant 1 : i32
      "tpu.region"() ({
        %run_scoped3A_403 = tpu.sem_alloc : memref<!tpu.dma_semaphore, #tpu.memory_space<semaphore_mem>>
        %dma_start3A_404 = arith.constant 0 : i32
        %dma_start3A_405 = tpu.memref_slice %arg7[%run_scoped3A_398, %run_scoped3A_399, %dma_start3A_404] : memref<8x2x80xi32, #tpu.memory_space<vmem>> -> memref<1x1x80xi32, #tpu.memory_space<vmem>>
        %dma_start3A_406 = tpu.memref_squeeze %dma_start3A_405 : memref<1x1x80xi32, #tpu.memory_space<vmem>> -> memref<80xi32, #tpu.memory_space<vmem>>
        %dma_start3A_407 = arith.constant 0 : i32
        %dma_start3A_408 = arith.constant 0 : i32
        %dma_start3A_409 = tpu.memref_slice %arg10[%dma_start3A_407, %dma_start3A_408] : memref<10112x320xbf16, #tpu.memory_space<vmem_shared>> -> memref<10112x320xbf16, #tpu.memory_space<vmem_shared>>
        tpu.enqueue_indirect_dma source(%arg9 : memref<80x320xbf16, #tpu.memory_space<vmem>>) target(%dma_start3A_409 : memref<10112x320xbf16, #tpu.memory_space<vmem_shared>>) offsets(%dma_start3A_406 : memref<80xi32, #tpu.memory_space<vmem>>) semaphore(%run_scoped3A_403 : memref<!tpu.dma_semaphore, #tpu.memory_space<semaphore_mem>>) {add = true}
        %dma_wait3A_410 = arith.constant 0 : i32
        %dma_wait3A_411 = tpu.memref_slice %arg7[%run_scoped3A_398, %run_scoped3A_399, %dma_wait3A_410] : memref<8x2x80xi32, #tpu.memory_space<vmem>> -> memref<1x1x80xi32, #tpu.memory_space<vmem>>
        %dma_wait3A_412 = tpu.memref_squeeze %dma_wait3A_411 : memref<1x1x80xi32, #tpu.memory_space<vmem>> -> memref<80xi32, #tpu.memory_space<vmem>>
        %dma_wait3A_413 = arith.constant 0 : i32
        %dma_wait3A_414 = arith.constant 0 : i32
        %dma_wait3A_415 = tpu.memref_slice %arg10[%dma_wait3A_413, %dma_wait3A_414] : memref<10112x320xbf16, #tpu.memory_space<vmem_shared>> -> memref<10112x320xbf16, #tpu.memory_space<vmem_shared>>
        tpu.wait_indirect_dma semaphore(%run_scoped3A_403 : memref<!tpu.dma_semaphore, #tpu.memory_space<semaphore_mem>>) src(%arg9 : memref<80x320xbf16, #tpu.memory_space<vmem>>) dst(%dma_wait3A_415 : memref<10112x320xbf16, #tpu.memory_space<vmem_shared>>)
        tpu.yield
      }) : () -> ()
      %convert_element_type3A_400 = arith.extui %lt3A_57 : i1 to i32
      %cond3A_401 = arith.constant 0 : i32
      %cond3A_402 = arith.cmpi ne, %convert_element_type3A_400, %cond3A_401 : i32
      scf.if %cond3A_402 {
        %add3A_403 = arith.constant 2 : i32
        %add3A_404 = arith.addi %add3A_255, %add3A_403 : i32
        %dma_start3A_405 = arith.constant 0 : i32
        %dma_start3A_406 = arith.constant 0 : i32
        %dma_start3A_407 = arith.constant 0 : i32
        %dma_start3A_408 = arith.constant 0 : i32
        %dma_start3A_409 = tpu.memref_slice %arg3[%arg0, %arg1, %dma_start3A_405, %dma_start3A_406, %dma_start3A_407, %dma_start3A_408] : memref<2x16x8x8x2x80xi32, #tpu.memory_space<hbm>> -> memref<1x1x8x8x2x80xi32, #tpu.memory_space<hbm>>
        %dma_start3A_410 = tpu.memref_squeeze %dma_start3A_409 : memref<1x1x8x8x2x80xi32, #tpu.memory_space<hbm>> -> memref<8x8x2x80xi32, #tpu.memory_space<hbm>>
        %dma_start3A_411 = arith.constant 0 : i32
        %dma_start3A_412 = arith.constant 0 : i32
        %dma_start3A_413 = arith.constant 0 : i32
        %dma_start3A_414 = tpu.memref_slice %dma_start3A_410[%add3A_404, %dma_start3A_411, %dma_start3A_412, %dma_start3A_413] : memref<8x8x2x80xi32, #tpu.memory_space<hbm>> -> memref<1x8x2x80xi32, #tpu.memory_space<hbm>>
        %dma_start3A_415 = tpu.memref_squeeze %dma_start3A_414 : memref<1x8x2x80xi32, #tpu.memory_space<hbm>> -> memref<8x2x80xi32, #tpu.memory_space<hbm>>
        %dma_start3A_416 = arith.constant 0 : i32
        %dma_start3A_417 = arith.constant 0 : i32
        %dma_start3A_418 = arith.constant 0 : i32
        %dma_start3A_419 = arith.constant 0 : i32
        %dma_start3A_420 = tpu.memref_slice %arg3[%arg0, %arg1, %dma_start3A_416, %dma_start3A_417, %dma_start3A_418, %dma_start3A_419] : memref<2x16x8x8x2x80xi32, #tpu.memory_space<hbm>> -> memref<1x1x8x8x2x80xi32, #tpu.memory_space<hbm>>
        %dma_start3A_421 = tpu.memref_squeeze %dma_start3A_420 : memref<1x1x8x8x2x80xi32, #tpu.memory_space<hbm>> -> memref<8x8x2x80xi32, #tpu.memory_space<hbm>>
        %dma_start3A_422 = arith.constant 0 : i32
        %dma_start3A_423 = arith.constant 0 : i32
        %dma_start3A_424 = arith.constant 0 : i32
        %dma_start3A_425 = tpu.memref_slice %dma_start3A_421[%add3A_404, %dma_start3A_422, %dma_start3A_423, %dma_start3A_424] : memref<8x8x2x80xi32, #tpu.memory_space<hbm>> -> memref<1x8x2x80xi32, #tpu.memory_space<hbm>>
        %dma_start3A_426 = tpu.memref_squeeze %dma_start3A_425 : memref<1x8x2x80xi32, #tpu.memory_space<hbm>> -> memref<8x2x80xi32, #tpu.memory_space<hbm>>
        tpu.enqueue_dma source(%dma_start3A_426 : memref<8x2x80xi32, #tpu.memory_space<hbm>>) target(%arg7 : memref<8x2x80xi32, #tpu.memory_space<vmem>>) target_semaphore(%arg12 : memref<!tpu.dma_semaphore, #tpu.memory_space<semaphore_mem>>)
      } else {
      }
    }
    %scan3A_50 = arith.constant 4 : i32
    %barrier3A_51 = arith.constant 0 : index
    tpu.barrier barrier_id(%barrier3A_51)
    %mul3A_52 = arith.constant 632 : i32
    %mul3A_53 = arith.muli %arg1, %mul3A_52 : i32
    %mul3A_54 = arith.constant 632 : i32
    %mul3A_55 = arith.muli %arg1, %mul3A_54 : i32
    "tpu.region"() ({
      %run_scoped3A = tpu.sem_alloc : memref<!tpu.dma_semaphore, #tpu.memory_space<semaphore_mem>>
      %dma_start3A_56 = arith.constant 0 : i32
      %dma_start3A_57 = tpu.memref_slice %arg5[%arg0, %mul3A_55, %dma_start3A_56] : memref<2x10112x320xbf16, #tpu.memory_space<hbm>> -> memref<1x632x320xbf16, #tpu.memory_space<hbm>>
      %dma_start3A_58 = tpu.memref_squeeze %dma_start3A_57 : memref<1x632x320xbf16, #tpu.memory_space<hbm>> -> memref<632x320xbf16, #tpu.memory_space<hbm>>
      %dma_start3A_59 = arith.constant 0 : i32
      %dma_start3A_60 = tpu.memref_slice %arg10[%mul3A_53, %dma_start3A_59] : memref<10112x320xbf16, #tpu.memory_space<vmem_shared>> -> memref<632x320xbf16, #tpu.memory_space<vmem_shared>>
      tpu.enqueue_dma source(%dma_start3A_60 : memref<632x320xbf16, #tpu.memory_space<vmem_shared>>) target(%dma_start3A_58 : memref<632x320xbf16, #tpu.memory_space<hbm>>) target_semaphore(%run_scoped3A : memref<!tpu.dma_semaphore, #tpu.memory_space<semaphore_mem>>)
      %dma_wait3A = arith.constant 0 : i32
      %dma_wait3A_61 = tpu.memref_slice %arg5[%arg0, %mul3A_55, %dma_wait3A] : memref<2x10112x320xbf16, #tpu.memory_space<hbm>> -> memref<1x632x320xbf16, #tpu.memory_space<hbm>>
      %dma_wait3A_62 = tpu.memref_squeeze %dma_wait3A_61 : memref<1x632x320xbf16, #tpu.memory_space<hbm>> -> memref<632x320xbf16, #tpu.memory_space<hbm>>
      %dma_wait3A_63 = arith.constant 0 : i32
      %dma_wait3A_64 = tpu.memref_slice %arg10[%mul3A_53, %dma_wait3A_63] : memref<10112x320xbf16, #tpu.memory_space<vmem_shared>> -> memref<632x320xbf16, #tpu.memory_space<vmem_shared>>
      tpu.wait_dma2 semaphore(%run_scoped3A : memref<!tpu.dma_semaphore, #tpu.memory_space<semaphore_mem>>) src(%dma_wait3A_64 : memref<632x320xbf16, #tpu.memory_space<vmem_shared>>) dst(%dma_wait3A_62 : memref<632x320xbf16, #tpu.memory_space<hbm>>)
      tpu.yield
    }) : () -> ()
    return
  }
}

#map = affine_map<(d0, d1) -> (0, 0)>
#map1 = affine_map<(d0, d1) -> (0, 0, 0, 0, 0, 0)>
#map2 = affine_map<(d0, d1) -> (0, 0, 0)>
module attributes {stable_mosaic.version = 14 : i64} {
  func.func @seg_kernel(%arg0: i32, %arg1: i32, %arg2: memref<20000x256xbf16, #tpu.memory_space<hbm>>, %arg3: memref<2x16x10x4x2x128xi32, #tpu.memory_space<hbm>>, %arg4: memref<632x256xbf16, #tpu.memory_space<hbm>>, %arg5: memref<2x10112x256xbf16, #tpu.memory_space<hbm>>, %arg6: memref<4x2x128xi32, #tpu.memory_space<vmem>>, %arg7: memref<4x2x128xi32, #tpu.memory_space<vmem>>, %arg8: memref<128x256xbf16, #tpu.memory_space<vmem>>, %arg9: memref<128x256xbf16, #tpu.memory_space<vmem>>, %arg10: memref<10112x256xbf16, #tpu.memory_space<vmem_shared>>, %arg11: memref<!tpu.dma_semaphore, #tpu.memory_space<semaphore_mem>>, %arg12: memref<!tpu.dma_semaphore, #tpu.memory_space<semaphore_mem>>, %arg13: memref<!tpu.dma_semaphore, #tpu.memory_space<semaphore_mem>>, %arg14: memref<!tpu.dma_semaphore, #tpu.memory_space<semaphore_mem>>) attributes {dimension_semantics = [#tpu.dimension_semantics<core_parallel>, #tpu.dimension_semantics<subcore_parallel>], iteration_bounds = array<i64: 2, 16>, scalar_prefetch = 0 : i64, scratch_operands = 9 : i64, tpu.core_type = #tpu.core_type<sc_vector_subcore>, window_params = [{transform_indices = #map}, {transform_indices = #map1}, {transform_indices = #map}, {transform_indices = #map2}]} {
    %dma_start3A = arith.constant 0 : i32
    %dma_start3A_0 = arith.constant 0 : i32
    %dma_start3A_1 = arith.constant 0 : i32
    %dma_start3A_2 = arith.constant 0 : i32
    %dma_start3A_3 = arith.constant 0 : i32
    %dma_start3A_4 = tpu.memref_slice %arg3[%arg0, %arg1, %dma_start3A_0, %dma_start3A_1, %dma_start3A_2, %dma_start3A_3] : memref<2x16x10x4x2x128xi32, #tpu.memory_space<hbm>> -> memref<1x1x10x4x2x128xi32, #tpu.memory_space<hbm>>
    %dma_start3A_5 = tpu.memref_squeeze %dma_start3A_4 : memref<1x1x10x4x2x128xi32, #tpu.memory_space<hbm>> -> memref<10x4x2x128xi32, #tpu.memory_space<hbm>>
    %dma_start3A_6 = arith.constant 0 : i32
    %dma_start3A_7 = arith.constant 0 : i32
    %dma_start3A_8 = arith.constant 0 : i32
    %dma_start3A_9 = tpu.memref_slice %dma_start3A_5[%dma_start3A, %dma_start3A_6, %dma_start3A_7, %dma_start3A_8] : memref<10x4x2x128xi32, #tpu.memory_space<hbm>> -> memref<1x4x2x128xi32, #tpu.memory_space<hbm>>
    %dma_start3A_10 = tpu.memref_squeeze %dma_start3A_9 : memref<1x4x2x128xi32, #tpu.memory_space<hbm>> -> memref<4x2x128xi32, #tpu.memory_space<hbm>>
    %dma_start3A_11 = arith.constant 0 : i32
    %dma_start3A_12 = arith.constant 0 : i32
    %dma_start3A_13 = arith.constant 0 : i32
    %dma_start3A_14 = arith.constant 0 : i32
    %dma_start3A_15 = tpu.memref_slice %arg3[%arg0, %arg1, %dma_start3A_11, %dma_start3A_12, %dma_start3A_13, %dma_start3A_14] : memref<2x16x10x4x2x128xi32, #tpu.memory_space<hbm>> -> memref<1x1x10x4x2x128xi32, #tpu.memory_space<hbm>>
    %dma_start3A_16 = tpu.memref_squeeze %dma_start3A_15 : memref<1x1x10x4x2x128xi32, #tpu.memory_space<hbm>> -> memref<10x4x2x128xi32, #tpu.memory_space<hbm>>
    %dma_start3A_17 = arith.constant 0 : i32
    %dma_start3A_18 = arith.constant 0 : i32
    %dma_start3A_19 = arith.constant 0 : i32
    %dma_start3A_20 = tpu.memref_slice %dma_start3A_16[%dma_start3A, %dma_start3A_17, %dma_start3A_18, %dma_start3A_19] : memref<10x4x2x128xi32, #tpu.memory_space<hbm>> -> memref<1x4x2x128xi32, #tpu.memory_space<hbm>>
    %dma_start3A_21 = tpu.memref_squeeze %dma_start3A_20 : memref<1x4x2x128xi32, #tpu.memory_space<hbm>> -> memref<4x2x128xi32, #tpu.memory_space<hbm>>
    tpu.enqueue_dma source(%dma_start3A_21 : memref<4x2x128xi32, #tpu.memory_space<hbm>>) target(%arg6 : memref<4x2x128xi32, #tpu.memory_space<vmem>>) target_semaphore(%arg11 : memref<!tpu.dma_semaphore, #tpu.memory_space<semaphore_mem>>)
    %dma_start3A_22 = arith.constant 1 : i32
    %dma_start3A_23 = arith.constant 0 : i32
    %dma_start3A_24 = arith.constant 0 : i32
    %dma_start3A_25 = arith.constant 0 : i32
    %dma_start3A_26 = arith.constant 0 : i32
    %dma_start3A_27 = tpu.memref_slice %arg3[%arg0, %arg1, %dma_start3A_23, %dma_start3A_24, %dma_start3A_25, %dma_start3A_26] : memref<2x16x10x4x2x128xi32, #tpu.memory_space<hbm>> -> memref<1x1x10x4x2x128xi32, #tpu.memory_space<hbm>>
    %dma_start3A_28 = tpu.memref_squeeze %dma_start3A_27 : memref<1x1x10x4x2x128xi32, #tpu.memory_space<hbm>> -> memref<10x4x2x128xi32, #tpu.memory_space<hbm>>
    %dma_start3A_29 = arith.constant 0 : i32
    %dma_start3A_30 = arith.constant 0 : i32
    %dma_start3A_31 = arith.constant 0 : i32
    %dma_start3A_32 = tpu.memref_slice %dma_start3A_28[%dma_start3A_22, %dma_start3A_29, %dma_start3A_30, %dma_start3A_31] : memref<10x4x2x128xi32, #tpu.memory_space<hbm>> -> memref<1x4x2x128xi32, #tpu.memory_space<hbm>>
    %dma_start3A_33 = tpu.memref_squeeze %dma_start3A_32 : memref<1x4x2x128xi32, #tpu.memory_space<hbm>> -> memref<4x2x128xi32, #tpu.memory_space<hbm>>
    %dma_start3A_34 = arith.constant 0 : i32
    %dma_start3A_35 = arith.constant 0 : i32
    %dma_start3A_36 = arith.constant 0 : i32
    %dma_start3A_37 = arith.constant 0 : i32
    %dma_start3A_38 = tpu.memref_slice %arg3[%arg0, %arg1, %dma_start3A_34, %dma_start3A_35, %dma_start3A_36, %dma_start3A_37] : memref<2x16x10x4x2x128xi32, #tpu.memory_space<hbm>> -> memref<1x1x10x4x2x128xi32, #tpu.memory_space<hbm>>
    %dma_start3A_39 = tpu.memref_squeeze %dma_start3A_38 : memref<1x1x10x4x2x128xi32, #tpu.memory_space<hbm>> -> memref<10x4x2x128xi32, #tpu.memory_space<hbm>>
    %dma_start3A_40 = arith.constant 0 : i32
    %dma_start3A_41 = arith.constant 0 : i32
    %dma_start3A_42 = arith.constant 0 : i32
    %dma_start3A_43 = tpu.memref_slice %dma_start3A_39[%dma_start3A_22, %dma_start3A_40, %dma_start3A_41, %dma_start3A_42] : memref<10x4x2x128xi32, #tpu.memory_space<hbm>> -> memref<1x4x2x128xi32, #tpu.memory_space<hbm>>
    %dma_start3A_44 = tpu.memref_squeeze %dma_start3A_43 : memref<1x4x2x128xi32, #tpu.memory_space<hbm>> -> memref<4x2x128xi32, #tpu.memory_space<hbm>>
    tpu.enqueue_dma source(%dma_start3A_44 : memref<4x2x128xi32, #tpu.memory_space<hbm>>) target(%arg7 : memref<4x2x128xi32, #tpu.memory_space<vmem>>) target_semaphore(%arg12 : memref<!tpu.dma_semaphore, #tpu.memory_space<semaphore_mem>>)
    %mul3A = arith.constant 632 : i32
    %mul3A_45 = arith.muli %arg1, %mul3A : i32
    "tpu.region"() ({
      %run_scoped3A = tpu.sem_alloc : memref<!tpu.dma_semaphore, #tpu.memory_space<semaphore_mem>>
      %dma_start3A_56 = arith.constant 0 : i32
      %dma_start3A_57 = tpu.memref_slice %arg10[%mul3A_45, %dma_start3A_56] : memref<10112x256xbf16, #tpu.memory_space<vmem_shared>> -> memref<632x256xbf16, #tpu.memory_space<vmem_shared>>
      tpu.enqueue_dma source(%arg4 : memref<632x256xbf16, #tpu.memory_space<hbm>>) target(%dma_start3A_57 : memref<632x256xbf16, #tpu.memory_space<vmem_shared>>) target_semaphore(%run_scoped3A : memref<!tpu.dma_semaphore, #tpu.memory_space<semaphore_mem>>)
      %dma_wait3A = arith.constant 0 : i32
      %dma_wait3A_58 = tpu.memref_slice %arg10[%mul3A_45, %dma_wait3A] : memref<10112x256xbf16, #tpu.memory_space<vmem_shared>> -> memref<632x256xbf16, #tpu.memory_space<vmem_shared>>
      tpu.wait_dma2 semaphore(%run_scoped3A : memref<!tpu.dma_semaphore, #tpu.memory_space<semaphore_mem>>) src(%arg4 : memref<632x256xbf16, #tpu.memory_space<hbm>>) dst(%dma_wait3A_58 : memref<632x256xbf16, #tpu.memory_space<vmem_shared>>)
      tpu.yield
    }) : () -> ()
    %barrier3A = arith.constant 0 : index
    tpu.barrier barrier_id(%barrier3A)
    %scan3A = arith.constant 0 : i32
    %scan3A_46 = arith.constant 0 : i32
    %scan3A_47 = arith.constant 5 : i32
    %scan3A_48 = arith.addi %scan3A_46, %scan3A_47 : i32
    %scan3A_49 = arith.constant 1 : i32
    scf.for %scan3A_56 = %scan3A_46 to %scan3A_48 step %scan3A_49  : i32 {
      %lt3A = arith.constant 4 : i32
      %lt3A_57 = arith.cmpi slt, %scan3A_56, %lt3A : i32
      %mul3A_58 = arith.constant 2 : i32
      %mul3A_59 = arith.muli %mul3A_58, %scan3A_56 : i32
      %dma_wait3A = arith.constant 0 : i32
      %dma_wait3A_60 = arith.constant 0 : i32
      %dma_wait3A_61 = arith.constant 0 : i32
      %dma_wait3A_62 = arith.constant 0 : i32
      %dma_wait3A_63 = tpu.memref_slice %arg3[%arg0, %arg1, %dma_wait3A, %dma_wait3A_60, %dma_wait3A_61, %dma_wait3A_62] : memref<2x16x10x4x2x128xi32, #tpu.memory_space<hbm>> -> memref<1x1x10x4x2x128xi32, #tpu.memory_space<hbm>>
      %dma_wait3A_64 = tpu.memref_squeeze %dma_wait3A_63 : memref<1x1x10x4x2x128xi32, #tpu.memory_space<hbm>> -> memref<10x4x2x128xi32, #tpu.memory_space<hbm>>
      %dma_wait3A_65 = arith.constant 0 : i32
      %dma_wait3A_66 = arith.constant 0 : i32
      %dma_wait3A_67 = arith.constant 0 : i32
      %dma_wait3A_68 = tpu.memref_slice %dma_wait3A_64[%mul3A_59, %dma_wait3A_65, %dma_wait3A_66, %dma_wait3A_67] : memref<10x4x2x128xi32, #tpu.memory_space<hbm>> -> memref<1x4x2x128xi32, #tpu.memory_space<hbm>>
      %dma_wait3A_69 = tpu.memref_squeeze %dma_wait3A_68 : memref<1x4x2x128xi32, #tpu.memory_space<hbm>> -> memref<4x2x128xi32, #tpu.memory_space<hbm>>
      %dma_wait3A_70 = arith.constant 0 : i32
      %dma_wait3A_71 = arith.constant 0 : i32
      %dma_wait3A_72 = arith.constant 0 : i32
      %dma_wait3A_73 = arith.constant 0 : i32
      %dma_wait3A_74 = tpu.memref_slice %arg3[%arg0, %arg1, %dma_wait3A_70, %dma_wait3A_71, %dma_wait3A_72, %dma_wait3A_73] : memref<2x16x10x4x2x128xi32, #tpu.memory_space<hbm>> -> memref<1x1x10x4x2x128xi32, #tpu.memory_space<hbm>>
      %dma_wait3A_75 = tpu.memref_squeeze %dma_wait3A_74 : memref<1x1x10x4x2x128xi32, #tpu.memory_space<hbm>> -> memref<10x4x2x128xi32, #tpu.memory_space<hbm>>
      %dma_wait3A_76 = arith.constant 0 : i32
      %dma_wait3A_77 = arith.constant 0 : i32
      %dma_wait3A_78 = arith.constant 0 : i32
      %dma_wait3A_79 = tpu.memref_slice %dma_wait3A_75[%mul3A_59, %dma_wait3A_76, %dma_wait3A_77, %dma_wait3A_78] : memref<10x4x2x128xi32, #tpu.memory_space<hbm>> -> memref<1x4x2x128xi32, #tpu.memory_space<hbm>>
      %dma_wait3A_80 = tpu.memref_squeeze %dma_wait3A_79 : memref<1x4x2x128xi32, #tpu.memory_space<hbm>> -> memref<4x2x128xi32, #tpu.memory_space<hbm>>
      tpu.wait_dma2 semaphore(%arg11 : memref<!tpu.dma_semaphore, #tpu.memory_space<semaphore_mem>>) src(%dma_wait3A_80 : memref<4x2x128xi32, #tpu.memory_space<hbm>>) dst(%arg6 : memref<4x2x128xi32, #tpu.memory_space<vmem>>)
      %mul3A_81 = arith.constant 2 : i32
      %mul3A_82 = arith.muli %mul3A_81, %scan3A_56 : i32
      %dma_start3A_83 = arith.constant 0 : i32
      %dma_start3A_84 = arith.constant 0 : i32
      %dma_start3A_85 = arith.constant 0 : i32
      %dma_start3A_86 = tpu.memref_slice %arg6[%dma_start3A_83, %dma_start3A_84, %dma_start3A_85] : memref<4x2x128xi32, #tpu.memory_space<vmem>> -> memref<1x1x128xi32, #tpu.memory_space<vmem>>
      %dma_start3A_87 = tpu.memref_squeeze %dma_start3A_86 : memref<1x1x128xi32, #tpu.memory_space<vmem>> -> memref<128xi32, #tpu.memory_space<vmem>>
      %dma_start3A_88 = arith.constant 0 : i32
      %dma_start3A_89 = arith.constant 0 : i32
      %dma_start3A_90 = tpu.memref_slice %arg2[%dma_start3A_88, %dma_start3A_89] : memref<20000x256xbf16, #tpu.memory_space<hbm>> -> memref<20000x256xbf16, #tpu.memory_space<hbm>>
      tpu.enqueue_indirect_dma source(%dma_start3A_90 : memref<20000x256xbf16, #tpu.memory_space<hbm>>) target(%arg8 : memref<128x256xbf16, #tpu.memory_space<vmem>>) offsets(%dma_start3A_87 : memref<128xi32, #tpu.memory_space<vmem>>) semaphore(%arg13 : memref<!tpu.dma_semaphore, #tpu.memory_space<semaphore_mem>>)
      %dma_start3A_91 = arith.constant 1 : i32
      %dma_start3A_92 = arith.constant 0 : i32
      %dma_start3A_93 = arith.constant 0 : i32
      %dma_start3A_94 = tpu.memref_slice %arg6[%dma_start3A_91, %dma_start3A_92, %dma_start3A_93] : memref<4x2x128xi32, #tpu.memory_space<vmem>> -> memref<1x1x128xi32, #tpu.memory_space<vmem>>
      %dma_start3A_95 = tpu.memref_squeeze %dma_start3A_94 : memref<1x1x128xi32, #tpu.memory_space<vmem>> -> memref<128xi32, #tpu.memory_space<vmem>>
      %dma_start3A_96 = arith.constant 0 : i32
      %dma_start3A_97 = arith.constant 0 : i32
      %dma_start3A_98 = tpu.memref_slice %arg2[%dma_start3A_96, %dma_start3A_97] : memref<20000x256xbf16, #tpu.memory_space<hbm>> -> memref<20000x256xbf16, #tpu.memory_space<hbm>>
      tpu.enqueue_indirect_dma source(%dma_start3A_98 : memref<20000x256xbf16, #tpu.memory_space<hbm>>) target(%arg9 : memref<128x256xbf16, #tpu.memory_space<vmem>>) offsets(%dma_start3A_95 : memref<128xi32, #tpu.memory_space<vmem>>) semaphore(%arg14 : memref<!tpu.dma_semaphore, #tpu.memory_space<semaphore_mem>>)
      %dma_wait3A_99 = arith.constant 0 : i32
      %dma_wait3A_100 = arith.constant 0 : i32
      %dma_wait3A_101 = arith.constant 0 : i32
      %dma_wait3A_102 = tpu.memref_slice %arg6[%dma_wait3A_99, %dma_wait3A_100, %dma_wait3A_101] : memref<4x2x128xi32, #tpu.memory_space<vmem>> -> memref<1x1x128xi32, #tpu.memory_space<vmem>>
      %dma_wait3A_103 = tpu.memref_squeeze %dma_wait3A_102 : memref<1x1x128xi32, #tpu.memory_space<vmem>> -> memref<128xi32, #tpu.memory_space<vmem>>
      %dma_wait3A_104 = arith.constant 0 : i32
      %dma_wait3A_105 = arith.constant 0 : i32
      %dma_wait3A_106 = tpu.memref_slice %arg2[%dma_wait3A_104, %dma_wait3A_105] : memref<20000x256xbf16, #tpu.memory_space<hbm>> -> memref<20000x256xbf16, #tpu.memory_space<hbm>>
      tpu.wait_indirect_dma semaphore(%arg13 : memref<!tpu.dma_semaphore, #tpu.memory_space<semaphore_mem>>) src(%dma_wait3A_106 : memref<20000x256xbf16, #tpu.memory_space<hbm>>) dst(%arg8 : memref<128x256xbf16, #tpu.memory_space<vmem>>)
      %run_scoped3A = arith.constant 0 : i32
      %run_scoped3A_107 = arith.constant 1 : i32
      "tpu.region"() ({
        %run_scoped3A_259 = tpu.sem_alloc : memref<!tpu.dma_semaphore, #tpu.memory_space<semaphore_mem>>
        %dma_start3A_260 = arith.constant 0 : i32
        %dma_start3A_261 = tpu.memref_slice %arg6[%run_scoped3A, %run_scoped3A_107, %dma_start3A_260] : memref<4x2x128xi32, #tpu.memory_space<vmem>> -> memref<1x1x128xi32, #tpu.memory_space<vmem>>
        %dma_start3A_262 = tpu.memref_squeeze %dma_start3A_261 : memref<1x1x128xi32, #tpu.memory_space<vmem>> -> memref<128xi32, #tpu.memory_space<vmem>>
        %dma_start3A_263 = arith.constant 0 : i32
        %dma_start3A_264 = arith.constant 0 : i32
        %dma_start3A_265 = tpu.memref_slice %arg10[%dma_start3A_263, %dma_start3A_264] : memref<10112x256xbf16, #tpu.memory_space<vmem_shared>> -> memref<10112x256xbf16, #tpu.memory_space<vmem_shared>>
        tpu.enqueue_indirect_dma source(%arg8 : memref<128x256xbf16, #tpu.memory_space<vmem>>) target(%dma_start3A_265 : memref<10112x256xbf16, #tpu.memory_space<vmem_shared>>) offsets(%dma_start3A_262 : memref<128xi32, #tpu.memory_space<vmem>>) semaphore(%run_scoped3A_259 : memref<!tpu.dma_semaphore, #tpu.memory_space<semaphore_mem>>) {add = true}
        %dma_wait3A_266 = arith.constant 0 : i32
        %dma_wait3A_267 = tpu.memref_slice %arg6[%run_scoped3A, %run_scoped3A_107, %dma_wait3A_266] : memref<4x2x128xi32, #tpu.memory_space<vmem>> -> memref<1x1x128xi32, #tpu.memory_space<vmem>>
        %dma_wait3A_268 = tpu.memref_squeeze %dma_wait3A_267 : memref<1x1x128xi32, #tpu.memory_space<vmem>> -> memref<128xi32, #tpu.memory_space<vmem>>
        %dma_wait3A_269 = arith.constant 0 : i32
        %dma_wait3A_270 = arith.constant 0 : i32
        %dma_wait3A_271 = tpu.memref_slice %arg10[%dma_wait3A_269, %dma_wait3A_270] : memref<10112x256xbf16, #tpu.memory_space<vmem_shared>> -> memref<10112x256xbf16, #tpu.memory_space<vmem_shared>>
        tpu.wait_indirect_dma semaphore(%run_scoped3A_259 : memref<!tpu.dma_semaphore, #tpu.memory_space<semaphore_mem>>) src(%arg8 : memref<128x256xbf16, #tpu.memory_space<vmem>>) dst(%dma_wait3A_271 : memref<10112x256xbf16, #tpu.memory_space<vmem_shared>>)
        tpu.yield
      }) : () -> ()
      %dma_start3A_108 = arith.constant 2 : i32
      %dma_start3A_109 = arith.constant 0 : i32
      %dma_start3A_110 = arith.constant 0 : i32
      %dma_start3A_111 = tpu.memref_slice %arg6[%dma_start3A_108, %dma_start3A_109, %dma_start3A_110] : memref<4x2x128xi32, #tpu.memory_space<vmem>> -> memref<1x1x128xi32, #tpu.memory_space<vmem>>
      %dma_start3A_112 = tpu.memref_squeeze %dma_start3A_111 : memref<1x1x128xi32, #tpu.memory_space<vmem>> -> memref<128xi32, #tpu.memory_space<vmem>>
      %dma_start3A_113 = arith.constant 0 : i32
      %dma_start3A_114 = arith.constant 0 : i32
      %dma_start3A_115 = tpu.memref_slice %arg2[%dma_start3A_113, %dma_start3A_114] : memref<20000x256xbf16, #tpu.memory_space<hbm>> -> memref<20000x256xbf16, #tpu.memory_space<hbm>>
      tpu.enqueue_indirect_dma source(%dma_start3A_115 : memref<20000x256xbf16, #tpu.memory_space<hbm>>) target(%arg8 : memref<128x256xbf16, #tpu.memory_space<vmem>>) offsets(%dma_start3A_112 : memref<128xi32, #tpu.memory_space<vmem>>) semaphore(%arg13 : memref<!tpu.dma_semaphore, #tpu.memory_space<semaphore_mem>>)
      %dma_wait3A_116 = arith.constant 1 : i32
      %dma_wait3A_117 = arith.constant 0 : i32
      %dma_wait3A_118 = arith.constant 0 : i32
      %dma_wait3A_119 = tpu.memref_slice %arg6[%dma_wait3A_116, %dma_wait3A_117, %dma_wait3A_118] : memref<4x2x128xi32, #tpu.memory_space<vmem>> -> memref<1x1x128xi32, #tpu.memory_space<vmem>>
      %dma_wait3A_120 = tpu.memref_squeeze %dma_wait3A_119 : memref<1x1x128xi32, #tpu.memory_space<vmem>> -> memref<128xi32, #tpu.memory_space<vmem>>
      %dma_wait3A_121 = arith.constant 0 : i32
      %dma_wait3A_122 = arith.constant 0 : i32
      %dma_wait3A_123 = tpu.memref_slice %arg2[%dma_wait3A_121, %dma_wait3A_122] : memref<20000x256xbf16, #tpu.memory_space<hbm>> -> memref<20000x256xbf16, #tpu.memory_space<hbm>>
      tpu.wait_indirect_dma semaphore(%arg14 : memref<!tpu.dma_semaphore, #tpu.memory_space<semaphore_mem>>) src(%dma_wait3A_123 : memref<20000x256xbf16, #tpu.memory_space<hbm>>) dst(%arg9 : memref<128x256xbf16, #tpu.memory_space<vmem>>)
      %run_scoped3A_124 = arith.constant 1 : i32
      %run_scoped3A_125 = arith.constant 1 : i32
      "tpu.region"() ({
        %run_scoped3A_259 = tpu.sem_alloc : memref<!tpu.dma_semaphore, #tpu.memory_space<semaphore_mem>>
        %dma_start3A_260 = arith.constant 0 : i32
        %dma_start3A_261 = tpu.memref_slice %arg6[%run_scoped3A_124, %run_scoped3A_125, %dma_start3A_260] : memref<4x2x128xi32, #tpu.memory_space<vmem>> -> memref<1x1x128xi32, #tpu.memory_space<vmem>>
        %dma_start3A_262 = tpu.memref_squeeze %dma_start3A_261 : memref<1x1x128xi32, #tpu.memory_space<vmem>> -> memref<128xi32, #tpu.memory_space<vmem>>
        %dma_start3A_263 = arith.constant 0 : i32
        %dma_start3A_264 = arith.constant 0 : i32
        %dma_start3A_265 = tpu.memref_slice %arg10[%dma_start3A_263, %dma_start3A_264] : memref<10112x256xbf16, #tpu.memory_space<vmem_shared>> -> memref<10112x256xbf16, #tpu.memory_space<vmem_shared>>
        tpu.enqueue_indirect_dma source(%arg9 : memref<128x256xbf16, #tpu.memory_space<vmem>>) target(%dma_start3A_265 : memref<10112x256xbf16, #tpu.memory_space<vmem_shared>>) offsets(%dma_start3A_262 : memref<128xi32, #tpu.memory_space<vmem>>) semaphore(%run_scoped3A_259 : memref<!tpu.dma_semaphore, #tpu.memory_space<semaphore_mem>>) {add = true}
        %dma_wait3A_266 = arith.constant 0 : i32
        %dma_wait3A_267 = tpu.memref_slice %arg6[%run_scoped3A_124, %run_scoped3A_125, %dma_wait3A_266] : memref<4x2x128xi32, #tpu.memory_space<vmem>> -> memref<1x1x128xi32, #tpu.memory_space<vmem>>
        %dma_wait3A_268 = tpu.memref_squeeze %dma_wait3A_267 : memref<1x1x128xi32, #tpu.memory_space<vmem>> -> memref<128xi32, #tpu.memory_space<vmem>>
        %dma_wait3A_269 = arith.constant 0 : i32
        %dma_wait3A_270 = arith.constant 0 : i32
        %dma_wait3A_271 = tpu.memref_slice %arg10[%dma_wait3A_269, %dma_wait3A_270] : memref<10112x256xbf16, #tpu.memory_space<vmem_shared>> -> memref<10112x256xbf16, #tpu.memory_space<vmem_shared>>
        tpu.wait_indirect_dma semaphore(%run_scoped3A_259 : memref<!tpu.dma_semaphore, #tpu.memory_space<semaphore_mem>>) src(%arg9 : memref<128x256xbf16, #tpu.memory_space<vmem>>) dst(%dma_wait3A_271 : memref<10112x256xbf16, #tpu.memory_space<vmem_shared>>)
        tpu.yield
      }) : () -> ()
      %dma_start3A_126 = arith.constant 3 : i32
      %dma_start3A_127 = arith.constant 0 : i32
      %dma_start3A_128 = arith.constant 0 : i32
      %dma_start3A_129 = tpu.memref_slice %arg6[%dma_start3A_126, %dma_start3A_127, %dma_start3A_128] : memref<4x2x128xi32, #tpu.memory_space<vmem>> -> memref<1x1x128xi32, #tpu.memory_space<vmem>>
      %dma_start3A_130 = tpu.memref_squeeze %dma_start3A_129 : memref<1x1x128xi32, #tpu.memory_space<vmem>> -> memref<128xi32, #tpu.memory_space<vmem>>
      %dma_start3A_131 = arith.constant 0 : i32
      %dma_start3A_132 = arith.constant 0 : i32
      %dma_start3A_133 = tpu.memref_slice %arg2[%dma_start3A_131, %dma_start3A_132] : memref<20000x256xbf16, #tpu.memory_space<hbm>> -> memref<20000x256xbf16, #tpu.memory_space<hbm>>
      tpu.enqueue_indirect_dma source(%dma_start3A_133 : memref<20000x256xbf16, #tpu.memory_space<hbm>>) target(%arg9 : memref<128x256xbf16, #tpu.memory_space<vmem>>) offsets(%dma_start3A_130 : memref<128xi32, #tpu.memory_space<vmem>>) semaphore(%arg14 : memref<!tpu.dma_semaphore, #tpu.memory_space<semaphore_mem>>)
      %dma_wait3A_134 = arith.constant 2 : i32
      %dma_wait3A_135 = arith.constant 0 : i32
      %dma_wait3A_136 = arith.constant 0 : i32
      %dma_wait3A_137 = tpu.memref_slice %arg6[%dma_wait3A_134, %dma_wait3A_135, %dma_wait3A_136] : memref<4x2x128xi32, #tpu.memory_space<vmem>> -> memref<1x1x128xi32, #tpu.memory_space<vmem>>
      %dma_wait3A_138 = tpu.memref_squeeze %dma_wait3A_137 : memref<1x1x128xi32, #tpu.memory_space<vmem>> -> memref<128xi32, #tpu.memory_space<vmem>>
      %dma_wait3A_139 = arith.constant 0 : i32
      %dma_wait3A_140 = arith.constant 0 : i32
      %dma_wait3A_141 = tpu.memref_slice %arg2[%dma_wait3A_139, %dma_wait3A_140] : memref<20000x256xbf16, #tpu.memory_space<hbm>> -> memref<20000x256xbf16, #tpu.memory_space<hbm>>
      tpu.wait_indirect_dma semaphore(%arg13 : memref<!tpu.dma_semaphore, #tpu.memory_space<semaphore_mem>>) src(%dma_wait3A_141 : memref<20000x256xbf16, #tpu.memory_space<hbm>>) dst(%arg8 : memref<128x256xbf16, #tpu.memory_space<vmem>>)
      %run_scoped3A_142 = arith.constant 2 : i32
      %run_scoped3A_143 = arith.constant 1 : i32
      "tpu.region"() ({
        %run_scoped3A_259 = tpu.sem_alloc : memref<!tpu.dma_semaphore, #tpu.memory_space<semaphore_mem>>
        %dma_start3A_260 = arith.constant 0 : i32
        %dma_start3A_261 = tpu.memref_slice %arg6[%run_scoped3A_142, %run_scoped3A_143, %dma_start3A_260] : memref<4x2x128xi32, #tpu.memory_space<vmem>> -> memref<1x1x128xi32, #tpu.memory_space<vmem>>
        %dma_start3A_262 = tpu.memref_squeeze %dma_start3A_261 : memref<1x1x128xi32, #tpu.memory_space<vmem>> -> memref<128xi32, #tpu.memory_space<vmem>>
        %dma_start3A_263 = arith.constant 0 : i32
        %dma_start3A_264 = arith.constant 0 : i32
        %dma_start3A_265 = tpu.memref_slice %arg10[%dma_start3A_263, %dma_start3A_264] : memref<10112x256xbf16, #tpu.memory_space<vmem_shared>> -> memref<10112x256xbf16, #tpu.memory_space<vmem_shared>>
        tpu.enqueue_indirect_dma source(%arg8 : memref<128x256xbf16, #tpu.memory_space<vmem>>) target(%dma_start3A_265 : memref<10112x256xbf16, #tpu.memory_space<vmem_shared>>) offsets(%dma_start3A_262 : memref<128xi32, #tpu.memory_space<vmem>>) semaphore(%run_scoped3A_259 : memref<!tpu.dma_semaphore, #tpu.memory_space<semaphore_mem>>) {add = true}
        %dma_wait3A_266 = arith.constant 0 : i32
        %dma_wait3A_267 = tpu.memref_slice %arg6[%run_scoped3A_142, %run_scoped3A_143, %dma_wait3A_266] : memref<4x2x128xi32, #tpu.memory_space<vmem>> -> memref<1x1x128xi32, #tpu.memory_space<vmem>>
        %dma_wait3A_268 = tpu.memref_squeeze %dma_wait3A_267 : memref<1x1x128xi32, #tpu.memory_space<vmem>> -> memref<128xi32, #tpu.memory_space<vmem>>
        %dma_wait3A_269 = arith.constant 0 : i32
        %dma_wait3A_270 = arith.constant 0 : i32
        %dma_wait3A_271 = tpu.memref_slice %arg10[%dma_wait3A_269, %dma_wait3A_270] : memref<10112x256xbf16, #tpu.memory_space<vmem_shared>> -> memref<10112x256xbf16, #tpu.memory_space<vmem_shared>>
        tpu.wait_indirect_dma semaphore(%run_scoped3A_259 : memref<!tpu.dma_semaphore, #tpu.memory_space<semaphore_mem>>) src(%arg8 : memref<128x256xbf16, #tpu.memory_space<vmem>>) dst(%dma_wait3A_271 : memref<10112x256xbf16, #tpu.memory_space<vmem_shared>>)
        tpu.yield
      }) : () -> ()
      %dma_wait3A_144 = arith.constant 3 : i32
      %dma_wait3A_145 = arith.constant 0 : i32
      %dma_wait3A_146 = arith.constant 0 : i32
      %dma_wait3A_147 = tpu.memref_slice %arg6[%dma_wait3A_144, %dma_wait3A_145, %dma_wait3A_146] : memref<4x2x128xi32, #tpu.memory_space<vmem>> -> memref<1x1x128xi32, #tpu.memory_space<vmem>>
      %dma_wait3A_148 = tpu.memref_squeeze %dma_wait3A_147 : memref<1x1x128xi32, #tpu.memory_space<vmem>> -> memref<128xi32, #tpu.memory_space<vmem>>
      %dma_wait3A_149 = arith.constant 0 : i32
      %dma_wait3A_150 = arith.constant 0 : i32
      %dma_wait3A_151 = tpu.memref_slice %arg2[%dma_wait3A_149, %dma_wait3A_150] : memref<20000x256xbf16, #tpu.memory_space<hbm>> -> memref<20000x256xbf16, #tpu.memory_space<hbm>>
      tpu.wait_indirect_dma semaphore(%arg14 : memref<!tpu.dma_semaphore, #tpu.memory_space<semaphore_mem>>) src(%dma_wait3A_151 : memref<20000x256xbf16, #tpu.memory_space<hbm>>) dst(%arg9 : memref<128x256xbf16, #tpu.memory_space<vmem>>)
      %run_scoped3A_152 = arith.constant 3 : i32
      %run_scoped3A_153 = arith.constant 1 : i32
      "tpu.region"() ({
        %run_scoped3A_259 = tpu.sem_alloc : memref<!tpu.dma_semaphore, #tpu.memory_space<semaphore_mem>>
        %dma_start3A_260 = arith.constant 0 : i32
        %dma_start3A_261 = tpu.memref_slice %arg6[%run_scoped3A_152, %run_scoped3A_153, %dma_start3A_260] : memref<4x2x128xi32, #tpu.memory_space<vmem>> -> memref<1x1x128xi32, #tpu.memory_space<vmem>>
        %dma_start3A_262 = tpu.memref_squeeze %dma_start3A_261 : memref<1x1x128xi32, #tpu.memory_space<vmem>> -> memref<128xi32, #tpu.memory_space<vmem>>
        %dma_start3A_263 = arith.constant 0 : i32
        %dma_start3A_264 = arith.constant 0 : i32
        %dma_start3A_265 = tpu.memref_slice %arg10[%dma_start3A_263, %dma_start3A_264] : memref<10112x256xbf16, #tpu.memory_space<vmem_shared>> -> memref<10112x256xbf16, #tpu.memory_space<vmem_shared>>
        tpu.enqueue_indirect_dma source(%arg9 : memref<128x256xbf16, #tpu.memory_space<vmem>>) target(%dma_start3A_265 : memref<10112x256xbf16, #tpu.memory_space<vmem_shared>>) offsets(%dma_start3A_262 : memref<128xi32, #tpu.memory_space<vmem>>) semaphore(%run_scoped3A_259 : memref<!tpu.dma_semaphore, #tpu.memory_space<semaphore_mem>>) {add = true}
        %dma_wait3A_266 = arith.constant 0 : i32
        %dma_wait3A_267 = tpu.memref_slice %arg6[%run_scoped3A_152, %run_scoped3A_153, %dma_wait3A_266] : memref<4x2x128xi32, #tpu.memory_space<vmem>> -> memref<1x1x128xi32, #tpu.memory_space<vmem>>
        %dma_wait3A_268 = tpu.memref_squeeze %dma_wait3A_267 : memref<1x1x128xi32, #tpu.memory_space<vmem>> -> memref<128xi32, #tpu.memory_space<vmem>>
        %dma_wait3A_269 = arith.constant 0 : i32
        %dma_wait3A_270 = arith.constant 0 : i32
        %dma_wait3A_271 = tpu.memref_slice %arg10[%dma_wait3A_269, %dma_wait3A_270] : memref<10112x256xbf16, #tpu.memory_space<vmem_shared>> -> memref<10112x256xbf16, #tpu.memory_space<vmem_shared>>
        tpu.wait_indirect_dma semaphore(%run_scoped3A_259 : memref<!tpu.dma_semaphore, #tpu.memory_space<semaphore_mem>>) src(%arg9 : memref<128x256xbf16, #tpu.memory_space<vmem>>) dst(%dma_wait3A_271 : memref<10112x256xbf16, #tpu.memory_space<vmem_shared>>)
        tpu.yield
      }) : () -> ()
      %convert_element_type3A = arith.extui %lt3A_57 : i1 to i32
      %cond3A = arith.constant 0 : i32
      %cond3A_154 = arith.cmpi ne, %convert_element_type3A, %cond3A : i32
      scf.if %cond3A_154 {
        %add3A_259 = arith.constant 2 : i32
        %add3A_260 = arith.addi %mul3A_82, %add3A_259 : i32
        %dma_start3A_261 = arith.constant 0 : i32
        %dma_start3A_262 = arith.constant 0 : i32
        %dma_start3A_263 = arith.constant 0 : i32
        %dma_start3A_264 = arith.constant 0 : i32
        %dma_start3A_265 = tpu.memref_slice %arg3[%arg0, %arg1, %dma_start3A_261, %dma_start3A_262, %dma_start3A_263, %dma_start3A_264] : memref<2x16x10x4x2x128xi32, #tpu.memory_space<hbm>> -> memref<1x1x10x4x2x128xi32, #tpu.memory_space<hbm>>
        %dma_start3A_266 = tpu.memref_squeeze %dma_start3A_265 : memref<1x1x10x4x2x128xi32, #tpu.memory_space<hbm>> -> memref<10x4x2x128xi32, #tpu.memory_space<hbm>>
        %dma_start3A_267 = arith.constant 0 : i32
        %dma_start3A_268 = arith.constant 0 : i32
        %dma_start3A_269 = arith.constant 0 : i32
        %dma_start3A_270 = tpu.memref_slice %dma_start3A_266[%add3A_260, %dma_start3A_267, %dma_start3A_268, %dma_start3A_269] : memref<10x4x2x128xi32, #tpu.memory_space<hbm>> -> memref<1x4x2x128xi32, #tpu.memory_space<hbm>>
        %dma_start3A_271 = tpu.memref_squeeze %dma_start3A_270 : memref<1x4x2x128xi32, #tpu.memory_space<hbm>> -> memref<4x2x128xi32, #tpu.memory_space<hbm>>
        %dma_start3A_272 = arith.constant 0 : i32
        %dma_start3A_273 = arith.constant 0 : i32
        %dma_start3A_274 = arith.constant 0 : i32
        %dma_start3A_275 = arith.constant 0 : i32
        %dma_start3A_276 = tpu.memref_slice %arg3[%arg0, %arg1, %dma_start3A_272, %dma_start3A_273, %dma_start3A_274, %dma_start3A_275] : memref<2x16x10x4x2x128xi32, #tpu.memory_space<hbm>> -> memref<1x1x10x4x2x128xi32, #tpu.memory_space<hbm>>
        %dma_start3A_277 = tpu.memref_squeeze %dma_start3A_276 : memref<1x1x10x4x2x128xi32, #tpu.memory_space<hbm>> -> memref<10x4x2x128xi32, #tpu.memory_space<hbm>>
        %dma_start3A_278 = arith.constant 0 : i32
        %dma_start3A_279 = arith.constant 0 : i32
        %dma_start3A_280 = arith.constant 0 : i32
        %dma_start3A_281 = tpu.memref_slice %dma_start3A_277[%add3A_260, %dma_start3A_278, %dma_start3A_279, %dma_start3A_280] : memref<10x4x2x128xi32, #tpu.memory_space<hbm>> -> memref<1x4x2x128xi32, #tpu.memory_space<hbm>>
        %dma_start3A_282 = tpu.memref_squeeze %dma_start3A_281 : memref<1x4x2x128xi32, #tpu.memory_space<hbm>> -> memref<4x2x128xi32, #tpu.memory_space<hbm>>
        tpu.enqueue_dma source(%dma_start3A_282 : memref<4x2x128xi32, #tpu.memory_space<hbm>>) target(%arg6 : memref<4x2x128xi32, #tpu.memory_space<vmem>>) target_semaphore(%arg11 : memref<!tpu.dma_semaphore, #tpu.memory_space<semaphore_mem>>)
      } else {
      }
      %mul3A_155 = arith.constant 2 : i32
      %mul3A_156 = arith.muli %mul3A_155, %scan3A_56 : i32
      %add3A = arith.constant 1 : i32
      %add3A_157 = arith.addi %mul3A_156, %add3A : i32
      %dma_wait3A_158 = arith.constant 0 : i32
      %dma_wait3A_159 = arith.constant 0 : i32
      %dma_wait3A_160 = arith.constant 0 : i32
      %dma_wait3A_161 = arith.constant 0 : i32
      %dma_wait3A_162 = tpu.memref_slice %arg3[%arg0, %arg1, %dma_wait3A_158, %dma_wait3A_159, %dma_wait3A_160, %dma_wait3A_161] : memref<2x16x10x4x2x128xi32, #tpu.memory_space<hbm>> -> memref<1x1x10x4x2x128xi32, #tpu.memory_space<hbm>>
      %dma_wait3A_163 = tpu.memref_squeeze %dma_wait3A_162 : memref<1x1x10x4x2x128xi32, #tpu.memory_space<hbm>> -> memref<10x4x2x128xi32, #tpu.memory_space<hbm>>
      %dma_wait3A_164 = arith.constant 0 : i32
      %dma_wait3A_165 = arith.constant 0 : i32
      %dma_wait3A_166 = arith.constant 0 : i32
      %dma_wait3A_167 = tpu.memref_slice %dma_wait3A_163[%add3A_157, %dma_wait3A_164, %dma_wait3A_165, %dma_wait3A_166] : memref<10x4x2x128xi32, #tpu.memory_space<hbm>> -> memref<1x4x2x128xi32, #tpu.memory_space<hbm>>
      %dma_wait3A_168 = tpu.memref_squeeze %dma_wait3A_167 : memref<1x4x2x128xi32, #tpu.memory_space<hbm>> -> memref<4x2x128xi32, #tpu.memory_space<hbm>>
      %dma_wait3A_169 = arith.constant 0 : i32
      %dma_wait3A_170 = arith.constant 0 : i32
      %dma_wait3A_171 = arith.constant 0 : i32
      %dma_wait3A_172 = arith.constant 0 : i32
      %dma_wait3A_173 = tpu.memref_slice %arg3[%arg0, %arg1, %dma_wait3A_169, %dma_wait3A_170, %dma_wait3A_171, %dma_wait3A_172] : memref<2x16x10x4x2x128xi32, #tpu.memory_space<hbm>> -> memref<1x1x10x4x2x128xi32, #tpu.memory_space<hbm>>
      %dma_wait3A_174 = tpu.memref_squeeze %dma_wait3A_173 : memref<1x1x10x4x2x128xi32, #tpu.memory_space<hbm>> -> memref<10x4x2x128xi32, #tpu.memory_space<hbm>>
      %dma_wait3A_175 = arith.constant 0 : i32
      %dma_wait3A_176 = arith.constant 0 : i32
      %dma_wait3A_177 = arith.constant 0 : i32
      %dma_wait3A_178 = tpu.memref_slice %dma_wait3A_174[%add3A_157, %dma_wait3A_175, %dma_wait3A_176, %dma_wait3A_177] : memref<10x4x2x128xi32, #tpu.memory_space<hbm>> -> memref<1x4x2x128xi32, #tpu.memory_space<hbm>>
      %dma_wait3A_179 = tpu.memref_squeeze %dma_wait3A_178 : memref<1x4x2x128xi32, #tpu.memory_space<hbm>> -> memref<4x2x128xi32, #tpu.memory_space<hbm>>
      tpu.wait_dma2 semaphore(%arg12 : memref<!tpu.dma_semaphore, #tpu.memory_space<semaphore_mem>>) src(%dma_wait3A_179 : memref<4x2x128xi32, #tpu.memory_space<hbm>>) dst(%arg7 : memref<4x2x128xi32, #tpu.memory_space<vmem>>)
      %mul3A_180 = arith.constant 2 : i32
      %mul3A_181 = arith.muli %mul3A_180, %scan3A_56 : i32
      %add3A_182 = arith.constant 1 : i32
      %add3A_183 = arith.addi %mul3A_181, %add3A_182 : i32
      %dma_start3A_184 = arith.constant 0 : i32
      %dma_start3A_185 = arith.constant 0 : i32
      %dma_start3A_186 = arith.constant 0 : i32
      %dma_start3A_187 = tpu.memref_slice %arg7[%dma_start3A_184, %dma_start3A_185, %dma_start3A_186] : memref<4x2x128xi32, #tpu.memory_space<vmem>> -> memref<1x1x128xi32, #tpu.memory_space<vmem>>
      %dma_start3A_188 = tpu.memref_squeeze %dma_start3A_187 : memref<1x1x128xi32, #tpu.memory_space<vmem>> -> memref<128xi32, #tpu.memory_space<vmem>>
      %dma_start3A_189 = arith.constant 0 : i32
      %dma_start3A_190 = arith.constant 0 : i32
      %dma_start3A_191 = tpu.memref_slice %arg2[%dma_start3A_189, %dma_start3A_190] : memref<20000x256xbf16, #tpu.memory_space<hbm>> -> memref<20000x256xbf16, #tpu.memory_space<hbm>>
      tpu.enqueue_indirect_dma source(%dma_start3A_191 : memref<20000x256xbf16, #tpu.memory_space<hbm>>) target(%arg8 : memref<128x256xbf16, #tpu.memory_space<vmem>>) offsets(%dma_start3A_188 : memref<128xi32, #tpu.memory_space<vmem>>) semaphore(%arg13 : memref<!tpu.dma_semaphore, #tpu.memory_space<semaphore_mem>>)
      %dma_start3A_192 = arith.constant 1 : i32
      %dma_start3A_193 = arith.constant 0 : i32
      %dma_start3A_194 = arith.constant 0 : i32
      %dma_start3A_195 = tpu.memref_slice %arg7[%dma_start3A_192, %dma_start3A_193, %dma_start3A_194] : memref<4x2x128xi32, #tpu.memory_space<vmem>> -> memref<1x1x128xi32, #tpu.memory_space<vmem>>
      %dma_start3A_196 = tpu.memref_squeeze %dma_start3A_195 : memref<1x1x128xi32, #tpu.memory_space<vmem>> -> memref<128xi32, #tpu.memory_space<vmem>>
      %dma_start3A_197 = arith.constant 0 : i32
      %dma_start3A_198 = arith.constant 0 : i32
      %dma_start3A_199 = tpu.memref_slice %arg2[%dma_start3A_197, %dma_start3A_198] : memref<20000x256xbf16, #tpu.memory_space<hbm>> -> memref<20000x256xbf16, #tpu.memory_space<hbm>>
      tpu.enqueue_indirect_dma source(%dma_start3A_199 : memref<20000x256xbf16, #tpu.memory_space<hbm>>) target(%arg9 : memref<128x256xbf16, #tpu.memory_space<vmem>>) offsets(%dma_start3A_196 : memref<128xi32, #tpu.memory_space<vmem>>) semaphore(%arg14 : memref<!tpu.dma_semaphore, #tpu.memory_space<semaphore_mem>>)
      %dma_wait3A_200 = arith.constant 0 : i32
      %dma_wait3A_201 = arith.constant 0 : i32
      %dma_wait3A_202 = arith.constant 0 : i32
      %dma_wait3A_203 = tpu.memref_slice %arg7[%dma_wait3A_200, %dma_wait3A_201, %dma_wait3A_202] : memref<4x2x128xi32, #tpu.memory_space<vmem>> -> memref<1x1x128xi32, #tpu.memory_space<vmem>>
      %dma_wait3A_204 = tpu.memref_squeeze %dma_wait3A_203 : memref<1x1x128xi32, #tpu.memory_space<vmem>> -> memref<128xi32, #tpu.memory_space<vmem>>
      %dma_wait3A_205 = arith.constant 0 : i32
      %dma_wait3A_206 = arith.constant 0 : i32
      %dma_wait3A_207 = tpu.memref_slice %arg2[%dma_wait3A_205, %dma_wait3A_206] : memref<20000x256xbf16, #tpu.memory_space<hbm>> -> memref<20000x256xbf16, #tpu.memory_space<hbm>>
      tpu.wait_indirect_dma semaphore(%arg13 : memref<!tpu.dma_semaphore, #tpu.memory_space<semaphore_mem>>) src(%dma_wait3A_207 : memref<20000x256xbf16, #tpu.memory_space<hbm>>) dst(%arg8 : memref<128x256xbf16, #tpu.memory_space<vmem>>)
      %run_scoped3A_208 = arith.constant 0 : i32
      %run_scoped3A_209 = arith.constant 1 : i32
      "tpu.region"() ({
        %run_scoped3A_259 = tpu.sem_alloc : memref<!tpu.dma_semaphore, #tpu.memory_space<semaphore_mem>>
        %dma_start3A_260 = arith.constant 0 : i32
        %dma_start3A_261 = tpu.memref_slice %arg7[%run_scoped3A_208, %run_scoped3A_209, %dma_start3A_260] : memref<4x2x128xi32, #tpu.memory_space<vmem>> -> memref<1x1x128xi32, #tpu.memory_space<vmem>>
        %dma_start3A_262 = tpu.memref_squeeze %dma_start3A_261 : memref<1x1x128xi32, #tpu.memory_space<vmem>> -> memref<128xi32, #tpu.memory_space<vmem>>
        %dma_start3A_263 = arith.constant 0 : i32
        %dma_start3A_264 = arith.constant 0 : i32
        %dma_start3A_265 = tpu.memref_slice %arg10[%dma_start3A_263, %dma_start3A_264] : memref<10112x256xbf16, #tpu.memory_space<vmem_shared>> -> memref<10112x256xbf16, #tpu.memory_space<vmem_shared>>
        tpu.enqueue_indirect_dma source(%arg8 : memref<128x256xbf16, #tpu.memory_space<vmem>>) target(%dma_start3A_265 : memref<10112x256xbf16, #tpu.memory_space<vmem_shared>>) offsets(%dma_start3A_262 : memref<128xi32, #tpu.memory_space<vmem>>) semaphore(%run_scoped3A_259 : memref<!tpu.dma_semaphore, #tpu.memory_space<semaphore_mem>>) {add = true}
        %dma_wait3A_266 = arith.constant 0 : i32
        %dma_wait3A_267 = tpu.memref_slice %arg7[%run_scoped3A_208, %run_scoped3A_209, %dma_wait3A_266] : memref<4x2x128xi32, #tpu.memory_space<vmem>> -> memref<1x1x128xi32, #tpu.memory_space<vmem>>
        %dma_wait3A_268 = tpu.memref_squeeze %dma_wait3A_267 : memref<1x1x128xi32, #tpu.memory_space<vmem>> -> memref<128xi32, #tpu.memory_space<vmem>>
        %dma_wait3A_269 = arith.constant 0 : i32
        %dma_wait3A_270 = arith.constant 0 : i32
        %dma_wait3A_271 = tpu.memref_slice %arg10[%dma_wait3A_269, %dma_wait3A_270] : memref<10112x256xbf16, #tpu.memory_space<vmem_shared>> -> memref<10112x256xbf16, #tpu.memory_space<vmem_shared>>
        tpu.wait_indirect_dma semaphore(%run_scoped3A_259 : memref<!tpu.dma_semaphore, #tpu.memory_space<semaphore_mem>>) src(%arg8 : memref<128x256xbf16, #tpu.memory_space<vmem>>) dst(%dma_wait3A_271 : memref<10112x256xbf16, #tpu.memory_space<vmem_shared>>)
        tpu.yield
      }) : () -> ()
      %dma_start3A_210 = arith.constant 2 : i32
      %dma_start3A_211 = arith.constant 0 : i32
      %dma_start3A_212 = arith.constant 0 : i32
      %dma_start3A_213 = tpu.memref_slice %arg7[%dma_start3A_210, %dma_start3A_211, %dma_start3A_212] : memref<4x2x128xi32, #tpu.memory_space<vmem>> -> memref<1x1x128xi32, #tpu.memory_space<vmem>>
      %dma_start3A_214 = tpu.memref_squeeze %dma_start3A_213 : memref<1x1x128xi32, #tpu.memory_space<vmem>> -> memref<128xi32, #tpu.memory_space<vmem>>
      %dma_start3A_215 = arith.constant 0 : i32
      %dma_start3A_216 = arith.constant 0 : i32
      %dma_start3A_217 = tpu.memref_slice %arg2[%dma_start3A_215, %dma_start3A_216] : memref<20000x256xbf16, #tpu.memory_space<hbm>> -> memref<20000x256xbf16, #tpu.memory_space<hbm>>
      tpu.enqueue_indirect_dma source(%dma_start3A_217 : memref<20000x256xbf16, #tpu.memory_space<hbm>>) target(%arg8 : memref<128x256xbf16, #tpu.memory_space<vmem>>) offsets(%dma_start3A_214 : memref<128xi32, #tpu.memory_space<vmem>>) semaphore(%arg13 : memref<!tpu.dma_semaphore, #tpu.memory_space<semaphore_mem>>)
      %dma_wait3A_218 = arith.constant 1 : i32
      %dma_wait3A_219 = arith.constant 0 : i32
      %dma_wait3A_220 = arith.constant 0 : i32
      %dma_wait3A_221 = tpu.memref_slice %arg7[%dma_wait3A_218, %dma_wait3A_219, %dma_wait3A_220] : memref<4x2x128xi32, #tpu.memory_space<vmem>> -> memref<1x1x128xi32, #tpu.memory_space<vmem>>
      %dma_wait3A_222 = tpu.memref_squeeze %dma_wait3A_221 : memref<1x1x128xi32, #tpu.memory_space<vmem>> -> memref<128xi32, #tpu.memory_space<vmem>>
      %dma_wait3A_223 = arith.constant 0 : i32
      %dma_wait3A_224 = arith.constant 0 : i32
      %dma_wait3A_225 = tpu.memref_slice %arg2[%dma_wait3A_223, %dma_wait3A_224] : memref<20000x256xbf16, #tpu.memory_space<hbm>> -> memref<20000x256xbf16, #tpu.memory_space<hbm>>
      tpu.wait_indirect_dma semaphore(%arg14 : memref<!tpu.dma_semaphore, #tpu.memory_space<semaphore_mem>>) src(%dma_wait3A_225 : memref<20000x256xbf16, #tpu.memory_space<hbm>>) dst(%arg9 : memref<128x256xbf16, #tpu.memory_space<vmem>>)
      %run_scoped3A_226 = arith.constant 1 : i32
      %run_scoped3A_227 = arith.constant 1 : i32
      "tpu.region"() ({
        %run_scoped3A_259 = tpu.sem_alloc : memref<!tpu.dma_semaphore, #tpu.memory_space<semaphore_mem>>
        %dma_start3A_260 = arith.constant 0 : i32
        %dma_start3A_261 = tpu.memref_slice %arg7[%run_scoped3A_226, %run_scoped3A_227, %dma_start3A_260] : memref<4x2x128xi32, #tpu.memory_space<vmem>> -> memref<1x1x128xi32, #tpu.memory_space<vmem>>
        %dma_start3A_262 = tpu.memref_squeeze %dma_start3A_261 : memref<1x1x128xi32, #tpu.memory_space<vmem>> -> memref<128xi32, #tpu.memory_space<vmem>>
        %dma_start3A_263 = arith.constant 0 : i32
        %dma_start3A_264 = arith.constant 0 : i32
        %dma_start3A_265 = tpu.memref_slice %arg10[%dma_start3A_263, %dma_start3A_264] : memref<10112x256xbf16, #tpu.memory_space<vmem_shared>> -> memref<10112x256xbf16, #tpu.memory_space<vmem_shared>>
        tpu.enqueue_indirect_dma source(%arg9 : memref<128x256xbf16, #tpu.memory_space<vmem>>) target(%dma_start3A_265 : memref<10112x256xbf16, #tpu.memory_space<vmem_shared>>) offsets(%dma_start3A_262 : memref<128xi32, #tpu.memory_space<vmem>>) semaphore(%run_scoped3A_259 : memref<!tpu.dma_semaphore, #tpu.memory_space<semaphore_mem>>) {add = true}
        %dma_wait3A_266 = arith.constant 0 : i32
        %dma_wait3A_267 = tpu.memref_slice %arg7[%run_scoped3A_226, %run_scoped3A_227, %dma_wait3A_266] : memref<4x2x128xi32, #tpu.memory_space<vmem>> -> memref<1x1x128xi32, #tpu.memory_space<vmem>>
        %dma_wait3A_268 = tpu.memref_squeeze %dma_wait3A_267 : memref<1x1x128xi32, #tpu.memory_space<vmem>> -> memref<128xi32, #tpu.memory_space<vmem>>
        %dma_wait3A_269 = arith.constant 0 : i32
        %dma_wait3A_270 = arith.constant 0 : i32
        %dma_wait3A_271 = tpu.memref_slice %arg10[%dma_wait3A_269, %dma_wait3A_270] : memref<10112x256xbf16, #tpu.memory_space<vmem_shared>> -> memref<10112x256xbf16, #tpu.memory_space<vmem_shared>>
        tpu.wait_indirect_dma semaphore(%run_scoped3A_259 : memref<!tpu.dma_semaphore, #tpu.memory_space<semaphore_mem>>) src(%arg9 : memref<128x256xbf16, #tpu.memory_space<vmem>>) dst(%dma_wait3A_271 : memref<10112x256xbf16, #tpu.memory_space<vmem_shared>>)
        tpu.yield
      }) : () -> ()
      %dma_start3A_228 = arith.constant 3 : i32
      %dma_start3A_229 = arith.constant 0 : i32
      %dma_start3A_230 = arith.constant 0 : i32
      %dma_start3A_231 = tpu.memref_slice %arg7[%dma_start3A_228, %dma_start3A_229, %dma_start3A_230] : memref<4x2x128xi32, #tpu.memory_space<vmem>> -> memref<1x1x128xi32, #tpu.memory_space<vmem>>
      %dma_start3A_232 = tpu.memref_squeeze %dma_start3A_231 : memref<1x1x128xi32, #tpu.memory_space<vmem>> -> memref<128xi32, #tpu.memory_space<vmem>>
      %dma_start3A_233 = arith.constant 0 : i32
      %dma_start3A_234 = arith.constant 0 : i32
      %dma_start3A_235 = tpu.memref_slice %arg2[%dma_start3A_233, %dma_start3A_234] : memref<20000x256xbf16, #tpu.memory_space<hbm>> -> memref<20000x256xbf16, #tpu.memory_space<hbm>>
      tpu.enqueue_indirect_dma source(%dma_start3A_235 : memref<20000x256xbf16, #tpu.memory_space<hbm>>) target(%arg9 : memref<128x256xbf16, #tpu.memory_space<vmem>>) offsets(%dma_start3A_232 : memref<128xi32, #tpu.memory_space<vmem>>) semaphore(%arg14 : memref<!tpu.dma_semaphore, #tpu.memory_space<semaphore_mem>>)
      %dma_wait3A_236 = arith.constant 2 : i32
      %dma_wait3A_237 = arith.constant 0 : i32
      %dma_wait3A_238 = arith.constant 0 : i32
      %dma_wait3A_239 = tpu.memref_slice %arg7[%dma_wait3A_236, %dma_wait3A_237, %dma_wait3A_238] : memref<4x2x128xi32, #tpu.memory_space<vmem>> -> memref<1x1x128xi32, #tpu.memory_space<vmem>>
      %dma_wait3A_240 = tpu.memref_squeeze %dma_wait3A_239 : memref<1x1x128xi32, #tpu.memory_space<vmem>> -> memref<128xi32, #tpu.memory_space<vmem>>
      %dma_wait3A_241 = arith.constant 0 : i32
      %dma_wait3A_242 = arith.constant 0 : i32
      %dma_wait3A_243 = tpu.memref_slice %arg2[%dma_wait3A_241, %dma_wait3A_242] : memref<20000x256xbf16, #tpu.memory_space<hbm>> -> memref<20000x256xbf16, #tpu.memory_space<hbm>>
      tpu.wait_indirect_dma semaphore(%arg13 : memref<!tpu.dma_semaphore, #tpu.memory_space<semaphore_mem>>) src(%dma_wait3A_243 : memref<20000x256xbf16, #tpu.memory_space<hbm>>) dst(%arg8 : memref<128x256xbf16, #tpu.memory_space<vmem>>)
      %run_scoped3A_244 = arith.constant 2 : i32
      %run_scoped3A_245 = arith.constant 1 : i32
      "tpu.region"() ({
        %run_scoped3A_259 = tpu.sem_alloc : memref<!tpu.dma_semaphore, #tpu.memory_space<semaphore_mem>>
        %dma_start3A_260 = arith.constant 0 : i32
        %dma_start3A_261 = tpu.memref_slice %arg7[%run_scoped3A_244, %run_scoped3A_245, %dma_start3A_260] : memref<4x2x128xi32, #tpu.memory_space<vmem>> -> memref<1x1x128xi32, #tpu.memory_space<vmem>>
        %dma_start3A_262 = tpu.memref_squeeze %dma_start3A_261 : memref<1x1x128xi32, #tpu.memory_space<vmem>> -> memref<128xi32, #tpu.memory_space<vmem>>
        %dma_start3A_263 = arith.constant 0 : i32
        %dma_start3A_264 = arith.constant 0 : i32
        %dma_start3A_265 = tpu.memref_slice %arg10[%dma_start3A_263, %dma_start3A_264] : memref<10112x256xbf16, #tpu.memory_space<vmem_shared>> -> memref<10112x256xbf16, #tpu.memory_space<vmem_shared>>
        tpu.enqueue_indirect_dma source(%arg8 : memref<128x256xbf16, #tpu.memory_space<vmem>>) target(%dma_start3A_265 : memref<10112x256xbf16, #tpu.memory_space<vmem_shared>>) offsets(%dma_start3A_262 : memref<128xi32, #tpu.memory_space<vmem>>) semaphore(%run_scoped3A_259 : memref<!tpu.dma_semaphore, #tpu.memory_space<semaphore_mem>>) {add = true}
        %dma_wait3A_266 = arith.constant 0 : i32
        %dma_wait3A_267 = tpu.memref_slice %arg7[%run_scoped3A_244, %run_scoped3A_245, %dma_wait3A_266] : memref<4x2x128xi32, #tpu.memory_space<vmem>> -> memref<1x1x128xi32, #tpu.memory_space<vmem>>
        %dma_wait3A_268 = tpu.memref_squeeze %dma_wait3A_267 : memref<1x1x128xi32, #tpu.memory_space<vmem>> -> memref<128xi32, #tpu.memory_space<vmem>>
        %dma_wait3A_269 = arith.constant 0 : i32
        %dma_wait3A_270 = arith.constant 0 : i32
        %dma_wait3A_271 = tpu.memref_slice %arg10[%dma_wait3A_269, %dma_wait3A_270] : memref<10112x256xbf16, #tpu.memory_space<vmem_shared>> -> memref<10112x256xbf16, #tpu.memory_space<vmem_shared>>
        tpu.wait_indirect_dma semaphore(%run_scoped3A_259 : memref<!tpu.dma_semaphore, #tpu.memory_space<semaphore_mem>>) src(%arg8 : memref<128x256xbf16, #tpu.memory_space<vmem>>) dst(%dma_wait3A_271 : memref<10112x256xbf16, #tpu.memory_space<vmem_shared>>)
        tpu.yield
      }) : () -> ()
      %dma_wait3A_246 = arith.constant 3 : i32
      %dma_wait3A_247 = arith.constant 0 : i32
      %dma_wait3A_248 = arith.constant 0 : i32
      %dma_wait3A_249 = tpu.memref_slice %arg7[%dma_wait3A_246, %dma_wait3A_247, %dma_wait3A_248] : memref<4x2x128xi32, #tpu.memory_space<vmem>> -> memref<1x1x128xi32, #tpu.memory_space<vmem>>
      %dma_wait3A_250 = tpu.memref_squeeze %dma_wait3A_249 : memref<1x1x128xi32, #tpu.memory_space<vmem>> -> memref<128xi32, #tpu.memory_space<vmem>>
      %dma_wait3A_251 = arith.constant 0 : i32
      %dma_wait3A_252 = arith.constant 0 : i32
      %dma_wait3A_253 = tpu.memref_slice %arg2[%dma_wait3A_251, %dma_wait3A_252] : memref<20000x256xbf16, #tpu.memory_space<hbm>> -> memref<20000x256xbf16, #tpu.memory_space<hbm>>
      tpu.wait_indirect_dma semaphore(%arg14 : memref<!tpu.dma_semaphore, #tpu.memory_space<semaphore_mem>>) src(%dma_wait3A_253 : memref<20000x256xbf16, #tpu.memory_space<hbm>>) dst(%arg9 : memref<128x256xbf16, #tpu.memory_space<vmem>>)
      %run_scoped3A_254 = arith.constant 3 : i32
      %run_scoped3A_255 = arith.constant 1 : i32
      "tpu.region"() ({
        %run_scoped3A_259 = tpu.sem_alloc : memref<!tpu.dma_semaphore, #tpu.memory_space<semaphore_mem>>
        %dma_start3A_260 = arith.constant 0 : i32
        %dma_start3A_261 = tpu.memref_slice %arg7[%run_scoped3A_254, %run_scoped3A_255, %dma_start3A_260] : memref<4x2x128xi32, #tpu.memory_space<vmem>> -> memref<1x1x128xi32, #tpu.memory_space<vmem>>
        %dma_start3A_262 = tpu.memref_squeeze %dma_start3A_261 : memref<1x1x128xi32, #tpu.memory_space<vmem>> -> memref<128xi32, #tpu.memory_space<vmem>>
        %dma_start3A_263 = arith.constant 0 : i32
        %dma_start3A_264 = arith.constant 0 : i32
        %dma_start3A_265 = tpu.memref_slice %arg10[%dma_start3A_263, %dma_start3A_264] : memref<10112x256xbf16, #tpu.memory_space<vmem_shared>> -> memref<10112x256xbf16, #tpu.memory_space<vmem_shared>>
        tpu.enqueue_indirect_dma source(%arg9 : memref<128x256xbf16, #tpu.memory_space<vmem>>) target(%dma_start3A_265 : memref<10112x256xbf16, #tpu.memory_space<vmem_shared>>) offsets(%dma_start3A_262 : memref<128xi32, #tpu.memory_space<vmem>>) semaphore(%run_scoped3A_259 : memref<!tpu.dma_semaphore, #tpu.memory_space<semaphore_mem>>) {add = true}
        %dma_wait3A_266 = arith.constant 0 : i32
        %dma_wait3A_267 = tpu.memref_slice %arg7[%run_scoped3A_254, %run_scoped3A_255, %dma_wait3A_266] : memref<4x2x128xi32, #tpu.memory_space<vmem>> -> memref<1x1x128xi32, #tpu.memory_space<vmem>>
        %dma_wait3A_268 = tpu.memref_squeeze %dma_wait3A_267 : memref<1x1x128xi32, #tpu.memory_space<vmem>> -> memref<128xi32, #tpu.memory_space<vmem>>
        %dma_wait3A_269 = arith.constant 0 : i32
        %dma_wait3A_270 = arith.constant 0 : i32
        %dma_wait3A_271 = tpu.memref_slice %arg10[%dma_wait3A_269, %dma_wait3A_270] : memref<10112x256xbf16, #tpu.memory_space<vmem_shared>> -> memref<10112x256xbf16, #tpu.memory_space<vmem_shared>>
        tpu.wait_indirect_dma semaphore(%run_scoped3A_259 : memref<!tpu.dma_semaphore, #tpu.memory_space<semaphore_mem>>) src(%arg9 : memref<128x256xbf16, #tpu.memory_space<vmem>>) dst(%dma_wait3A_271 : memref<10112x256xbf16, #tpu.memory_space<vmem_shared>>)
        tpu.yield
      }) : () -> ()
      %convert_element_type3A_256 = arith.extui %lt3A_57 : i1 to i32
      %cond3A_257 = arith.constant 0 : i32
      %cond3A_258 = arith.cmpi ne, %convert_element_type3A_256, %cond3A_257 : i32
      scf.if %cond3A_258 {
        %add3A_259 = arith.constant 2 : i32
        %add3A_260 = arith.addi %add3A_183, %add3A_259 : i32
        %dma_start3A_261 = arith.constant 0 : i32
        %dma_start3A_262 = arith.constant 0 : i32
        %dma_start3A_263 = arith.constant 0 : i32
        %dma_start3A_264 = arith.constant 0 : i32
        %dma_start3A_265 = tpu.memref_slice %arg3[%arg0, %arg1, %dma_start3A_261, %dma_start3A_262, %dma_start3A_263, %dma_start3A_264] : memref<2x16x10x4x2x128xi32, #tpu.memory_space<hbm>> -> memref<1x1x10x4x2x128xi32, #tpu.memory_space<hbm>>
        %dma_start3A_266 = tpu.memref_squeeze %dma_start3A_265 : memref<1x1x10x4x2x128xi32, #tpu.memory_space<hbm>> -> memref<10x4x2x128xi32, #tpu.memory_space<hbm>>
        %dma_start3A_267 = arith.constant 0 : i32
        %dma_start3A_268 = arith.constant 0 : i32
        %dma_start3A_269 = arith.constant 0 : i32
        %dma_start3A_270 = tpu.memref_slice %dma_start3A_266[%add3A_260, %dma_start3A_267, %dma_start3A_268, %dma_start3A_269] : memref<10x4x2x128xi32, #tpu.memory_space<hbm>> -> memref<1x4x2x128xi32, #tpu.memory_space<hbm>>
        %dma_start3A_271 = tpu.memref_squeeze %dma_start3A_270 : memref<1x4x2x128xi32, #tpu.memory_space<hbm>> -> memref<4x2x128xi32, #tpu.memory_space<hbm>>
        %dma_start3A_272 = arith.constant 0 : i32
        %dma_start3A_273 = arith.constant 0 : i32
        %dma_start3A_274 = arith.constant 0 : i32
        %dma_start3A_275 = arith.constant 0 : i32
        %dma_start3A_276 = tpu.memref_slice %arg3[%arg0, %arg1, %dma_start3A_272, %dma_start3A_273, %dma_start3A_274, %dma_start3A_275] : memref<2x16x10x4x2x128xi32, #tpu.memory_space<hbm>> -> memref<1x1x10x4x2x128xi32, #tpu.memory_space<hbm>>
        %dma_start3A_277 = tpu.memref_squeeze %dma_start3A_276 : memref<1x1x10x4x2x128xi32, #tpu.memory_space<hbm>> -> memref<10x4x2x128xi32, #tpu.memory_space<hbm>>
        %dma_start3A_278 = arith.constant 0 : i32
        %dma_start3A_279 = arith.constant 0 : i32
        %dma_start3A_280 = arith.constant 0 : i32
        %dma_start3A_281 = tpu.memref_slice %dma_start3A_277[%add3A_260, %dma_start3A_278, %dma_start3A_279, %dma_start3A_280] : memref<10x4x2x128xi32, #tpu.memory_space<hbm>> -> memref<1x4x2x128xi32, #tpu.memory_space<hbm>>
        %dma_start3A_282 = tpu.memref_squeeze %dma_start3A_281 : memref<1x4x2x128xi32, #tpu.memory_space<hbm>> -> memref<4x2x128xi32, #tpu.memory_space<hbm>>
        tpu.enqueue_dma source(%dma_start3A_282 : memref<4x2x128xi32, #tpu.memory_space<hbm>>) target(%arg7 : memref<4x2x128xi32, #tpu.memory_space<vmem>>) target_semaphore(%arg12 : memref<!tpu.dma_semaphore, #tpu.memory_space<semaphore_mem>>)
      } else {
      }
    }
    %scan3A_50 = arith.constant 5 : i32
    %barrier3A_51 = arith.constant 0 : index
    tpu.barrier barrier_id(%barrier3A_51)
    %mul3A_52 = arith.constant 632 : i32
    %mul3A_53 = arith.muli %arg1, %mul3A_52 : i32
    %mul3A_54 = arith.constant 632 : i32
    %mul3A_55 = arith.muli %arg1, %mul3A_54 : i32
    "tpu.region"() ({
      %run_scoped3A = tpu.sem_alloc : memref<!tpu.dma_semaphore, #tpu.memory_space<semaphore_mem>>
      %dma_start3A_56 = arith.constant 0 : i32
      %dma_start3A_57 = tpu.memref_slice %arg5[%arg0, %mul3A_55, %dma_start3A_56] : memref<2x10112x256xbf16, #tpu.memory_space<hbm>> -> memref<1x632x256xbf16, #tpu.memory_space<hbm>>
      %dma_start3A_58 = tpu.memref_squeeze %dma_start3A_57 : memref<1x632x256xbf16, #tpu.memory_space<hbm>> -> memref<632x256xbf16, #tpu.memory_space<hbm>>
      %dma_start3A_59 = arith.constant 0 : i32
      %dma_start3A_60 = tpu.memref_slice %arg10[%mul3A_53, %dma_start3A_59] : memref<10112x256xbf16, #tpu.memory_space<vmem_shared>> -> memref<632x256xbf16, #tpu.memory_space<vmem_shared>>
      tpu.enqueue_dma source(%dma_start3A_60 : memref<632x256xbf16, #tpu.memory_space<vmem_shared>>) target(%dma_start3A_58 : memref<632x256xbf16, #tpu.memory_space<hbm>>) target_semaphore(%run_scoped3A : memref<!tpu.dma_semaphore, #tpu.memory_space<semaphore_mem>>)
      %dma_wait3A = arith.constant 0 : i32
      %dma_wait3A_61 = tpu.memref_slice %arg5[%arg0, %mul3A_55, %dma_wait3A] : memref<2x10112x256xbf16, #tpu.memory_space<hbm>> -> memref<1x632x256xbf16, #tpu.memory_space<hbm>>
      %dma_wait3A_62 = tpu.memref_squeeze %dma_wait3A_61 : memref<1x632x256xbf16, #tpu.memory_space<hbm>> -> memref<632x256xbf16, #tpu.memory_space<hbm>>
      %dma_wait3A_63 = arith.constant 0 : i32
      %dma_wait3A_64 = tpu.memref_slice %arg10[%mul3A_53, %dma_wait3A_63] : memref<10112x256xbf16, #tpu.memory_space<vmem_shared>> -> memref<632x256xbf16, #tpu.memory_space<vmem_shared>>
      tpu.wait_dma2 semaphore(%run_scoped3A : memref<!tpu.dma_semaphore, #tpu.memory_space<semaphore_mem>>) src(%dma_wait3A_64 : memref<632x256xbf16, #tpu.memory_space<vmem_shared>>) dst(%dma_wait3A_62 : memref<632x256xbf16, #tpu.memory_space<hbm>>)
      tpu.yield
    }) : () -> ()
    return
  }
}

module attributes {stable_mosaic.version = 14 : i64} {
  func.func @_front_body(%arg0: i32, %arg1: memref<2000x256xf32, #tpu.memory_space<vmem>>, %arg2: memref<2x2000x256xbf16, #tpu.memory_space<vmem>>, %arg3: memref<2000x8xf32, #tpu.memory_space<vmem>>, %arg4: memref<256x8xf32, #tpu.memory_space<vmem>>, %arg5: memref<256x8xf32, #tpu.memory_space<vmem>>, %arg6: memref<1x8xf32, #tpu.memory_space<vmem>>, %arg7: memref<8x256x256xf32, #tpu.memory_space<vmem>>, %arg8: memref<8x256x40xf32, #tpu.memory_space<vmem>>, %arg9: memref<2000x8xf32, #tpu.memory_space<vmem>>, %arg10: memref<2000x320xbf16, #tpu.memory_space<vmem>>) attributes {dimension_semantics = [#tpu.dimension_semantics<arbitrary>], iteration_bounds = array<i64: 5>, scalar_prefetch = 0 : i64, scratch_operands = 0 : i64, tpu.core_type = #tpu.core_type<tc>, window_params = [{transform_indices = @transform_0, window_bounds = array<i64: 2000, 256>}, {transform_indices = @transform_1, window_bounds = array<i64: 2, 2000, 256>}, {transform_indices = @transform_2, window_bounds = array<i64: 2000, 8>}, {pipeline_mode = #tpu.pipeline_mode<synchronous>, transform_indices = @transform_3, window_bounds = array<i64: 256, 8>}, {pipeline_mode = #tpu.pipeline_mode<synchronous>, transform_indices = @transform_4, window_bounds = array<i64: 256, 8>}, {pipeline_mode = #tpu.pipeline_mode<synchronous>, transform_indices = @transform_5, window_bounds = array<i64: 1, 8>}, {pipeline_mode = #tpu.pipeline_mode<synchronous>, transform_indices = @transform_6, window_bounds = array<i64: 8, 256, 256>}, {pipeline_mode = #tpu.pipeline_mode<synchronous>, transform_indices = @transform_7, window_bounds = array<i64: 8, 256, 40>}, {transform_indices = @transform_8, window_bounds = array<i64: 2000, 8>}, {transform_indices = @transform_9, window_bounds = array<i64: 2000, 320>}]} {
    %get3A = arith.constant 0 : index
    %get3A_0 = arith.constant 0 : index
    %get3A_1 = vector.load %arg1[%get3A, %get3A_0] : memref<2000x256xf32, #tpu.memory_space<vmem>>, vector<2000x256xf32>
    %get3A_2 = arith.constant 0 : index
    %get3A_3 = arith.constant 0 : index
    %get3A_4 = arith.constant 0 : index
    %get3A_5 = vector.load %arg2[%get3A_2, %get3A_3, %get3A_4] : memref<2x2000x256xbf16, #tpu.memory_space<vmem>>, vector<1x2000x256xbf16>
    %get3A_6 = vector.shape_cast %get3A_5 : vector<1x2000x256xbf16> to vector<2000x256xbf16>
    %get3A_7 = arith.constant 1 : index
    %get3A_8 = arith.constant 0 : index
    %get3A_9 = arith.constant 0 : index
    %get3A_10 = vector.load %arg2[%get3A_7, %get3A_8, %get3A_9] : memref<2x2000x256xbf16, #tpu.memory_space<vmem>>, vector<1x2000x256xbf16>
    %get3A_11 = vector.shape_cast %get3A_10 : vector<1x2000x256xbf16> to vector<2000x256xbf16>
    %add3A = arith.addf %get3A_6, %get3A_11 : vector<2000x256xbf16>
    %convert_element_type3A = arith.extf %add3A : vector<2000x256xbf16> to vector<2000x256xf32>
    %add3A_12 = arith.addf %get3A_1, %convert_element_type3A : vector<2000x256xf32>
    %get3A_13 = arith.constant 0 : index
    %get3A_14 = arith.constant 0 : index
    %get3A_15 = vector.load %arg4[%get3A_13, %get3A_14] : memref<256x8xf32, #tpu.memory_space<vmem>>, vector<256x8xf32>
    %dot_general3A = arith.constant dense<0.000000e+00> : vector<2000x8xf32>
    %dot_general3A_16 = tpu.matmul %get3A_1, %get3A_15, %dot_general3A {dimension_numbers = #tpu.dot_dimension_numbers<[1], [0], [0], [1], [0, 0, 1, 1], [], []>, transpose_lhs_hint = false} : vector<2000x256xf32>, vector<256x8xf32>, vector<2000x8xf32> -> vector<2000x8xf32>
    %get3A_17 = arith.constant 0 : index
    %get3A_18 = arith.constant 0 : index
    %get3A_19 = vector.load %arg5[%get3A_17, %get3A_18] : memref<256x8xf32, #tpu.memory_space<vmem>>, vector<256x8xf32>
    %dot_general3A_20 = arith.constant dense<0.000000e+00> : vector<2000x8xf32>
    %dot_general3A_21 = tpu.matmul %get3A_1, %get3A_19, %dot_general3A_20 {dimension_numbers = #tpu.dot_dimension_numbers<[1], [0], [0], [1], [0, 0, 1, 1], [], []>, transpose_lhs_hint = false} : vector<2000x256xf32>, vector<256x8xf32>, vector<2000x8xf32> -> vector<2000x8xf32>
    %custom_jvp_call3A = arith.constant 0.000000e+00 : f32
    %max3A = vector.broadcast %custom_jvp_call3A : f32 to vector<2000x8xf32>
    %max3A_22 = arith.maximumf %dot_general3A_21, %max3A : vector<2000x8xf32>
    %sub3A = vector.broadcast %custom_jvp_call3A : f32 to vector<2000x8xf32>
    %sub3A_23 = arith.subf %dot_general3A_21, %sub3A : vector<2000x8xf32>
    %ne3A = arith.cmpf one, %sub3A_23, %sub3A_23 : vector<2000x8xf32>
    %add3A_24 = vector.broadcast %custom_jvp_call3A : f32 to vector<2000x8xf32>
    %add3A_25 = arith.addf %dot_general3A_21, %add3A_24 : vector<2000x8xf32>
    %abs3A = math.absf %sub3A_23 : vector<2000x8xf32>
    %neg3A = arith.constant 0.000000e+00 : f32
    %neg3A_26 = vector.broadcast %neg3A : f32 to vector<2000x8xf32>
    %neg3A_27 = arith.subf %neg3A_26, %abs3A : vector<2000x8xf32>
    %exp3A = math.exp %neg3A_27 : vector<2000x8xf32>
    %log1p3A = math.log1p %exp3A : vector<2000x8xf32>
    %add3A_28 = arith.addf %max3A_22, %log1p3A : vector<2000x8xf32>
    %select_n3A = arith.select %ne3A, %add3A_25, %add3A_28 : vector<2000x8xi1>, vector<2000x8xf32>
    %add3A_29 = arith.constant 0.00999999977 : f32
    %add3A_30 = vector.broadcast %add3A_29 : f32 to vector<2000x8xf32>
    %add3A_31 = arith.addf %select_n3A, %add3A_30 : vector<2000x8xf32>
    %get3A_32 = arith.constant 0 : index
    %get3A_33 = arith.constant 0 : index
    %get3A_34 = vector.load %arg3[%get3A_32, %get3A_33] : memref<2000x8xf32, #tpu.memory_space<vmem>>, vector<2000x8xf32>
    %mul3A = arith.mulf %get3A_34, %add3A_31 : vector<2000x8xf32>
    %add3A_35 = arith.addf %dot_general3A_16, %mul3A : vector<2000x8xf32>
    %get3A_36 = arith.constant 0 : index
    %get3A_37 = arith.constant 0 : index
    %get3A_38 = vector.load %arg6[%get3A_36, %get3A_37] : memref<1x8xf32, #tpu.memory_space<vmem>>, vector<1x8xf32>
    %sub3A_39 = vector.broadcast %get3A_38 : vector<1x8xf32> to vector<2000x8xf32>
    %sub3A_40 = arith.subf %add3A_35, %sub3A_39 : vector<2000x8xf32>
    %gt3A = arith.constant 0.000000e+00 : f32
    %gt3A_41 = vector.broadcast %gt3A : f32 to vector<2000x8xf32>
    %gt3A_42 = arith.cmpf ogt, %sub3A_40, %gt3A_41 : vector<2000x8xf32>
    %convert_element_type3A_43 = arith.extui %gt3A_42 : vector<2000x8xi1> to vector<2000x8xi32>
    %convert_element_type3A_44 = arith.sitofp %convert_element_type3A_43 : vector<2000x8xi32> to vector<2000x8xf32>
    %reduce_max3A = arith.constant dense<0xFF800000> : vector<2000xf32>
    %reduce_max3A_45 = vector.multi_reduction <maximumf>, %add3A_35, %reduce_max3A [1] : vector<2000x8xf32> to vector<2000xf32>
    %broadcast_in_dim3A = vector.shape_cast %reduce_max3A_45 : vector<2000xf32> to vector<2000x1xf32>
    %sub3A_46 = vector.broadcast %broadcast_in_dim3A : vector<2000x1xf32> to vector<2000x8xf32>
    %sub3A_47 = arith.subf %add3A_35, %sub3A_46 : vector<2000x8xf32>
    %exp3A_48 = math.exp %sub3A_47 : vector<2000x8xf32>
    %reduce_sum3A = arith.constant dense<0.000000e+00> : vector<2000xf32>
    %reduce_sum3A_49 = vector.multi_reduction <add>, %exp3A_48, %reduce_sum3A [1] : vector<2000x8xf32> to vector<2000xf32>
    %broadcast_in_dim3A_50 = vector.shape_cast %reduce_sum3A_49 : vector<2000xf32> to vector<2000x1xf32>
    %div3A = vector.broadcast %broadcast_in_dim3A_50 : vector<2000x1xf32> to vector<2000x8xf32>
    %div3A_51 = arith.divf %exp3A_48, %div3A : vector<2000x8xf32>
    %mul3A_52 = arith.mulf %div3A_51, %convert_element_type3A_44 : vector<2000x8xf32>
    %reduce_sum3A_53 = arith.constant dense<0.000000e+00> : vector<2000xf32>
    %reduce_sum3A_54 = vector.multi_reduction <add>, %mul3A_52, %reduce_sum3A_53 [1] : vector<2000x8xf32> to vector<2000xf32>
    %broadcast_in_dim3A_55 = vector.shape_cast %reduce_sum3A_54 : vector<2000xf32> to vector<2000x1xf32>
    %add3A_56 = arith.constant 9.99999971E-10 : f32
    %add3A_57 = vector.broadcast %add3A_56 : f32 to vector<2000x1xf32>
    %add3A_58 = arith.addf %broadcast_in_dim3A_55, %add3A_57 : vector<2000x1xf32>
    %div3A_59 = vector.broadcast %add3A_58 : vector<2000x1xf32> to vector<2000x8xf32>
    %div3A_60 = arith.divf %mul3A_52, %div3A_59 : vector<2000x8xf32>
    %swap3A = arith.constant 0 : index
    %swap3A_61 = arith.constant 0 : index
    %swap3A_62 = vector.load %arg9[%swap3A, %swap3A_61] : memref<2000x8xf32, #tpu.memory_space<vmem>>, vector<2000x8xf32>
    tpu.vector_store %arg9[%swap3A, %swap3A_61], %div3A_60 {strides = array<i32>} : memref<2000x8xf32, #tpu.memory_space<vmem>>, vector<2000x8xf32>,
    %convert_element_type3A_63 = arith.truncf %add3A_12 : vector<2000x256xf32> to vector<2000x256xbf16>
    %get3A_64 = arith.constant 0 : index
    %get3A_65 = arith.constant 0 : index
    %get3A_66 = arith.constant 0 : index
    %get3A_67 = vector.load %arg7[%get3A_64, %get3A_65, %get3A_66] : memref<8x256x256xf32, #tpu.memory_space<vmem>>, vector<1x256x256xf32>
    %get3A_68 = vector.shape_cast %get3A_67 : vector<1x256x256xf32> to vector<256x256xf32>
    %convert_element_type3A_69 = arith.truncf %get3A_68 : vector<256x256xf32> to vector<256x256xbf16>
    %dot_general3A_70 = arith.constant dense<0.000000e+00> : vector<2000x256xf32>
    %dot_general3A_71 = tpu.matmul %convert_element_type3A_63, %convert_element_type3A_69, %dot_general3A_70 {dimension_numbers = #tpu.dot_dimension_numbers<[1], [0], [0], [1], [0, 0, 1, 1], [], []>, transpose_lhs_hint = false} : vector<2000x256xbf16>, vector<256x256xbf16>, vector<2000x256xf32> -> vector<2000x256xf32>
    %max3A_72 = arith.constant 0.000000e+00 : f32
    %max3A_73 = vector.broadcast %max3A_72 : f32 to vector<2000x256xf32>
    %max3A_74 = arith.maximumf %dot_general3A_71, %max3A_73 : vector<2000x256xf32>
    %convert_element_type3A_75 = arith.truncf %max3A_74 : vector<2000x256xf32> to vector<2000x256xbf16>
    %get3A_76 = arith.constant 0 : index
    %get3A_77 = arith.constant 0 : index
    %get3A_78 = arith.constant 0 : index
    %get3A_79 = vector.load %arg8[%get3A_76, %get3A_77, %get3A_78] : memref<8x256x40xf32, #tpu.memory_space<vmem>>, vector<1x256x40xf32>
    %get3A_80 = vector.shape_cast %get3A_79 : vector<1x256x40xf32> to vector<256x40xf32>
    %convert_element_type3A_81 = arith.truncf %get3A_80 : vector<256x40xf32> to vector<256x40xbf16>
    %dot_general3A_82 = arith.constant dense<0.000000e+00> : vector<2000x40xf32>
    %dot_general3A_83 = tpu.matmul %convert_element_type3A_75, %convert_element_type3A_81, %dot_general3A_82 {dimension_numbers = #tpu.dot_dimension_numbers<[1], [0], [0], [1], [0, 0, 1, 1], [], []>, transpose_lhs_hint = false} : vector<2000x256xbf16>, vector<256x40xbf16>, vector<2000x40xf32> -> vector<2000x40xf32>
    %convert_element_type3A_84 = arith.truncf %dot_general3A_83 : vector<2000x40xf32> to vector<2000x40xbf16>
    %swap3A_85 = arith.constant 0 : index
    %swap3A_86 = arith.constant 0 : index
    %swap3A_87 = vector.load %arg10[%swap3A_85, %swap3A_86] : memref<2000x320xbf16, #tpu.memory_space<vmem>>, vector<2000x40xbf16>
    tpu.vector_store %arg10[%swap3A_85, %swap3A_86], %convert_element_type3A_84 {strides = array<i32>} : memref<2000x320xbf16, #tpu.memory_space<vmem>>, vector<2000x40xbf16>,
    %get3A_88 = arith.constant 1 : index
    %get3A_89 = arith.constant 0 : index
    %get3A_90 = arith.constant 0 : index
    %get3A_91 = vector.load %arg7[%get3A_88, %get3A_89, %get3A_90] : memref<8x256x256xf32, #tpu.memory_space<vmem>>, vector<1x256x256xf32>
    %get3A_92 = vector.shape_cast %get3A_91 : vector<1x256x256xf32> to vector<256x256xf32>
    %convert_element_type3A_93 = arith.truncf %get3A_92 : vector<256x256xf32> to vector<256x256xbf16>
    %dot_general3A_94 = arith.constant dense<0.000000e+00> : vector<2000x256xf32>
    %dot_general3A_95 = tpu.matmul %convert_element_type3A_63, %convert_element_type3A_93, %dot_general3A_94 {dimension_numbers = #tpu.dot_dimension_numbers<[1], [0], [0], [1], [0, 0, 1, 1], [], []>, transpose_lhs_hint = false} : vector<2000x256xbf16>, vector<256x256xbf16>, vector<2000x256xf32> -> vector<2000x256xf32>
    %max3A_96 = arith.constant 0.000000e+00 : f32
    %max3A_97 = vector.broadcast %max3A_96 : f32 to vector<2000x256xf32>
    %max3A_98 = arith.maximumf %dot_general3A_95, %max3A_97 : vector<2000x256xf32>
    %convert_element_type3A_99 = arith.truncf %max3A_98 : vector<2000x256xf32> to vector<2000x256xbf16>
    %get3A_100 = arith.constant 1 : index
    %get3A_101 = arith.constant 0 : index
    %get3A_102 = arith.constant 0 : index
    %get3A_103 = vector.load %arg8[%get3A_100, %get3A_101, %get3A_102] : memref<8x256x40xf32, #tpu.memory_space<vmem>>, vector<1x256x40xf32>
    %get3A_104 = vector.shape_cast %get3A_103 : vector<1x256x40xf32> to vector<256x40xf32>
    %convert_element_type3A_105 = arith.truncf %get3A_104 : vector<256x40xf32> to vector<256x40xbf16>
    %dot_general3A_106 = arith.constant dense<0.000000e+00> : vector<2000x40xf32>
    %dot_general3A_107 = tpu.matmul %convert_element_type3A_99, %convert_element_type3A_105, %dot_general3A_106 {dimension_numbers = #tpu.dot_dimension_numbers<[1], [0], [0], [1], [0, 0, 1, 1], [], []>, transpose_lhs_hint = false} : vector<2000x256xbf16>, vector<256x40xbf16>, vector<2000x40xf32> -> vector<2000x40xf32>
    %convert_element_type3A_108 = arith.truncf %dot_general3A_107 : vector<2000x40xf32> to vector<2000x40xbf16>
    %swap3A_109 = arith.constant 0 : index
    %swap3A_110 = arith.constant 40 : index
    %swap3A_111 = vector.load %arg10[%swap3A_109, %swap3A_110] : memref<2000x320xbf16, #tpu.memory_space<vmem>>, vector<2000x40xbf16>
    tpu.vector_store %arg10[%swap3A_109, %swap3A_110], %convert_element_type3A_108 {strides = array<i32>} : memref<2000x320xbf16, #tpu.memory_space<vmem>>, vector<2000x40xbf16>,
    %get3A_112 = arith.constant 2 : index
    %get3A_113 = arith.constant 0 : index
    %get3A_114 = arith.constant 0 : index
    %get3A_115 = vector.load %arg7[%get3A_112, %get3A_113, %get3A_114] : memref<8x256x256xf32, #tpu.memory_space<vmem>>, vector<1x256x256xf32>
    %get3A_116 = vector.shape_cast %get3A_115 : vector<1x256x256xf32> to vector<256x256xf32>
    %convert_element_type3A_117 = arith.truncf %get3A_116 : vector<256x256xf32> to vector<256x256xbf16>
    %dot_general3A_118 = arith.constant dense<0.000000e+00> : vector<2000x256xf32>
    %dot_general3A_119 = tpu.matmul %convert_element_type3A_63, %convert_element_type3A_117, %dot_general3A_118 {dimension_numbers = #tpu.dot_dimension_numbers<[1], [0], [0], [1], [0, 0, 1, 1], [], []>, transpose_lhs_hint = false} : vector<2000x256xbf16>, vector<256x256xbf16>, vector<2000x256xf32> -> vector<2000x256xf32>
    %max3A_120 = arith.constant 0.000000e+00 : f32
    %max3A_121 = vector.broadcast %max3A_120 : f32 to vector<2000x256xf32>
    %max3A_122 = arith.maximumf %dot_general3A_119, %max3A_121 : vector<2000x256xf32>
    %convert_element_type3A_123 = arith.truncf %max3A_122 : vector<2000x256xf32> to vector<2000x256xbf16>
    %get3A_124 = arith.constant 2 : index
    %get3A_125 = arith.constant 0 : index
    %get3A_126 = arith.constant 0 : index
    %get3A_127 = vector.load %arg8[%get3A_124, %get3A_125, %get3A_126] : memref<8x256x40xf32, #tpu.memory_space<vmem>>, vector<1x256x40xf32>
    %get3A_128 = vector.shape_cast %get3A_127 : vector<1x256x40xf32> to vector<256x40xf32>
    %convert_element_type3A_129 = arith.truncf %get3A_128 : vector<256x40xf32> to vector<256x40xbf16>
    %dot_general3A_130 = arith.constant dense<0.000000e+00> : vector<2000x40xf32>
    %dot_general3A_131 = tpu.matmul %convert_element_type3A_123, %convert_element_type3A_129, %dot_general3A_130 {dimension_numbers = #tpu.dot_dimension_numbers<[1], [0], [0], [1], [0, 0, 1, 1], [], []>, transpose_lhs_hint = false} : vector<2000x256xbf16>, vector<256x40xbf16>, vector<2000x40xf32> -> vector<2000x40xf32>
    %convert_element_type3A_132 = arith.truncf %dot_general3A_131 : vector<2000x40xf32> to vector<2000x40xbf16>
    %swap3A_133 = arith.constant 0 : index
    %swap3A_134 = arith.constant 80 : index
    %swap3A_135 = vector.load %arg10[%swap3A_133, %swap3A_134] : memref<2000x320xbf16, #tpu.memory_space<vmem>>, vector<2000x40xbf16>
    tpu.vector_store %arg10[%swap3A_133, %swap3A_134], %convert_element_type3A_132 {strides = array<i32>} : memref<2000x320xbf16, #tpu.memory_space<vmem>>, vector<2000x40xbf16>,
    %get3A_136 = arith.constant 3 : index
    %get3A_137 = arith.constant 0 : index
    %get3A_138 = arith.constant 0 : index
    %get3A_139 = vector.load %arg7[%get3A_136, %get3A_137, %get3A_138] : memref<8x256x256xf32, #tpu.memory_space<vmem>>, vector<1x256x256xf32>
    %get3A_140 = vector.shape_cast %get3A_139 : vector<1x256x256xf32> to vector<256x256xf32>
    %convert_element_type3A_141 = arith.truncf %get3A_140 : vector<256x256xf32> to vector<256x256xbf16>
    %dot_general3A_142 = arith.constant dense<0.000000e+00> : vector<2000x256xf32>
    %dot_general3A_143 = tpu.matmul %convert_element_type3A_63, %convert_element_type3A_141, %dot_general3A_142 {dimension_numbers = #tpu.dot_dimension_numbers<[1], [0], [0], [1], [0, 0, 1, 1], [], []>, transpose_lhs_hint = false} : vector<2000x256xbf16>, vector<256x256xbf16>, vector<2000x256xf32> -> vector<2000x256xf32>
    %max3A_144 = arith.constant 0.000000e+00 : f32
    %max3A_145 = vector.broadcast %max3A_144 : f32 to vector<2000x256xf32>
    %max3A_146 = arith.maximumf %dot_general3A_143, %max3A_145 : vector<2000x256xf32>
    %convert_element_type3A_147 = arith.truncf %max3A_146 : vector<2000x256xf32> to vector<2000x256xbf16>
    %get3A_148 = arith.constant 3 : index
    %get3A_149 = arith.constant 0 : index
    %get3A_150 = arith.constant 0 : index
    %get3A_151 = vector.load %arg8[%get3A_148, %get3A_149, %get3A_150] : memref<8x256x40xf32, #tpu.memory_space<vmem>>, vector<1x256x40xf32>
    %get3A_152 = vector.shape_cast %get3A_151 : vector<1x256x40xf32> to vector<256x40xf32>
    %convert_element_type3A_153 = arith.truncf %get3A_152 : vector<256x40xf32> to vector<256x40xbf16>
    %dot_general3A_154 = arith.constant dense<0.000000e+00> : vector<2000x40xf32>
    %dot_general3A_155 = tpu.matmul %convert_element_type3A_147, %convert_element_type3A_153, %dot_general3A_154 {dimension_numbers = #tpu.dot_dimension_numbers<[1], [0], [0], [1], [0, 0, 1, 1], [], []>, transpose_lhs_hint = false} : vector<2000x256xbf16>, vector<256x40xbf16>, vector<2000x40xf32> -> vector<2000x40xf32>
    %convert_element_type3A_156 = arith.truncf %dot_general3A_155 : vector<2000x40xf32> to vector<2000x40xbf16>
    %swap3A_157 = arith.constant 0 : index
    %swap3A_158 = arith.constant 120 : index
    %swap3A_159 = vector.load %arg10[%swap3A_157, %swap3A_158] : memref<2000x320xbf16, #tpu.memory_space<vmem>>, vector<2000x40xbf16>
    tpu.vector_store %arg10[%swap3A_157, %swap3A_158], %convert_element_type3A_156 {strides = array<i32>} : memref<2000x320xbf16, #tpu.memory_space<vmem>>, vector<2000x40xbf16>,
    %get3A_160 = arith.constant 4 : index
    %get3A_161 = arith.constant 0 : index
    %get3A_162 = arith.constant 0 : index
    %get3A_163 = vector.load %arg7[%get3A_160, %get3A_161, %get3A_162] : memref<8x256x256xf32, #tpu.memory_space<vmem>>, vector<1x256x256xf32>
    %get3A_164 = vector.shape_cast %get3A_163 : vector<1x256x256xf32> to vector<256x256xf32>
    %convert_element_type3A_165 = arith.truncf %get3A_164 : vector<256x256xf32> to vector<256x256xbf16>
    %dot_general3A_166 = arith.constant dense<0.000000e+00> : vector<2000x256xf32>
    %dot_general3A_167 = tpu.matmul %convert_element_type3A_63, %convert_element_type3A_165, %dot_general3A_166 {dimension_numbers = #tpu.dot_dimension_numbers<[1], [0], [0], [1], [0, 0, 1, 1], [], []>, transpose_lhs_hint = false} : vector<2000x256xbf16>, vector<256x256xbf16>, vector<2000x256xf32> -> vector<2000x256xf32>
    %max3A_168 = arith.constant 0.000000e+00 : f32
    %max3A_169 = vector.broadcast %max3A_168 : f32 to vector<2000x256xf32>
    %max3A_170 = arith.maximumf %dot_general3A_167, %max3A_169 : vector<2000x256xf32>
    %convert_element_type3A_171 = arith.truncf %max3A_170 : vector<2000x256xf32> to vector<2000x256xbf16>
    %get3A_172 = arith.constant 4 : index
    %get3A_173 = arith.constant 0 : index
    %get3A_174 = arith.constant 0 : index
    %get3A_175 = vector.load %arg8[%get3A_172, %get3A_173, %get3A_174] : memref<8x256x40xf32, #tpu.memory_space<vmem>>, vector<1x256x40xf32>
    %get3A_176 = vector.shape_cast %get3A_175 : vector<1x256x40xf32> to vector<256x40xf32>
    %convert_element_type3A_177 = arith.truncf %get3A_176 : vector<256x40xf32> to vector<256x40xbf16>
    %dot_general3A_178 = arith.constant dense<0.000000e+00> : vector<2000x40xf32>
    %dot_general3A_179 = tpu.matmul %convert_element_type3A_171, %convert_element_type3A_177, %dot_general3A_178 {dimension_numbers = #tpu.dot_dimension_numbers<[1], [0], [0], [1], [0, 0, 1, 1], [], []>, transpose_lhs_hint = false} : vector<2000x256xbf16>, vector<256x40xbf16>, vector<2000x40xf32> -> vector<2000x40xf32>
    %convert_element_type3A_180 = arith.truncf %dot_general3A_179 : vector<2000x40xf32> to vector<2000x40xbf16>
    %swap3A_181 = arith.constant 0 : index
    %swap3A_182 = arith.constant 160 : index
    %swap3A_183 = vector.load %arg10[%swap3A_181, %swap3A_182] : memref<2000x320xbf16, #tpu.memory_space<vmem>>, vector<2000x40xbf16>
    tpu.vector_store %arg10[%swap3A_181, %swap3A_182], %convert_element_type3A_180 {strides = array<i32>} : memref<2000x320xbf16, #tpu.memory_space<vmem>>, vector<2000x40xbf16>,
    %get3A_184 = arith.constant 5 : index
    %get3A_185 = arith.constant 0 : index
    %get3A_186 = arith.constant 0 : index
    %get3A_187 = vector.load %arg7[%get3A_184, %get3A_185, %get3A_186] : memref<8x256x256xf32, #tpu.memory_space<vmem>>, vector<1x256x256xf32>
    %get3A_188 = vector.shape_cast %get3A_187 : vector<1x256x256xf32> to vector<256x256xf32>
    %convert_element_type3A_189 = arith.truncf %get3A_188 : vector<256x256xf32> to vector<256x256xbf16>
    %dot_general3A_190 = arith.constant dense<0.000000e+00> : vector<2000x256xf32>
    %dot_general3A_191 = tpu.matmul %convert_element_type3A_63, %convert_element_type3A_189, %dot_general3A_190 {dimension_numbers = #tpu.dot_dimension_numbers<[1], [0], [0], [1], [0, 0, 1, 1], [], []>, transpose_lhs_hint = false} : vector<2000x256xbf16>, vector<256x256xbf16>, vector<2000x256xf32> -> vector<2000x256xf32>
    %max3A_192 = arith.constant 0.000000e+00 : f32
    %max3A_193 = vector.broadcast %max3A_192 : f32 to vector<2000x256xf32>
    %max3A_194 = arith.maximumf %dot_general3A_191, %max3A_193 : vector<2000x256xf32>
    %convert_element_type3A_195 = arith.truncf %max3A_194 : vector<2000x256xf32> to vector<2000x256xbf16>
    %get3A_196 = arith.constant 5 : index
    %get3A_197 = arith.constant 0 : index
    %get3A_198 = arith.constant 0 : index
    %get3A_199 = vector.load %arg8[%get3A_196, %get3A_197, %get3A_198] : memref<8x256x40xf32, #tpu.memory_space<vmem>>, vector<1x256x40xf32>
    %get3A_200 = vector.shape_cast %get3A_199 : vector<1x256x40xf32> to vector<256x40xf32>
    %convert_element_type3A_201 = arith.truncf %get3A_200 : vector<256x40xf32> to vector<256x40xbf16>
    %dot_general3A_202 = arith.constant dense<0.000000e+00> : vector<2000x40xf32>
    %dot_general3A_203 = tpu.matmul %convert_element_type3A_195, %convert_element_type3A_201, %dot_general3A_202 {dimension_numbers = #tpu.dot_dimension_numbers<[1], [0], [0], [1], [0, 0, 1, 1], [], []>, transpose_lhs_hint = false} : vector<2000x256xbf16>, vector<256x40xbf16>, vector<2000x40xf32> -> vector<2000x40xf32>
    %convert_element_type3A_204 = arith.truncf %dot_general3A_203 : vector<2000x40xf32> to vector<2000x40xbf16>
    %swap3A_205 = arith.constant 0 : index
    %swap3A_206 = arith.constant 200 : index
    %swap3A_207 = vector.load %arg10[%swap3A_205, %swap3A_206] : memref<2000x320xbf16, #tpu.memory_space<vmem>>, vector<2000x40xbf16>
    tpu.vector_store %arg10[%swap3A_205, %swap3A_206], %convert_element_type3A_204 {strides = array<i32>} : memref<2000x320xbf16, #tpu.memory_space<vmem>>, vector<2000x40xbf16>,
    %get3A_208 = arith.constant 6 : index
    %get3A_209 = arith.constant 0 : index
    %get3A_210 = arith.constant 0 : index
    %get3A_211 = vector.load %arg7[%get3A_208, %get3A_209, %get3A_210] : memref<8x256x256xf32, #tpu.memory_space<vmem>>, vector<1x256x256xf32>
    %get3A_212 = vector.shape_cast %get3A_211 : vector<1x256x256xf32> to vector<256x256xf32>
    %convert_element_type3A_213 = arith.truncf %get3A_212 : vector<256x256xf32> to vector<256x256xbf16>
    %dot_general3A_214 = arith.constant dense<0.000000e+00> : vector<2000x256xf32>
    %dot_general3A_215 = tpu.matmul %convert_element_type3A_63, %convert_element_type3A_213, %dot_general3A_214 {dimension_numbers = #tpu.dot_dimension_numbers<[1], [0], [0], [1], [0, 0, 1, 1], [], []>, transpose_lhs_hint = false} : vector<2000x256xbf16>, vector<256x256xbf16>, vector<2000x256xf32> -> vector<2000x256xf32>
    %max3A_216 = arith.constant 0.000000e+00 : f32
    %max3A_217 = vector.broadcast %max3A_216 : f32 to vector<2000x256xf32>
    %max3A_218 = arith.maximumf %dot_general3A_215, %max3A_217 : vector<2000x256xf32>
    %convert_element_type3A_219 = arith.truncf %max3A_218 : vector<2000x256xf32> to vector<2000x256xbf16>
    %get3A_220 = arith.constant 6 : index
    %get3A_221 = arith.constant 0 : index
    %get3A_222 = arith.constant 0 : index
    %get3A_223 = vector.load %arg8[%get3A_220, %get3A_221, %get3A_222] : memref<8x256x40xf32, #tpu.memory_space<vmem>>, vector<1x256x40xf32>
    %get3A_224 = vector.shape_cast %get3A_223 : vector<1x256x40xf32> to vector<256x40xf32>
    %convert_element_type3A_225 = arith.truncf %get3A_224 : vector<256x40xf32> to vector<256x40xbf16>
    %dot_general3A_226 = arith.constant dense<0.000000e+00> : vector<2000x40xf32>
    %dot_general3A_227 = tpu.matmul %convert_element_type3A_219, %convert_element_type3A_225, %dot_general3A_226 {dimension_numbers = #tpu.dot_dimension_numbers<[1], [0], [0], [1], [0, 0, 1, 1], [], []>, transpose_lhs_hint = false} : vector<2000x256xbf16>, vector<256x40xbf16>, vector<2000x40xf32> -> vector<2000x40xf32>
    %convert_element_type3A_228 = arith.truncf %dot_general3A_227 : vector<2000x40xf32> to vector<2000x40xbf16>
    %swap3A_229 = arith.constant 0 : index
    %swap3A_230 = arith.constant 240 : index
    %swap3A_231 = vector.load %arg10[%swap3A_229, %swap3A_230] : memref<2000x320xbf16, #tpu.memory_space<vmem>>, vector<2000x40xbf16>
    tpu.vector_store %arg10[%swap3A_229, %swap3A_230], %convert_element_type3A_228 {strides = array<i32>} : memref<2000x320xbf16, #tpu.memory_space<vmem>>, vector<2000x40xbf16>,
    %get3A_232 = arith.constant 7 : index
    %get3A_233 = arith.constant 0 : index
    %get3A_234 = arith.constant 0 : index
    %get3A_235 = vector.load %arg7[%get3A_232, %get3A_233, %get3A_234] : memref<8x256x256xf32, #tpu.memory_space<vmem>>, vector<1x256x256xf32>
    %get3A_236 = vector.shape_cast %get3A_235 : vector<1x256x256xf32> to vector<256x256xf32>
    %convert_element_type3A_237 = arith.truncf %get3A_236 : vector<256x256xf32> to vector<256x256xbf16>
    %dot_general3A_238 = arith.constant dense<0.000000e+00> : vector<2000x256xf32>
    %dot_general3A_239 = tpu.matmul %convert_element_type3A_63, %convert_element_type3A_237, %dot_general3A_238 {dimension_numbers = #tpu.dot_dimension_numbers<[1], [0], [0], [1], [0, 0, 1, 1], [], []>, transpose_lhs_hint = false} : vector<2000x256xbf16>, vector<256x256xbf16>, vector<2000x256xf32> -> vector<2000x256xf32>
    %max3A_240 = arith.constant 0.000000e+00 : f32
    %max3A_241 = vector.broadcast %max3A_240 : f32 to vector<2000x256xf32>
    %max3A_242 = arith.maximumf %dot_general3A_239, %max3A_241 : vector<2000x256xf32>
    %convert_element_type3A_243 = arith.truncf %max3A_242 : vector<2000x256xf32> to vector<2000x256xbf16>
    %get3A_244 = arith.constant 7 : index
    %get3A_245 = arith.constant 0 : index
    %get3A_246 = arith.constant 0 : index
    %get3A_247 = vector.load %arg8[%get3A_244, %get3A_245, %get3A_246] : memref<8x256x40xf32, #tpu.memory_space<vmem>>, vector<1x256x40xf32>
    %get3A_248 = vector.shape_cast %get3A_247 : vector<1x256x40xf32> to vector<256x40xf32>
    %convert_element_type3A_249 = arith.truncf %get3A_248 : vector<256x40xf32> to vector<256x40xbf16>
    %dot_general3A_250 = arith.constant dense<0.000000e+00> : vector<2000x40xf32>
    %dot_general3A_251 = tpu.matmul %convert_element_type3A_243, %convert_element_type3A_249, %dot_general3A_250 {dimension_numbers = #tpu.dot_dimension_numbers<[1], [0], [0], [1], [0, 0, 1, 1], [], []>, transpose_lhs_hint = false} : vector<2000x256xbf16>, vector<256x40xbf16>, vector<2000x40xf32> -> vector<2000x40xf32>
    %convert_element_type3A_252 = arith.truncf %dot_general3A_251 : vector<2000x40xf32> to vector<2000x40xbf16>
    %swap3A_253 = arith.constant 0 : index
    %swap3A_254 = arith.constant 280 : index
    %swap3A_255 = vector.load %arg10[%swap3A_253, %swap3A_254] : memref<2000x320xbf16, #tpu.memory_space<vmem>>, vector<2000x40xbf16>
    tpu.vector_store %arg10[%swap3A_253, %swap3A_254], %convert_element_type3A_252 {strides = array<i32>} : memref<2000x320xbf16, #tpu.memory_space<vmem>>, vector<2000x40xbf16>,
    return
  }
  func.func @transform_0(%arg0: i32) -> (i32, i32) {
    %c0_i32 = arith.constant 0 : i32
    %c0_i32_0 = arith.constant 0 : i32
    return %arg0, %c0_i32 : i32, i32
  }
  func.func @transform_1(%arg0: i32) -> (i32, i32, i32) {
    %c0_i32 = arith.constant 0 : i32
    %c0_i32_0 = arith.constant 0 : i32
    %c0_i32_1 = arith.constant 0 : i32
    return %c0_i32, %arg0, %c0_i32_0 : i32, i32, i32
  }
  func.func @transform_2(%arg0: i32) -> (i32, i32) {
    %c0_i32 = arith.constant 0 : i32
    %c0_i32_0 = arith.constant 0 : i32
    return %arg0, %c0_i32 : i32, i32
  }
  func.func @transform_3(%arg0: i32) -> (i32, i32) {
    %c0_i32 = arith.constant 0 : i32
    %c0_i32_0 = arith.constant 0 : i32
    %c0_i32_1 = arith.constant 0 : i32
    return %c0_i32, %c0_i32_0 : i32, i32
  }
  func.func @transform_4(%arg0: i32) -> (i32, i32) {
    %c0_i32 = arith.constant 0 : i32
    %c0_i32_0 = arith.constant 0 : i32
    %c0_i32_1 = arith.constant 0 : i32
    return %c0_i32, %c0_i32_0 : i32, i32
  }
  func.func @transform_5(%arg0: i32) -> (i32, i32) {
    %c0_i32 = arith.constant 0 : i32
    %c0_i32_0 = arith.constant 0 : i32
    %c0_i32_1 = arith.constant 0 : i32
    return %c0_i32, %c0_i32_0 : i32, i32
  }
  func.func @transform_6(%arg0: i32) -> (i32, i32, i32) {
    %c0_i32 = arith.constant 0 : i32
    %c0_i32_0 = arith.constant 0 : i32
    %c0_i32_1 = arith.constant 0 : i32
    %c0_i32_2 = arith.constant 0 : i32
    return %c0_i32, %c0_i32_0, %c0_i32_1 : i32, i32, i32
  }
  func.func @transform_7(%arg0: i32) -> (i32, i32, i32) {
    %c0_i32 = arith.constant 0 : i32
    %c0_i32_0 = arith.constant 0 : i32
    %c0_i32_1 = arith.constant 0 : i32
    %c0_i32_2 = arith.constant 0 : i32
    return %c0_i32, %c0_i32_0, %c0_i32_1 : i32, i32, i32
  }
  func.func @transform_8(%arg0: i32) -> (i32, i32) {
    %c0_i32 = arith.constant 0 : i32
    %c0_i32_0 = arith.constant 0 : i32
    return %arg0, %c0_i32 : i32, i32
  }
  func.func @transform_9(%arg0: i32) -> (i32, i32) {
    %c0_i32 = arith.constant 0 : i32
    %c0_i32_0 = arith.constant 0 : i32
    return %arg0, %c0_i32 : i32, i32
  }
}

module attributes {stable_mosaic.version = 14 : i64} {
  func.func @_combine_body(%arg0: i32, %arg1: memref<2000x8xf32, #tpu.memory_space<vmem>>, %arg2: memref<2000x320xbf16, #tpu.memory_space<vmem>>, %arg3: memref<2x2000x320xbf16, #tpu.memory_space<vmem>>, %arg4: memref<2000x40xf32, #tpu.memory_space<vmem>>) attributes {dimension_semantics = [#tpu.dimension_semantics<arbitrary>], iteration_bounds = array<i64: 5>, scalar_prefetch = 0 : i64, scratch_operands = 0 : i64, tpu.core_type = #tpu.core_type<tc>, window_params = [{transform_indices = @transform_0, window_bounds = array<i64: 2000, 8>}, {transform_indices = @transform_1, window_bounds = array<i64: 2000, 320>}, {transform_indices = @transform_2, window_bounds = array<i64: 2, 2000, 320>}, {transform_indices = @transform_3, window_bounds = array<i64: 2000, 40>}]} {
    %get3A = arith.constant 0 : index
    %get3A_0 = arith.constant 0 : index
    %get3A_1 = vector.load %arg1[%get3A, %get3A_0] : memref<2000x8xf32, #tpu.memory_space<vmem>>, vector<2000x8xf32>
    %get3A_2 = arith.constant 0 : index
    %get3A_3 = arith.constant 0 : index
    %get3A_4 = vector.load %arg2[%get3A_2, %get3A_3] : memref<2000x320xbf16, #tpu.memory_space<vmem>>, vector<2000x320xbf16>
    %convert_element_type3A = arith.extf %get3A_4 : vector<2000x320xbf16> to vector<2000x320xf32>
    %get3A_5 = arith.constant 0 : index
    %get3A_6 = arith.constant 0 : index
    %get3A_7 = arith.constant 0 : index
    %get3A_8 = vector.load %arg3[%get3A_5, %get3A_6, %get3A_7] : memref<2x2000x320xbf16, #tpu.memory_space<vmem>>, vector<1x2000x320xbf16>
    %get3A_9 = vector.shape_cast %get3A_8 : vector<1x2000x320xbf16> to vector<2000x320xbf16>
    %get3A_10 = arith.constant 1 : index
    %get3A_11 = arith.constant 0 : index
    %get3A_12 = arith.constant 0 : index
    %get3A_13 = vector.load %arg3[%get3A_10, %get3A_11, %get3A_12] : memref<2x2000x320xbf16, #tpu.memory_space<vmem>>, vector<1x2000x320xbf16>
    %get3A_14 = vector.shape_cast %get3A_13 : vector<1x2000x320xbf16> to vector<2000x320xbf16>
    %add3A = arith.addf %get3A_9, %get3A_14 : vector<2000x320xbf16>
    %convert_element_type3A_15 = arith.extf %add3A : vector<2000x320xbf16> to vector<2000x320xf32>
    %add3A_16 = arith.addf %convert_element_type3A_15, %convert_element_type3A : vector<2000x320xf32>
    %broadcast_in_dim3A = arith.constant 0.000000e+00 : f32
    %broadcast_in_dim3A_17 = vector.broadcast %broadcast_in_dim3A : f32 to vector<2000x40xf32>
    %slice3A = vector.extract_strided_slice %get3A_1 {offsets = [0, 0], sizes = [2000, 1], strides = [1, 1]} : vector<2000x8xf32> to vector<2000x1xf32>
    %slice3A_18 = vector.extract_strided_slice %add3A_16 {offsets = [0, 0], sizes = [2000, 40], strides = [1, 1]} : vector<2000x320xf32> to vector<2000x40xf32>
    %mul3A = vector.broadcast %slice3A : vector<2000x1xf32> to vector<2000x40xf32>
    %mul3A_19 = arith.mulf %mul3A, %slice3A_18 : vector<2000x40xf32>
    %add3A_20 = arith.addf %broadcast_in_dim3A_17, %mul3A_19 : vector<2000x40xf32>
    %slice3A_21 = vector.extract_strided_slice %get3A_1 {offsets = [0, 1], sizes = [2000, 1], strides = [1, 1]} : vector<2000x8xf32> to vector<2000x1xf32>
    %slice3A_22 = vector.extract_strided_slice %add3A_16 {offsets = [0, 40], sizes = [2000, 40], strides = [1, 1]} : vector<2000x320xf32> to vector<2000x40xf32>
    %mul3A_23 = vector.broadcast %slice3A_21 : vector<2000x1xf32> to vector<2000x40xf32>
    %mul3A_24 = arith.mulf %mul3A_23, %slice3A_22 : vector<2000x40xf32>
    %add3A_25 = arith.addf %add3A_20, %mul3A_24 : vector<2000x40xf32>
    %slice3A_26 = vector.extract_strided_slice %get3A_1 {offsets = [0, 2], sizes = [2000, 1], strides = [1, 1]} : vector<2000x8xf32> to vector<2000x1xf32>
    %slice3A_27 = vector.extract_strided_slice %add3A_16 {offsets = [0, 80], sizes = [2000, 40], strides = [1, 1]} : vector<2000x320xf32> to vector<2000x40xf32>
    %mul3A_28 = vector.broadcast %slice3A_26 : vector<2000x1xf32> to vector<2000x40xf32>
    %mul3A_29 = arith.mulf %mul3A_28, %slice3A_27 : vector<2000x40xf32>
    %add3A_30 = arith.addf %add3A_25, %mul3A_29 : vector<2000x40xf32>
    %slice3A_31 = vector.extract_strided_slice %get3A_1 {offsets = [0, 3], sizes = [2000, 1], strides = [1, 1]} : vector<2000x8xf32> to vector<2000x1xf32>
    %slice3A_32 = vector.extract_strided_slice %add3A_16 {offsets = [0, 120], sizes = [2000, 40], strides = [1, 1]} : vector<2000x320xf32> to vector<2000x40xf32>
    %mul3A_33 = vector.broadcast %slice3A_31 : vector<2000x1xf32> to vector<2000x40xf32>
    %mul3A_34 = arith.mulf %mul3A_33, %slice3A_32 : vector<2000x40xf32>
    %add3A_35 = arith.addf %add3A_30, %mul3A_34 : vector<2000x40xf32>
    %slice3A_36 = vector.extract_strided_slice %get3A_1 {offsets = [0, 4], sizes = [2000, 1], strides = [1, 1]} : vector<2000x8xf32> to vector<2000x1xf32>
    %slice3A_37 = vector.extract_strided_slice %add3A_16 {offsets = [0, 160], sizes = [2000, 40], strides = [1, 1]} : vector<2000x320xf32> to vector<2000x40xf32>
    %mul3A_38 = vector.broadcast %slice3A_36 : vector<2000x1xf32> to vector<2000x40xf32>
    %mul3A_39 = arith.mulf %mul3A_38, %slice3A_37 : vector<2000x40xf32>
    %add3A_40 = arith.addf %add3A_35, %mul3A_39 : vector<2000x40xf32>
    %slice3A_41 = vector.extract_strided_slice %get3A_1 {offsets = [0, 5], sizes = [2000, 1], strides = [1, 1]} : vector<2000x8xf32> to vector<2000x1xf32>
    %slice3A_42 = vector.extract_strided_slice %add3A_16 {offsets = [0, 200], sizes = [2000, 40], strides = [1, 1]} : vector<2000x320xf32> to vector<2000x40xf32>
    %mul3A_43 = vector.broadcast %slice3A_41 : vector<2000x1xf32> to vector<2000x40xf32>
    %mul3A_44 = arith.mulf %mul3A_43, %slice3A_42 : vector<2000x40xf32>
    %add3A_45 = arith.addf %add3A_40, %mul3A_44 : vector<2000x40xf32>
    %slice3A_46 = vector.extract_strided_slice %get3A_1 {offsets = [0, 6], sizes = [2000, 1], strides = [1, 1]} : vector<2000x8xf32> to vector<2000x1xf32>
    %slice3A_47 = vector.extract_strided_slice %add3A_16 {offsets = [0, 240], sizes = [2000, 40], strides = [1, 1]} : vector<2000x320xf32> to vector<2000x40xf32>
    %mul3A_48 = vector.broadcast %slice3A_46 : vector<2000x1xf32> to vector<2000x40xf32>
    %mul3A_49 = arith.mulf %mul3A_48, %slice3A_47 : vector<2000x40xf32>
    %add3A_50 = arith.addf %add3A_45, %mul3A_49 : vector<2000x40xf32>
    %slice3A_51 = vector.extract_strided_slice %get3A_1 {offsets = [0, 7], sizes = [2000, 1], strides = [1, 1]} : vector<2000x8xf32> to vector<2000x1xf32>
    %slice3A_52 = vector.extract_strided_slice %add3A_16 {offsets = [0, 280], sizes = [2000, 40], strides = [1, 1]} : vector<2000x320xf32> to vector<2000x40xf32>
    %mul3A_53 = vector.broadcast %slice3A_51 : vector<2000x1xf32> to vector<2000x40xf32>
    %mul3A_54 = arith.mulf %mul3A_53, %slice3A_52 : vector<2000x40xf32>
    %add3A_55 = arith.addf %add3A_50, %mul3A_54 : vector<2000x40xf32>
    %swap3A = arith.constant 0 : index
    %swap3A_56 = arith.constant 0 : index
    %swap3A_57 = vector.load %arg4[%swap3A, %swap3A_56] : memref<2000x40xf32, #tpu.memory_space<vmem>>, vector<2000x40xf32>
    tpu.vector_store %arg4[%swap3A, %swap3A_56], %add3A_55 {strides = array<i32>} : memref<2000x40xf32, #tpu.memory_space<vmem>>, vector<2000x40xf32>,
    return
  }
  func.func @transform_0(%arg0: i32) -> (i32, i32) {
    %c0_i32 = arith.constant 0 : i32
    %c0_i32_0 = arith.constant 0 : i32
    return %arg0, %c0_i32 : i32, i32
  }
  func.func @transform_1(%arg0: i32) -> (i32, i32) {
    %c0_i32 = arith.constant 0 : i32
    %c0_i32_0 = arith.constant 0 : i32
    return %arg0, %c0_i32 : i32, i32
  }
  func.func @transform_2(%arg0: i32) -> (i32, i32, i32) {
    %c0_i32 = arith.constant 0 : i32
    %c0_i32_0 = arith.constant 0 : i32
    %c0_i32_1 = arith.constant 0 : i32
    return %c0_i32, %arg0, %c0_i32_0 : i32, i32, i32
  }
  func.func @transform_3(%arg0: i32) -> (i32, i32) {
    %c0_i32 = arith.constant 0 : i32
    %c0_i32_0 = arith.constant 0 : i32
    return %arg0, %c0_i32 : i32, i32
  }
}

</mosaic_0001>

<sc_bundles>
// kernel: kernel.6.cloned.1.call-start
scs
__scs_entry_jumppad:
0x0: {  	(pc) =	sbr.rel $0x88, $3  }
0x1: {  	(tag) =	ssettag $0x0;
	lr =	simm.s32 $0x1  }
0x2: {  	[smem:$0x3F99] =	sst lr;
	_ =	strace $0xD0000000  }
0x3: {  	_ = 	snop  }
0x4: {  	_ = 	snop  }
0x5: {  	_ = 	snop  }
0x6: {  	_ = 	snop  }
0x7: {  	_ = 	snop  }
__scs_overlays_trampoline_lowered:
0x8: {  	[smem:$0x3FA8] =	sst s0  }
0x9: {  	[smem:$0x3FA9] =	sst s1  }
0xa: {  	[smem:$0x3FAA] =	sst s2  }
0xb: {  	[smem:$0x3FAB] =	sst s3  }
0xc: {  	[smem:$0x3FAC] =	sst s4  }
0xd: {  	[smem:$0x3FAD] =	sst s5  }
0xe: {  	[smem:$0x3FAE] =	sst s6  }
0xf: {  	[smem:$0x3FAF] =	sst s7  }
0x10: {  	[smem:$0x3FB0] =	sst s8  }
0x11: {  	[smem:$0x3FB1] =	sst s9;
	s0 =	simm.s32 @!p0 $0x0  }
0x12: {  	s1 =	sld [smem:$0x3F97];
	s0 =	simm.s32 @p0 $0x1  }
0x13: {  	[smem:$0x3FB2] =	sst s0;
	s0 =	simm.s32 @!p1 $0x0  }
0x14: {  	s2 =	sld [smem:$0x3F96];
	s0 =	simm.s32 @p1 $0x1  }
0x15: {  	[smem:$0x3FB3] =	sst s0;
	s0 =	simm.s32 @!p2 $0x0  }
0x16: {  	s3 =	sld [smem:$0x3FDB];
	s0 =	simm.s32 @p2 $0x1  }
0x17: {  	s4 =	simm.s32 $0x1BF5;
	[smem:$0x3FB5] =	sst s0  }
0x18: {  	s0 =	sld [smem:$0x3F98];
	_ =	swait.ge [sflag:s4], $0x0  }
0x19: {  	s7 =	sld [smem:$0x3F99]  }
0x1a: {  	s8 =	sadd.s32 $0xFFFFE003, lr  }
0x1b: {  	s9 =	sadd.s32 $0xFFFFFEF7, lr;
	s5 =	simm.s32 $0xFFFFFFFF;
	p2 =	slt.u32 s8, $0xFFFFF086  }
0x1c: {  	p1 =	slt.u32 s9, $0xF7A;
	s5 =	simm.s32 @!p2 $0x0  }
0x1d: {  	s5 =	simm.s32 @p1 $0x1;
	p0 =	seq.s32 s7, s2  }
0x1e: {  	s7 =	smul.u32 @!p0 $0xF7A, s2;
	p2 =	seq.s32 @!p0 s5, $0x0  }
0x1f: {  	s9 =	smul.u32 $0xF7A, s1;
	s8 =	simm.s32 @!p0 $0x1BF5;
	p2 =	por !p2, p0  }
0x20: {  	[sflag:s8] =	ssyncset.s32 @!p0 $0xFFFFF086;
	s6 =	sadd.s32 @!p0 s3, s7;
	s7 =	simm.s32 @!p0 $0x108  }
0x21: {  	s3 =	sadd.s32 s3, s9;
	s6 =	sadd.s32 @!p0 $0x88, s6;
	s7 =	simm.s32 @p2 $0x1082  }
0x22: {  	[simem:s7], [sflag:s8] =	dma.local @!p0 [hbm:s6], $0xF7A  }
0x23: {  	s9 =	sor.u32 $0xD0000000, s2;
	s6 =	simm.s32 $0x108;
	_ =	swait.ge @!p0 [sflag:s8], $0x0  }
0x24: {  	s3 =	sadd.s32 $0x88, s3;
	s6 =	simm.s32 @!p1 $0x1082;
	[sflag:s4] =	ssyncset.s32 $0xFFFFF086  }
0x25: {  	[simem:s6], [sflag:s4] =	dma.local [hbm:s3], $0xF7A  }
0x26: {  	[smem:$0x3F99] =	sst s1;
	(tag) =	ssettag s2;
	_ =	strace s9  }
0x27: {  	s1 =	sld [smem:$0x3FA9]  }
0x28: {  	s2 =	sld [smem:$0x3FAA]  }
0x29: {  	s4 =	sld [smem:$0x3FAC]  }
0x2a: {  	p0 =	seq.s32 s5, $0x0;
	s5 =	sld [smem:$0x3FAD]  }
0x2b: {  	s6 =	sld [smem:$0x3FAE]  }
0x2c: {  	s7 =	sld [smem:$0x3FAF]  }
0x2d: {  	s3 =	simm.s32 $0x108;
	s8 =	sld [smem:$0x3FB0]  }
0x2e: {  	s3 =	simm.s32 @!p0 $0x1082;
	s9 =	sld [smem:$0x3FB1]  }
0x2f: {  	lr =	sadd.s32 s0, s3;
	s0 =	sld [smem:$0x3FA8]  }
0x30: {  	s3 =	sld [smem:$0x3FAB]  }
0x31: {  	[smem:$0x3FB4] =	sst s10  }
0x32: {  	s10 =	sld [smem:$0x3FB2];
	_ =	sdelay $0x3  }
0x33: {  	p0 =	seq.s32 s10, $0x1;
	s10 =	sld [smem:$0x3FB4];
	_ =	sdelay $0x3  }
0x34: {  	[smem:$0x3FB4] =	sst s10  }
0x35: {  	s10 =	sld [smem:$0x3FB3];
	_ =	sdelay $0x3  }
0x36: {  	p1 =	seq.s32 s10, $0x1;
	s10 =	sld [smem:$0x3FB4];
	_ =	sdelay $0x3  }
0x37: {  	[smem:$0x3FB4] =	sst s10  }
0x38: {  	s10 =	sld [smem:$0x3FB5]  }
0x39: {  	_ = 	snop;
	(pc) =	sbr.ind lr, $3  }
0x3a: {  	_ = 	snop  }
0x3b: {  	_ = 	snop  }
0x3c: {  	p2 =	seq.s32 s10, $0x1;
	s10 =	sld [smem:$0x3FB4]  }
0x3d: {  	_ =	shalt  }
0x3e: {  	_ =	shalt  }
0x3f: {  	_ =	shalt  }
0x40: {  	_ =	shalt  }
0x41: {  	_ =	shalt  }
0x42: {  	_ =	shalt  }
0x43: {  	_ =	shalt  }
0x44: {  	_ =	shalt  }
0x45: {  	_ =	shalt  }
0x46: {  	_ =	shalt  }
0x47: {  	_ =	shalt  }
0x48: {  	_ =	shalt  }
0x49: {  	_ =	shalt  }
0x4a: {  	_ =	shalt  }
0x4b: {  	_ =	shalt  }
0x4c: {  	_ =	shalt  }
0x4d: {  	_ =	shalt  }
0x4e: {  	_ =	shalt  }
0x4f: {  	_ =	shalt  }
0x50: {  	_ =	shalt  }
0x51: {  	_ =	shalt  }
0x52: {  	_ =	shalt  }
0x53: {  	_ =	shalt  }
0x54: {  	_ =	shalt  }
0x55: {  	_ =	shalt  }
0x56: {  	_ =	shalt  }
0x57: {  	_ =	shalt  }
0x58: {  	_ =	shalt  }
0x59: {  	_ =	shalt  }
0x5a: {  	_ =	shalt  }
0x5b: {  	_ =	shalt  }
0x5c: {  	_ =	shalt  }
0x5d: {  	_ =	shalt  }
0x5e: {  	_ =	shalt  }
0x5f: {  	_ =	shalt  }
0x60: {  	_ =	shalt  }
0x61: {  	_ =	shalt  }
0x62: {  	_ =	shalt  }
0x63: {  	_ =	shalt  }
0x64: {  	_ =	shalt  }
0x65: {  	_ =	shalt  }
0x66: {  	_ =	shalt  }
0x67: {  	_ =	shalt  }
0x68: {  	_ =	shalt  }
0x69: {  	_ =	shalt  }
0x6a: {  	_ =	shalt  }
0x6b: {  	_ =	shalt  }
0x6c: {  	_ =	shalt  }
0x6d: {  	_ =	shalt  }
0x6e: {  	_ =	shalt  }
0x6f: {  	_ =	shalt  }
0x70: {  	_ =	shalt  }
0x71: {  	_ =	shalt  }
0x72: {  	_ =	shalt  }
0x73: {  	_ =	shalt  }
0x74: {  	_ =	shalt  }
0x75: {  	_ =	shalt  }
0x76: {  	_ =	shalt  }
0x77: {  	_ =	shalt  }
0x78: {  	_ =	shalt  }
0x79: {  	_ =	shalt  }
0x7a: {  	_ =	shalt  }
0x7b: {  	_ =	shalt  }
0x7c: {  	_ =	shalt  }
0x7d: {  	_ =	shalt  }
0x7e: {  	_ =	shalt  }
0x7f: {  	_ =	shalt  }
0x80: {  	_ =	shalt  }
0x81: {  	_ =	shalt  }
0x82: {  	_ =	shalt  }
0x83: {  	_ =	shalt  }
0x84: {  	_ =	shalt  }
0x85: {  	_ =	shalt  }
0x86: {  	_ =	shalt  }
0x87: {  	_ =	shalt  }
.Lfunc_end0:
.L_simem_size_0:
called_computation_lowered:
.L_overlay_start_0:
0x88: {  	s2 =	sld [smem:$0x3FD9]  }
0x89: {  	s3 =	sld [smem:$0x3FFE];
	_ =	sdelay $0x1  }
0x8a: {  	s1 =	srdreg.scid  }
0x8b: {  	s0 =	sand.u32 $0x1, s1  }
0x8c: {  	s17 =	sshll.u32 s0, $0xA;
	s2 =	sadd.s32 s3, s2  }
0x8d: {  	s2 =	sadd.s32 s2, s17  }
0x8e: {  	[smem:$0x3FC0] =	sst s2  }
0x8f: {  	_ = 	snop  }
0x90: {  	s2 =	sld [smem:$0x3FD0];
	(tm) =	ssettm $0x1  }
0x91: {  	s18 =	sld [smem:$0x3FFB];
	_ =	sdelay $0x3  }
0x92: {  	_ =	strace s18  }
0x93: {  	s3 =	sld [smem:$0x3FFC];
	_ =	sdelay $0x3  }
0x94: {  	_ =	strace s3  }
0x95: {  	s3 =	sld [smem:$0x3FFD];
	_ =	sdelay $0x3  }
0x96: {  	_ =	strace s3  }
0x97: {  	_ =	strace $0x8FFFFFFF  }
0x98: {  	s19 =	sld [smem:$0x3FDB];
	_ =	sdelay $0x1  }
0x99: {  	s4 =	simm.s32 $_scs_section_size  }
0x9a: {  	s5 =	simm.s32 $_size__tile_overlayer_lowered;
	s6 =	simm.s32 $_tile_overlayer_lowered  }
0x9b: {  	s22 =	simm.s32 $0x1BFF;
	s21 =	sshll.u32 s6, $0x1;
	s3 =	sadd.s32 s4, s19  }
0x9c: {  	s7 =	simm.s32 $0x0;
	s20 =	sshll.u32 s5, $0x1;
	s5 =	sadd.s32 s21, s3  }
0x9d: {  	[timem:s7], [sflag:s22] =	dma.local [hbm:s5], s20  }
0x9e: {  	_ =	swait.ge [sflag:s22], s20  }
0x9f: {  	s4 =	ssub.s32 $0x0, s20;
	[sflag:s22] =	ssyncset.done $0x0  }
0xa0: {  	[sflag:s22] =	ssyncadd.s32 s4;
	_ =	sdelay $0x1  }
0xa1: {  	s23 =	simm.s32 $0x1B8B  }
0xa2: {  	_ =	swait.ge [sflag:s23], $0x1  }
0xa3: {  	[sflag:s23] =	ssyncset.done $0x0  }
0xa4: {  	s25 =	simm.s32 $0x1B8E;
	s24 =	sld [smem:$0x3FFE];
	[sflag:s23] =	ssyncadd.s32 $0xFFFFFFFF  }
0xa5: {  	s26 =	simm.s32 $execute0_lowered;
	[smem:$0x3FD2] =	sst s25  }
0xa6: {  	s5 =	sshll.u32 s26, $0x1;
	_ =	strace $0x80000046;
	[dreg:$0x1] =	wrdreg $0xFFFFFFFF  }
0xa7: {  	s28 =	simm.s32 $_size_execute0_lowered;
	s3 =	sadd.s32 s3, s5;
	[dreg:$0x0] =	wrdreg $0x0  }
0xa8: {  	s5 =	sshll.u32 s28, $0x1;
	[dreg:$0x2] =	wrdreg s3  }
0xa9: {  	[dreg:$0x3] =	wrdreg s5  }
0xaa: {  	[dreg:$0x4] =	wrdreg $0xC0  }
0xab: {  	_ =	task [dreg:s7], $0x5FFFF  }
0xac: {  	[dreg:$0x1] =	wrdreg $0xFFFFFFFF  }
0xad: {  	[dreg:$0x0] =	wrdreg $0x60  }
0xae: {  	[dreg:$0x2] =	wrdreg s24  }
0xaf: {  	[dreg:$0x3] =	wrdreg s2  }
0xb0: {  	[dreg:$0x4] =	wrdreg $0x88000  }
0xb1: {  	[dreg:$0x5] =	wrdreg $0x9  }
0xb2: {  	_ =	task.clear_ibuf [dreg:s7], $0x6FFFF;
	_ =	strace $0x90000046  }
0xb3: {  	s29 =	simm.s32 $0x9;
	_ =	strace $0x80000048  }
0xb4: {  	_ =	swait.ge [sflag:s29], $0x1  }
0xb5: {  	[sflag:s29] =	ssyncadd.s32 $0xFFFFFFFF  }
0xb6: {  	_ =	strace $0x90000048  }
0xb7: {  	_ =	sfence  }
0xb8: {  	s30 =	sld [smem:$0x0];
	_ =	sdelay $0x2  }
0xb9: {  	s31 =	sshll.u32 s1, $0xD;
	s1 =	sshrl.u32 s1, $0x2  }
0xba: {  	s3 =	sand.u32 $0x4000, s31;
	s1 =	sadd.s32 s1, s30  }
0xbb: {  	s0 =	sor.u32 s3, s0;
	s1 =	sshll.u32 s1, $0x11  }
0xbc: {  	s0 =	sor.u32 s1, s0  }
0xbd: {  	s0 =	sadd.s32 $0x8F2B, s0  }
0xbe: {  	[sflag:s0] =	ssyncadd.remote.s32 $0x1  }
0xbf: {  	_ =	sfence.sel $0xFFFF  }
0xc0: {  	[dreg:$0x0] =	wrdreg $0xFFFFFFFF;
	(pc) =	sbr.abs _section_cstart, $3  }
0xc1: {  	[dreg:$0x1] =	wrdreg $0xFFFFFFFF  }
0xc2: {  	_ =	task.clear_ibuf [dreg:s7], $0x2FFFF;
	_ =	strace $0x9FFFFFFF  }
0xc3: {  	(tm) =	ssettm $0x7FFFFFFF  }
tec
execute0_lowered:
.L_overlay_start_1:
0x0: {  	(tag) =	ssettag $0x1  }
0x1: {  	s0 =	rddreg [dreg:$0x0]  }
0x2: {  	s1 =	rddreg [dreg:$0x1]  }
0x3: {  	s3 =	srdreg.scid;
	s10 =	stileid.u32  }
0x4: {  	s2 =	rddreg [dreg:$0x2];
	s13 =	simm.s32 $0x5;
	s14 =	simm.s32 $0x1  }
0x5: {  	s15 =	simm.s32 $0x80;
	s16 =	simm.s32 $0x800;
	s17 =	simm.s32 $0x100  }
0x6: {  	s18 =	simm.s32 $0x4800;
	s19 =	simm.s32 $0x3;
	s20 =	simm.s32 $0x200  }
0x7: {  	s21 =	simm.s32 $0x4;
	s28 =	simm.s32 $0x500;
	s29 =	simm.s32 $0x480  }
0x8: {  	s30 =	simm.s32 $0x600;
	s31 =	simm.s32 $0x580;
	s7 =	smul.u32 $0x27800, s10  }
0x9: {  	s5 =	sand.u32 $0x1, s3;
	s3 =	simm.s32 $0x0;
	s9 =	smul.u32 $0x2800, s10  }
0xa: {  	s4 =	sadd.s32 $0x1000, s0;
	s11 =	sadd.s32 $0x4F200, s0;
	s6 =	smul.u32 $0x278000, s5  }
0xb: {  	s25 =	sshll.u32 s10, $0x6;
	[smem:$0x7FF] =	sst s3;
	s8 =	smul.u32 $0x28000, s5  }
0xc: {  	s5 =	ssub.s32 $0x2, s5;
	_ =	strace $0x80000047;
	[dreg:$0x4] =	wrdreg s11  }
0xd: {  	s22 =	sshrl.u32 s5, $0x1;
	s23 =	sshrl.u32 s7, $0x1;
	s11 =	simm.s32 $0x400  }
0xe: {  	s6 =	sadd.s32 s7, s6;
	s8 =	sadd.s32 s9, s8;
	s5 =	ssub.s32 s5, s22  }
0xf: {  	s9 =	sor.u32 $0x1C05, s25;
	s22 =	simm.s32 $0x180;
	s25 =	simm.s32 $0x380  }
0x10: {  	s7 =	simm.s32 $0x0;
	s6 =	sshrl.u32 s6, $0x4;
	s8 =	sshrl.u32 s8, $0x3  }
0x11: {  	s26 =	smax.u32 s5, $0x1;
	s5 =	simm.s32 $0x780;
	s0 =	sadd.s32 s6, s0  }
.Ltmp0:
0x12: {  	s6 =	sadd.s32 s1, s8;
	s1 =	sadd.s32 s23, s2;
	(pc) =	sbr.rel .LBB2_1-.Ltmp0, $4  }
0x13: {  	[dreg:$0x7] =	wrdreg s26;
	s23 =	simm.s32 $0x300;
	s24 =	sadd.s32 $0x80, s6  }
0x14: {  	s26 =	simm.s32 $0x2;
	s0 =	sadd.s32 $0x51A00, s0;
	[dreg:$0x5] =	wrdreg s24  }
0x15: {  	s10 =	sshrl.u32 s1, $0x3;
	s1 =	simm.s32 $0x700;
	[dreg:$0x6] =	wrdreg s0  }
0x16: {  	s24 =	simm.s32 $0x280;
	s0 =	simm.s32 $0x680;
	[dreg:$0x8] =	wrdreg s10  }
.LBB2_4:
0x17: {  	[bflag:$0x0] =	sbarrier.arrive $0xFFFF  }
0x18: {  	s8 =	rddreg [dreg:$0x6]  }
0x19: {  	s10 =	rddreg [dreg:$0x8]  }
0x1a: {  	[hbm:s8], [sflag:s12] =	dma.local [spmem:s10], $0x2780  }
0x1b: {  	_ =	swait.ge [sflag:s13], $0x2780  }
0x1c: {  	s9 =	smov.u32 s12;
	s7 =	sadd.s32 $0x1, s7;
	s12 =	rddreg [dreg:$0x7]  }
0x1d: {  	p0 =	sne.s32 s7, s12  }
.Ltmp1:
0x1e: {  	_ = 	snop;
	(pc) =	sbr.rel @!p0 .LBB2_5-.Ltmp1, $3  }
0x1f: {  	_ =	sdelay $0x1  }
0x20: {  	[sflag:s13] =	ssyncset.done $0x0  }
0x21: {  	[sflag:s13] =	ssyncadd.s32 $0xFFFFD880  }
.LBB2_1:
0x22: {  	[tilespmem:s3], [sflag:$0x1] =	stream.linear.gather [hbm4b:s6+s3], $0x400, $0x38;
	[tilespmem:$0x1C400] =	vst v63  }
0x23: {  	s8 =	rddreg [dreg:$0x5]  }
0x24: {  	[tilespmem:s11], [sflag:$0x2] =	stream.linear.gather [hbm4b:s8+s3], $0x400, $0x38;
	[tilespmem:$0x1C400] =	vst v63  }
0x25: {  	s8 =	rddreg [dreg:$0x4]  }
0x26: {  	[spmem:s10], [sflag:s9] =	dma.local [hbm:s8], $0x2780  }
0x27: {  	_ =	swait.ge [sflag:s13], $0x2780  }
0x28: {  	[sflag:s13] =	ssyncset.done $0x0  }
0x29: {  	[sflag:s13] =	ssyncadd.s32 $0xFFFFD880  }
0x2a: {  	s12 =	smov.u32 s9;
	s9 =	simm.s32 $0xFFFFFC00;
	[bflag:$0x0] =	sbarrier.arrive $0xFFFF  }
.LBB2_2:
0x2b: {  	_ =	swait.ge [sflag:s14], $0x400  }
0x2c: {  	[sflag:s14] =	ssyncset.done $0x0  }
0x2d: {  	[sflag:s14] =	ssyncadd.s32 $0xFFFFFC00  }
0x2e: {  	[tilespmem:s16], [sflag:$0x3] =	stream.indirect.gather [hbm4b:s4+s15], $0x80, s3, s15, $0xb8;
	[tilespmem:$0x1C400] =	vst v63  }
0x2f: {  	_ = 	snop  }
0x30: {  	[tilespmem:s18], [sflag:$0x4] =	stream.indirect.gather [hbm4b:s4+s15], $0x80, s17, s15, $0xb8;
	[tilespmem:$0x1C400] =	vst v63  }
0x31: {  	_ =	swait.ge [sflag:s19], $0x4000  }
0x32: {  	[sflag:s19] =	ssyncset.done $0x0  }
0x33: {  	[sflag:s19] =	ssyncadd.s32 $0xFFFFC000  }
0x34: {  	[spmem:s2] =	stream.indirect.scatter.add.bf16 [tilespmem:s16], [sflag:$0x5], $0x80, s15, s15, $0xb8;
	[tilespmem:$0x1C400] =	vst v63  }
0x35: {  	_ =	swait.ge [sflag:s13], $0x4000  }
0x36: {  	[sflag:s13] =	ssyncset.done $0x0  }
0x37: {  	[sflag:s13] =	ssyncadd.s32 $0xFFFFC000  }
0x38: {  	[tilespmem:s16], [sflag:$0x3] =	stream.indirect.gather [hbm4b:s4+s15], $0x80, s20, s15, $0xb8;
	[tilespmem:$0x1C400] =	vst v63  }
0x39: {  	_ =	swait.ge [sflag:s21], $0x4000  }
0x3a: {  	[sflag:s21] =	ssyncset.done $0x0  }
0x3b: {  	[sflag:s21] =	ssyncadd.s32 $0xFFFFC000  }
0x3c: {  	[spmem:s2] =	stream.indirect.scatter.add.bf16 [tilespmem:s18], [sflag:$0x5], $0x80, s22, s15, $0xb8;
	[tilespmem:$0x1C400] =	vst v63  }
0x3d: {  	_ =	swait.ge [sflag:s13], $0x4000  }
0x3e: {  	[sflag:s13] =	ssyncset.done $0x0  }
0x3f: {  	[sflag:s13] =	ssyncadd.s32 $0xFFFFC000  }
0x40: {  	[tilespmem:s18], [sflag:$0x4] =	stream.indirect.gather [hbm4b:s4+s15], $0x80, s23, s15, $0xb8;
	[tilespmem:$0x1C400] =	vst v63  }
0x41: {  	_ =	swait.ge [sflag:s19], $0x4000  }
0x42: {  	[sflag:s19] =	ssyncset.done $0x0  }
0x43: {  	[sflag:s19] =	ssyncadd.s32 $0xFFFFC000  }
0x44: {  	[spmem:s2] =	stream.indirect.scatter.add.bf16 [tilespmem:s16], [sflag:$0x5], $0x80, s24, s15, $0xb8;
	[tilespmem:$0x1C400] =	vst v63  }
0x45: {  	_ =	swait.ge [sflag:s13], $0x4000  }
0x46: {  	[sflag:s13] =	ssyncset.done $0x0  }
0x47: {  	[sflag:s13] =	ssyncadd.s32 $0xFFFFC000  }
0x48: {  	_ =	swait.ge [sflag:s21], $0x4000  }
0x49: {  	[sflag:s21] =	ssyncset.done $0x0  }
0x4a: {  	[sflag:s21] =	ssyncadd.s32 $0xFFFFC000  }
0x4b: {  	[spmem:s2] =	stream.indirect.scatter.add.bf16 [tilespmem:s18], [sflag:$0x5], $0x80, s25, s15, $0xb8;
	[tilespmem:$0x1C400] =	vst v63  }
0x4c: {  	p0 =	seq.s32 s9, $0x0;
	_ =	swait.ge [sflag:s13], $0x4000  }
0x4d: {  	s10 =	sadd.s32 @!p0 s9, s6;
	[sflag:s13] =	ssyncset.done $0x0  }
0x4e: {  	s8 =	simm.s32 @!p0 $0x0;
	s10 =	sadd.s32 @!p0 $0x500, s10;
	[sflag:s13] =	ssyncadd.s32 $0xFFFFC000  }
0x4f: {  	[tilespmem:s8], [sflag:$0x1] =	stream.linear.gather @!p0 [hbm4b:s10+s8], $0x400, $0x38;
	[tilespmem:$0x1C400] =	vst v63  }
0x50: {  	_ =	swait.ge [sflag:s26], $0x400  }
0x51: {  	[sflag:s26] =	ssyncset.done $0x0  }
0x52: {  	[sflag:s26] =	ssyncadd.s32 $0xFFFFFC00  }
0x53: {  	[tilespmem:s16], [sflag:$0x3] =	stream.indirect.gather [hbm4b:s4+s15], $0x80, s11, s15, $0xb8;
	[tilespmem:$0x1C400] =	vst v63  }
0x54: {  	_ = 	snop  }
0x55: {  	[tilespmem:s18], [sflag:$0x4] =	stream.indirect.gather [hbm4b:s4+s15], $0x80, s28, s15, $0xb8;
	[tilespmem:$0x1C400] =	vst v63  }
0x56: {  	_ =	swait.ge [sflag:s19], $0x4000  }
0x57: {  	[sflag:s19] =	ssyncset.done $0x0  }
0x58: {  	[sflag:s19] =	ssyncadd.s32 $0xFFFFC000  }
0x59: {  	[spmem:s2] =	stream.indirect.scatter.add.bf16 [tilespmem:s16], [sflag:$0x5], $0x80, s29, s15, $0xb8;
	[tilespmem:$0x1C400] =	vst v63  }
0x5a: {  	_ =	swait.ge [sflag:s13], $0x4000  }
0x5b: {  	[sflag:s13] =	ssyncset.done $0x0  }
0x5c: {  	[sflag:s13] =	ssyncadd.s32 $0xFFFFC000  }
0x5d: {  	[tilespmem:s16], [sflag:$0x3] =	stream.indirect.gather [hbm4b:s4+s15], $0x80, s30, s15, $0xb8;
	[tilespmem:$0x1C400] =	vst v63  }
0x5e: {  	_ =	swait.ge [sflag:s21], $0x4000  }
0x5f: {  	[sflag:s21] =	ssyncset.done $0x0  }
0x60: {  	[sflag:s21] =	ssyncadd.s32 $0xFFFFC000  }
0x61: {  	[spmem:s2] =	stream.indirect.scatter.add.bf16 [tilespmem:s18], [sflag:$0x5], $0x80, s31, s15, $0xb8;
	[tilespmem:$0x1C400] =	vst v63  }
0x62: {  	_ =	swait.ge [sflag:s13], $0x4000  }
0x63: {  	[sflag:s13] =	ssyncset.done $0x0  }
0x64: {  	[sflag:s13] =	ssyncadd.s32 $0xFFFFC000  }
0x65: {  	[tilespmem:s18], [sflag:$0x4] =	stream.indirect.gather [hbm4b:s4+s15], $0x80, s1, s15, $0xb8;
	[tilespmem:$0x1C400] =	vst v63  }
0x66: {  	_ =	swait.ge [sflag:s19], $0x4000  }
0x67: {  	[sflag:s19] =	ssyncset.done $0x0  }
0x68: {  	[sflag:s19] =	ssyncadd.s32 $0xFFFFC000  }
0x69: {  	[spmem:s2] =	stream.indirect.scatter.add.bf16 [tilespmem:s16], [sflag:$0x5], $0x80, s0, s15, $0xb8;
	[tilespmem:$0x1C400] =	vst v63  }
0x6a: {  	_ =	swait.ge [sflag:s13], $0x4000  }
0x6b: {  	[sflag:s13] =	ssyncset.done $0x0  }
0x6c: {  	[sflag:s13] =	ssyncadd.s32 $0xFFFFC000  }
0x6d: {  	_ =	swait.ge [sflag:s21], $0x4000  }
0x6e: {  	[sflag:s21] =	ssyncset.done $0x0  }
.Ltmp2:
0x6f: {  	[sflag:s21] =	ssyncadd.s32 $0xFFFFC000;
	(pc) =	sbr.rel @p0 .LBB2_4-.Ltmp2, $4  }
0x70: {  	[spmem:s2] =	stream.indirect.scatter.add.bf16 [tilespmem:s18], [sflag:$0x5], $0x80, s5, s15, $0xb8;
	[tilespmem:$0x1C400] =	vst v63  }
0x71: {  	_ =	swait.ge [sflag:s13], $0x4000  }
0x72: {  	[sflag:s13] =	ssyncset.done $0x0  }
0x73: {  	[sflag:s13] =	ssyncadd.s32 $0xFFFFC000  }
.Ltmp3:
0x74: {  	(pc) =	sbr.rel .LBB2_2-.Ltmp3, $4  }
0x75: {  	_ = 	snop  }
0x76: {  	s8 =	sadd.s32 s9, s6  }
0x77: {  	s9 =	sadd.s32 $0x100, s9;
	s8 =	sadd.s32 $0x580, s8  }
0x78: {  	[tilespmem:s11], [sflag:$0x2] =	stream.linear.gather [hbm4b:s8+s3], $0x400, $0x38;
	[tilespmem:$0x1C400] =	vst v63  }
.LBB2_5:
0x79: {  	_ =	sfence.sel $0x180000  }
0x7a: {  	[bflag:$0x0] =	sbarrier.arrive $0xFFFF  }
0x7b: {  	_ =	strace $0x90000047  }
0x7c: {  	s0 =	stileid.u32;
	[bflag:$0x2] =	sbarrier.arrive $0xFFFF  }
0x7d: {  	p0 =	sne.s32 s0, $0x0;
	s0 =	rddreg [dreg:$0x3]  }
0x7e: {  	s0 =	sadd.s32 @!p0 $0x100000, s0  }
0x7f: {  	[sflag:s0] =	ssyncadd.tile.s32 @!p0 $0x1;
	_ =	shalt  }
.Lfunc_end2:
_tile_overlayer_lowered:
.L_overlay_start_2:
0x80: {  	(tag) =	ssettag $0x2  }
0x81: {  	s0 =	rddreg [dreg:$0x0];
	s2 =	stileid.u32  }
0x82: {  	s1 =	rddreg [dreg:$0x1];
	p0 =	sne.s32 s2, $0x0  }
0x83: {  	s3 =	rddreg [dreg:$0x2];
	[bflag:$0x3] =	sbarrier.arrive $0xFFFF;
	s2 =	simm.s32 @!p0 $0x1C05  }
0x84: {  	[timem:s3], [sflag:s2] =	dma.local @!p0 [hbm:s0], s1  }
0x85: {  	s0 =	simm.s32 @!p0 $0x5  }
0x86: {  	_ =	swait.ge @!p0 [sflag:s0], s1  }
0x87: {  	s1 =	ssub.s32 @!p0 $0x0, s1;
	[sflag:s0] =	ssyncset.done @!p0 $0x0  }
0x88: {  	[sflag:s0] =	ssyncadd.s32 @!p0 s1  }
0x89: {  	[bflag:$0x3] =	sbarrier.arrive $0xFFFF  }
0x8a: {  	_ =	shalt  }

// kernel: kernel.9.cloned.1.call-start
scs
__scs_entry_jumppad:
0x0: {  	(pc) =	sbr.rel $0x88, $3  }
0x1: {  	(tag) =	ssettag $0x0;
	lr =	simm.s32 $0x1  }
0x2: {  	[smem:$0x3F99] =	sst lr;
	_ =	strace $0xD0000000  }
0x3: {  	_ = 	snop  }
0x4: {  	_ = 	snop  }
0x5: {  	_ = 	snop  }
0x6: {  	_ = 	snop  }
0x7: {  	_ = 	snop  }
__scs_overlays_trampoline_lowered:
0x8: {  	[smem:$0x3FA8] =	sst s0  }
0x9: {  	[smem:$0x3FA9] =	sst s1  }
0xa: {  	[smem:$0x3FAA] =	sst s2  }
0xb: {  	[smem:$0x3FAB] =	sst s3  }
0xc: {  	[smem:$0x3FAC] =	sst s4  }
0xd: {  	[smem:$0x3FAD] =	sst s5  }
0xe: {  	[smem:$0x3FAE] =	sst s6  }
0xf: {  	[smem:$0x3FAF] =	sst s7  }
0x10: {  	[smem:$0x3FB0] =	sst s8  }
0x11: {  	[smem:$0x3FB1] =	sst s9;
	s0 =	simm.s32 @!p0 $0x0  }
0x12: {  	s1 =	sld [smem:$0x3F97];
	s0 =	simm.s32 @p0 $0x1  }
0x13: {  	[smem:$0x3FB2] =	sst s0;
	s0 =	simm.s32 @!p1 $0x0  }
0x14: {  	s2 =	sld [smem:$0x3F96];
	s0 =	simm.s32 @p1 $0x1  }
0x15: {  	[smem:$0x3FB3] =	sst s0;
	s0 =	simm.s32 @!p2 $0x0  }
0x16: {  	s3 =	sld [smem:$0x3FDB];
	s0 =	simm.s32 @p2 $0x1  }
0x17: {  	s4 =	simm.s32 $0x1BF5;
	[smem:$0x3FB5] =	sst s0  }
0x18: {  	s0 =	sld [smem:$0x3F98];
	_ =	swait.ge [sflag:s4], $0x0  }
0x19: {  	s7 =	sld [smem:$0x3F99]  }
0x1a: {  	s8 =	sadd.s32 $0xFFFFE003, lr  }
0x1b: {  	s9 =	sadd.s32 $0xFFFFFEF7, lr;
	s5 =	simm.s32 $0xFFFFFFFF;
	p2 =	slt.u32 s8, $0xFFFFF086  }
0x1c: {  	p1 =	slt.u32 s9, $0xF7A;
	s5 =	simm.s32 @!p2 $0x0  }
0x1d: {  	s5 =	simm.s32 @p1 $0x1;
	p0 =	seq.s32 s7, s2  }
0x1e: {  	s7 =	smul.u32 @!p0 $0xF7A, s2;
	p2 =	seq.s32 @!p0 s5, $0x0  }
0x1f: {  	s9 =	smul.u32 $0xF7A, s1;
	s8 =	simm.s32 @!p0 $0x1BF5;
	p2 =	por !p2, p0  }
0x20: {  	[sflag:s8] =	ssyncset.s32 @!p0 $0xFFFFF086;
	s6 =	sadd.s32 @!p0 s3, s7;
	s7 =	simm.s32 @!p0 $0x108  }
0x21: {  	s3 =	sadd.s32 s3, s9;
	s6 =	sadd.s32 @!p0 $0x88, s6;
	s7 =	simm.s32 @p2 $0x1082  }
0x22: {  	[simem:s7], [sflag:s8] =	dma.local @!p0 [hbm:s6], $0xF7A  }
0x23: {  	s9 =	sor.u32 $0xD0000000, s2;
	s6 =	simm.s32 $0x108;
	_ =	swait.ge @!p0 [sflag:s8], $0x0  }
0x24: {  	s3 =	sadd.s32 $0x88, s3;
	s6 =	simm.s32 @!p1 $0x1082;
	[sflag:s4] =	ssyncset.s32 $0xFFFFF086  }
0x25: {  	[simem:s6], [sflag:s4] =	dma.local [hbm:s3], $0xF7A  }
0x26: {  	[smem:$0x3F99] =	sst s1;
	(tag) =	ssettag s2;
	_ =	strace s9  }
0x27: {  	s1 =	sld [smem:$0x3FA9]  }
0x28: {  	s2 =	sld [smem:$0x3FAA]  }
0x29: {  	s4 =	sld [smem:$0x3FAC]  }
0x2a: {  	p0 =	seq.s32 s5, $0x0;
	s5 =	sld [smem:$0x3FAD]  }
0x2b: {  	s6 =	sld [smem:$0x3FAE]  }
0x2c: {  	s7 =	sld [smem:$0x3FAF]  }
0x2d: {  	s3 =	simm.s32 $0x108;
	s8 =	sld [smem:$0x3FB0]  }
0x2e: {  	s3 =	simm.s32 @!p0 $0x1082;
	s9 =	sld [smem:$0x3FB1]  }
0x2f: {  	lr =	sadd.s32 s0, s3;
	s0 =	sld [smem:$0x3FA8]  }
0x30: {  	s3 =	sld [smem:$0x3FAB]  }
0x31: {  	[smem:$0x3FB4] =	sst s10  }
0x32: {  	s10 =	sld [smem:$0x3FB2];
	_ =	sdelay $0x3  }
0x33: {  	p0 =	seq.s32 s10, $0x1;
	s10 =	sld [smem:$0x3FB4];
	_ =	sdelay $0x3  }
0x34: {  	[smem:$0x3FB4] =	sst s10  }
0x35: {  	s10 =	sld [smem:$0x3FB3];
	_ =	sdelay $0x3  }
0x36: {  	p1 =	seq.s32 s10, $0x1;
	s10 =	sld [smem:$0x3FB4];
	_ =	sdelay $0x3  }
0x37: {  	[smem:$0x3FB4] =	sst s10  }
0x38: {  	s10 =	sld [smem:$0x3FB5]  }
0x39: {  	_ = 	snop;
	(pc) =	sbr.ind lr, $3  }
0x3a: {  	_ = 	snop  }
0x3b: {  	_ = 	snop  }
0x3c: {  	p2 =	seq.s32 s10, $0x1;
	s10 =	sld [smem:$0x3FB4]  }
0x3d: {  	_ =	shalt  }
0x3e: {  	_ =	shalt  }
0x3f: {  	_ =	shalt  }
0x40: {  	_ =	shalt  }
0x41: {  	_ =	shalt  }
0x42: {  	_ =	shalt  }
0x43: {  	_ =	shalt  }
0x44: {  	_ =	shalt  }
0x45: {  	_ =	shalt  }
0x46: {  	_ =	shalt  }
0x47: {  	_ =	shalt  }
0x48: {  	_ =	shalt  }
0x49: {  	_ =	shalt  }
0x4a: {  	_ =	shalt  }
0x4b: {  	_ =	shalt  }
0x4c: {  	_ =	shalt  }
0x4d: {  	_ =	shalt  }
0x4e: {  	_ =	shalt  }
0x4f: {  	_ =	shalt  }
0x50: {  	_ =	shalt  }
0x51: {  	_ =	shalt  }
0x52: {  	_ =	shalt  }
0x53: {  	_ =	shalt  }
0x54: {  	_ =	shalt  }
0x55: {  	_ =	shalt  }
0x56: {  	_ =	shalt  }
0x57: {  	_ =	shalt  }
0x58: {  	_ =	shalt  }
0x59: {  	_ =	shalt  }
0x5a: {  	_ =	shalt  }
0x5b: {  	_ =	shalt  }
0x5c: {  	_ =	shalt  }
0x5d: {  	_ =	shalt  }
0x5e: {  	_ =	shalt  }
0x5f: {  	_ =	shalt  }
0x60: {  	_ =	shalt  }
0x61: {  	_ =	shalt  }
0x62: {  	_ =	shalt  }
0x63: {  	_ =	shalt  }
0x64: {  	_ =	shalt  }
0x65: {  	_ =	shalt  }
0x66: {  	_ =	shalt  }
0x67: {  	_ =	shalt  }
0x68: {  	_ =	shalt  }
0x69: {  	_ =	shalt  }
0x6a: {  	_ =	shalt  }
0x6b: {  	_ =	shalt  }
0x6c: {  	_ =	shalt  }
0x6d: {  	_ =	shalt  }
0x6e: {  	_ =	shalt  }
0x6f: {  	_ =	shalt  }
0x70: {  	_ =	shalt  }
0x71: {  	_ =	shalt  }
0x72: {  	_ =	shalt  }
0x73: {  	_ =	shalt  }
0x74: {  	_ =	shalt  }
0x75: {  	_ =	shalt  }
0x76: {  	_ =	shalt  }
0x77: {  	_ =	shalt  }
0x78: {  	_ =	shalt  }
0x79: {  	_ =	shalt  }
0x7a: {  	_ =	shalt  }
0x7b: {  	_ =	shalt  }
0x7c: {  	_ =	shalt  }
0x7d: {  	_ =	shalt  }
0x7e: {  	_ =	shalt  }
0x7f: {  	_ =	shalt  }
0x80: {  	_ =	shalt  }
0x81: {  	_ =	shalt  }
0x82: {  	_ =	shalt  }
0x83: {  	_ =	shalt  }
0x84: {  	_ =	shalt  }
0x85: {  	_ =	shalt  }
0x86: {  	_ =	shalt  }
0x87: {  	_ =	shalt  }
.Lfunc_end0:
.L_simem_size_0:
called_computation.1_lowered:
.L_overlay_start_0:
0x88: {  	s2 =	sld [smem:$0x3FD9]  }
0x89: {  	s3 =	sld [smem:$0x3FFE];
	_ =	sdelay $0x1  }
0x8a: {  	s1 =	srdreg.scid  }
0x8b: {  	s0 =	sand.u32 $0x1, s1  }
0x8c: {  	s16 =	sshll.u32 s0, $0xA;
	s2 =	sadd.s32 s3, s2  }
0x8d: {  	s2 =	sadd.s32 s2, s16  }
0x8e: {  	[smem:$0x3FC0] =	sst s2  }
0x8f: {  	_ = 	snop  }
0x90: {  	(tm) =	ssettm $0x1  }
0x91: {  	s17 =	sld [smem:$0x3FFB];
	_ =	sdelay $0x3  }
0x92: {  	_ =	strace s17  }
0x93: {  	s2 =	sld [smem:$0x3FFC];
	_ =	sdelay $0x3  }
0x94: {  	_ =	strace s2  }
0x95: {  	s2 =	sld [smem:$0x3FFD];
	_ =	sdelay $0x3  }
0x96: {  	_ =	strace s2  }
0x97: {  	_ =	strace $0x8FFFFFFF  }
0x98: {  	s18 =	sld [smem:$0x3FDB];
	_ =	sdelay $0x1  }
0x99: {  	s19 =	simm.s32 $_scs_section_size  }
0x9a: {  	s4 =	simm.s32 $_size__tile_overlayer_lowered;
	s5 =	simm.s32 $_tile_overlayer_lowered  }
0x9b: {  	s22 =	simm.s32 $0x1BFF;
	s21 =	sshll.u32 s5, $0x1;
	s2 =	sadd.s32 s19, s18  }
0x9c: {  	s6 =	simm.s32 $0x0;
	s20 =	sshll.u32 s4, $0x1;
	s4 =	sadd.s32 s21, s2  }
0x9d: {  	[timem:s6], [sflag:s22] =	dma.local [hbm:s4], s20  }
0x9e: {  	_ =	swait.ge [sflag:s22], s20  }
0x9f: {  	s3 =	ssub.s32 $0x0, s20;
	[sflag:s22] =	ssyncset.done $0x0  }
0xa0: {  	[sflag:s22] =	ssyncadd.s32 s3;
	_ =	sdelay $0x1  }
0xa1: {  	s23 =	simm.s32 $0x1B8B  }
0xa2: {  	_ =	swait.ge [sflag:s23], $0x1  }
0xa3: {  	[sflag:s23] =	ssyncset.done $0x0  }
0xa4: {  	s25 =	simm.s32 $0x1B8E;
	s24 =	sld [smem:$0x3FFE];
	[sflag:s23] =	ssyncadd.s32 $0xFFFFFFFF  }
0xa5: {  	s26 =	simm.s32 $execute0_lowered;
	[smem:$0x3FD2] =	sst s25  }
0xa6: {  	s4 =	sshll.u32 s26, $0x1;
	_ =	strace $0x80000049;
	[dreg:$0x1] =	wrdreg $0xFFFFFFFF  }
0xa7: {  	s28 =	simm.s32 $_size_execute0_lowered;
	s2 =	sadd.s32 s2, s4;
	[dreg:$0x0] =	wrdreg $0x0  }
0xa8: {  	s4 =	sshll.u32 s28, $0x1;
	[dreg:$0x2] =	wrdreg s2  }
0xa9: {  	[dreg:$0x3] =	wrdreg s4  }
0xaa: {  	[dreg:$0x4] =	wrdreg $0xC0  }
0xab: {  	_ =	task [dreg:s6], $0x5FFFF  }
0xac: {  	[dreg:$0x1] =	wrdreg $0xFFFFFFFF  }
0xad: {  	[dreg:$0x0] =	wrdreg $0x60  }
0xae: {  	[dreg:$0x2] =	wrdreg s24  }
0xaf: {  	[dreg:$0x3] =	wrdreg $0x6E000  }
0xb0: {  	[dreg:$0x4] =	wrdreg $0x9  }
0xb1: {  	_ =	task.clear_ibuf [dreg:s6], $0x5FFFF;
	_ =	strace $0x90000049  }
0xb2: {  	s29 =	simm.s32 $0x9;
	_ =	strace $0x8000004B  }
0xb3: {  	_ =	swait.ge [sflag:s29], $0x1  }
0xb4: {  	[sflag:s29] =	ssyncadd.s32 $0xFFFFFFFF  }
0xb5: {  	_ =	strace $0x9000004B  }
0xb6: {  	_ =	sfence  }
0xb7: {  	s30 =	sld [smem:$0x0];
	_ =	sdelay $0x2  }
0xb8: {  	s31 =	sshll.u32 s1, $0xD;
	s1 =	sshrl.u32 s1, $0x2  }
0xb9: {  	s3 =	sand.u32 $0x4000, s31;
	s1 =	sadd.s32 s1, s30  }
0xba: {  	s0 =	sor.u32 s3, s0;
	s1 =	sshll.u32 s1, $0x11  }
0xbb: {  	s0 =	sor.u32 s1, s0  }
0xbc: {  	s0 =	sadd.s32 $0x8F2B, s0  }
0xbd: {  	[sflag:s0] =	ssyncadd.remote.s32 $0x1  }
0xbe: {  	_ =	sfence.sel $0xFFFF  }
0xbf: {  	[dreg:$0x0] =	wrdreg $0xFFFFFFFF;
	(pc) =	sbr.abs _section_cstart, $3  }
0xc0: {  	[dreg:$0x1] =	wrdreg $0xFFFFFFFF  }
0xc1: {  	_ =	task.clear_ibuf [dreg:s6], $0x2FFFF;
	_ =	strace $0x9FFFFFFF  }
0xc2: {  	(tm) =	ssettm $0x7FFFFFFF  }
0xc3: {  	_ =	shalt  }
tec
execute0_lowered:
.L_overlay_start_1:
0x0: {  	(tag) =	ssettag $0x1  }
0x1: {  	s0 =	srdreg.scid  }
0x2: {  	s1 =	rddreg [dreg:$0x0];
	s9 =	stileid.u32  }
0x3: {  	s2 =	rddreg [dreg:$0x1];
	s3 =	simm.s32 $0x0;
	s11 =	simm.s32 $0x500  }
0x4: {  	s13 =	simm.s32 $0x5;
	s14 =	simm.s32 $0x1;
	s15 =	simm.s32 $0x50  }
0x5: {  	s16 =	simm.s32 $0xA00;
	s18 =	simm.s32 $0x3C00;
	s19 =	simm.s32 $0x3  }
0x6: {  	s21 =	simm.s32 $0x4;
	s12 =	simm.s32 $0x5F0;
	s17 =	simm.s32 $0x6E0  }
0x7: {  	s20 =	simm.s32 $0x690;
	s28 =	simm.s32 $0x870;
	s29 =	simm.s32 $0x960  }
0x8: {  	s30 =	simm.s32 $0x910;
	s31 =	simm.s32 $0x9B0;
	s6 =	smul.u32 $0x2800, s9  }
0x9: {  	s0 =	sand.u32 $0x1, s0;
	s7 =	smul.u32 $0x31600, s9;
	[smem:$0x7FF] =	sst s3  }
0xa: {  	s4 =	sadd.s32 $0x1000, s1;
	s10 =	sadd.s32 $0xAAA00, s1;
	s5 =	smul.u32 $0x28000, s0  }
0xb: {  	s24 =	sshll.u32 s9, $0x6;
	s9 =	simm.s32 $0x5A0;
	s8 =	smul.u32 $0x316000, s0  }
0xc: {  	_ =	strace $0x8000004A;
	s0 =	ssub.s32 $0x2, s0;
	[dreg:$0x3] =	wrdreg s10  }
0xd: {  	s26 =	sor.u32 $0x1C05, s24;
	s10 =	simm.s32 $0x550;
	s24 =	simm.s32 $0x820  }
0xe: {  	s23 =	sshrl.u32 s0, $0x1;
	s5 =	sadd.s32 s6, s5;
	s22 =	sadd.s32 s7, s8  }
0xf: {  	s0 =	ssub.s32 s0, s23;
	s7 =	sshrl.u32 s7, $0x1;
	s8 =	simm.s32 $0x640  }
0x10: {  	s23 =	simm.s32 $0x730;
	s5 =	sshrl.u32 s5, $0x3;
	s6 =	sshrl.u32 s22, $0x4  }
0x11: {  	s0 =	smax.u32 s0, $0x1;
	s5 =	sadd.s32 s5, s1;
	s1 =	sadd.s32 s6, s1  }
0x12: {  	[dreg:$0x7] =	wrdreg s0;
	s0 =	simm.s32 $0x0;
	s6 =	sadd.s32 $0xA0A00, s5  }
.Ltmp0:
0x13: {  	s5 =	sadd.s32 $0xA0AA0, s5;
	[dreg:$0x9] =	wrdreg s0;
	(pc) =	sbr.rel .LBB2_1-.Ltmp0, $4  }
0x14: {  	s25 =	sadd.s32 s7, s2;
	s1 =	sadd.s32 $0xADC00, s1;
	[dreg:$0x4] =	wrdreg s5  }
0x15: {  	s7 =	simm.s32 $0x2;
	[dreg:$0x6] =	wrdreg s1;
	s1 =	smov.u32 s26  }
0x16: {  	s22 =	simm.s32 $0x780;
	s5 =	sshrl.u32 s25, $0x3;
	[dreg:$0x5] =	wrdreg s1  }
0x17: {  	s25 =	simm.s32 $0x7D0;
	s26 =	simm.s32 $0x8C0;
	[dreg:$0x8] =	wrdreg s5  }
.LBB2_4:
0x18: {  	[bflag:$0x0] =	sbarrier.arrive $0xFFFF  }
0x19: {  	s1 =	rddreg [dreg:$0x5]  }
0x1a: {  	s0 =	rddreg [dreg:$0x6]  }
0x1b: {  	s5 =	rddreg [dreg:$0x8]  }
0x1c: {  	[hbm:s0], [sflag:s1] =	dma.local [spmem:s5], $0x3160  }
0x1d: {  	_ =	swait.ge [sflag:s13], $0x3160  }
0x1e: {  	s9 =	rddreg [dreg:$0x9]  }
0x1f: {  	s0 =	rddreg [dreg:$0x7];
	s9 =	sadd.s32 $0x1, s9  }
0x20: {  	p0 =	sne.s32 s9, s0  }
.Ltmp1:
0x21: {  	_ = 	snop;
	(pc) =	sbr.rel @!p0 .LBB2_5-.Ltmp1, $3  }
0x22: {  	_ =	sdelay $0x1  }
0x23: {  	[sflag:s13] =	ssyncset.done $0x0  }
0x24: {  	[sflag:s13] =	ssyncadd.s32 $0xFFFFCEA0;
	[dreg:$0x9] =	wrdreg s9;
	s9 =	simm.s32 $0x5A0  }
.LBB2_1:
0x25: {  	[tilespmem:s3], [sflag:$0x1] =	stream.linear.gather [hbm4b:s6+s3], $0x500, $0x38;
	[tilespmem:$0x1F900] =	vst v63  }
0x26: {  	s0 =	rddreg [dreg:$0x4]  }
0x27: {  	[tilespmem:s11], [sflag:$0x2] =	stream.linear.gather [hbm4b:s0+s3], $0x500, $0x38;
	[tilespmem:$0x1F900] =	vst v63  }
0x28: {  	s0 =	rddreg [dreg:$0x3]  }
0x29: {  	[spmem:s5], [sflag:s1] =	dma.local [hbm:s0], $0x3160  }
0x2a: {  	_ =	swait.ge [sflag:s13], $0x3160  }
0x2b: {  	[sflag:s13] =	ssyncset.done $0x0  }
0x2c: {  	[sflag:s13] =	ssyncadd.s32 $0xFFFFCEA0  }
0x2d: {  	s1 =	simm.s32 $0xFFFFFC40;
	[bflag:$0x0] =	sbarrier.arrive $0xFFFF  }
.LBB2_2:
0x2e: {  	_ =	swait.ge [sflag:s14], $0x500  }
0x2f: {  	[sflag:s14] =	ssyncset.done $0x0  }
0x30: {  	[sflag:s14] =	ssyncadd.s32 $0xFFFFFB00  }
0x31: {  	[tilespmem:s16], [sflag:$0x3] =	stream.indirect.gather [hbm4b:s4+s15], $0xA0, s3, s15, $0xb8;
	[tilespmem:$0x1F900] =	vst v63  }
0x32: {  	s0 =	simm.s32 $0xA0  }
0x33: {  	[tilespmem:s18], [sflag:$0x4] =	stream.indirect.gather [hbm4b:s4+s15], $0xA0, s0, s15, $0xb8;
	[tilespmem:$0x1F900] =	vst v63  }
0x34: {  	_ =	swait.ge [sflag:s19], $0x3200  }
0x35: {  	[sflag:s19] =	ssyncset.done $0x0  }
0x36: {  	[sflag:s19] =	ssyncadd.s32 $0xFFFFCE00  }
0x37: {  	[spmem:s2] =	stream.indirect.scatter.add.bf16 [tilespmem:s16], [sflag:$0x5], $0xA0, s15, s15, $0xb8;
	[tilespmem:$0x1F900] =	vst v63  }
0x38: {  	_ =	swait.ge [sflag:s13], $0x3200  }
0x39: {  	[sflag:s13] =	ssyncset.done $0x0  }
0x3a: {  	s5 =	simm.s32 $0x140;
	[sflag:s13] =	ssyncadd.s32 $0xFFFFCE00  }
0x3b: {  	[tilespmem:s16], [sflag:$0x3] =	stream.indirect.gather [hbm4b:s4+s15], $0xA0, s5, s15, $0xb8;
	[tilespmem:$0x1F900] =	vst v63  }
0x3c: {  	_ =	swait.ge [sflag:s21], $0x3200  }
0x3d: {  	[sflag:s21] =	ssyncset.done $0x0  }
0x3e: {  	s5 =	simm.s32 $0xF0;
	[sflag:s21] =	ssyncadd.s32 $0xFFFFCE00  }
0x3f: {  	[spmem:s2] =	stream.indirect.scatter.add.bf16 [tilespmem:s18], [sflag:$0x5], $0xA0, s5, s15, $0xb8;
	[tilespmem:$0x1F900] =	vst v63  }
0x40: {  	_ =	swait.ge [sflag:s13], $0x3200  }
0x41: {  	[sflag:s13] =	ssyncset.done $0x0  }
0x42: {  	s5 =	simm.s32 $0x1E0;
	[sflag:s13] =	ssyncadd.s32 $0xFFFFCE00  }
0x43: {  	[tilespmem:s18], [sflag:$0x4] =	stream.indirect.gather [hbm4b:s4+s15], $0xA0, s5, s15, $0xb8;
	[tilespmem:$0x1F900] =	vst v63  }
0x44: {  	_ =	swait.ge [sflag:s19], $0x3200  }
0x45: {  	[sflag:s19] =	ssyncset.done $0x0  }
0x46: {  	s5 =	simm.s32 $0x190;
	[sflag:s19] =	ssyncadd.s32 $0xFFFFCE00  }
0x47: {  	[spmem:s2] =	stream.indirect.scatter.add.bf16 [tilespmem:s16], [sflag:$0x5], $0xA0, s5, s15, $0xb8;
	[tilespmem:$0x1F900] =	vst v63  }
0x48: {  	_ =	swait.ge [sflag:s13], $0x3200  }
0x49: {  	[sflag:s13] =	ssyncset.done $0x0  }
0x4a: {  	s5 =	simm.s32 $0x280;
	[sflag:s13] =	ssyncadd.s32 $0xFFFFCE00  }
0x4b: {  	[tilespmem:s16], [sflag:$0x3] =	stream.indirect.gather [hbm4b:s4+s15], $0xA0, s5, s15, $0xb8;
	[tilespmem:$0x1F900] =	vst v63  }
0x4c: {  	_ =	swait.ge [sflag:s21], $0x3200  }
0x4d: {  	[sflag:s21] =	ssyncset.done $0x0  }
0x4e: {  	s5 =	simm.s32 $0x230;
	[sflag:s21] =	ssyncadd.s32 $0xFFFFCE00  }
0x4f: {  	[spmem:s2] =	stream.indirect.scatter.add.bf16 [tilespmem:s18], [sflag:$0x5], $0xA0, s5, s15, $0xb8;
	[tilespmem:$0x1F900] =	vst v63  }
0x50: {  	_ =	swait.ge [sflag:s13], $0x3200  }
0x51: {  	[sflag:s13] =	ssyncset.done $0x0  }
0x52: {  	s5 =	simm.s32 $0x320;
	[sflag:s13] =	ssyncadd.s32 $0xFFFFCE00  }
0x53: {  	[tilespmem:s18], [sflag:$0x4] =	stream.indirect.gather [hbm4b:s4+s15], $0xA0, s5, s15, $0xb8;
	[tilespmem:$0x1F900] =	vst v63  }
0x54: {  	_ =	swait.ge [sflag:s19], $0x3200  }
0x55: {  	[sflag:s19] =	ssyncset.done $0x0  }
0x56: {  	s5 =	simm.s32 $0x2D0;
	[sflag:s19] =	ssyncadd.s32 $0xFFFFCE00  }
0x57: {  	[spmem:s2] =	stream.indirect.scatter.add.bf16 [tilespmem:s16], [sflag:$0x5], $0xA0, s5, s15, $0xb8;
	[tilespmem:$0x1F900] =	vst v63  }
0x58: {  	_ =	swait.ge [sflag:s13], $0x3200  }
0x59: {  	[sflag:s13] =	ssyncset.done $0x0  }
0x5a: {  	s5 =	simm.s32 $0x3C0;
	[sflag:s13] =	ssyncadd.s32 $0xFFFFCE00  }
0x5b: {  	[tilespmem:s16], [sflag:$0x3] =	stream.indirect.gather [hbm4b:s4+s15], $0xA0, s5, s15, $0xb8;
	[tilespmem:$0x1F900] =	vst v63  }
0x5c: {  	_ =	swait.ge [sflag:s21], $0x3200  }
0x5d: {  	[sflag:s21] =	ssyncset.done $0x0  }
0x5e: {  	s5 =	simm.s32 $0x370;
	[sflag:s21] =	ssyncadd.s32 $0xFFFFCE00  }
0x5f: {  	[spmem:s2] =	stream.indirect.scatter.add.bf16 [tilespmem:s18], [sflag:$0x5], $0xA0, s5, s15, $0xb8;
	[tilespmem:$0x1F900] =	vst v63  }
0x60: {  	_ =	swait.ge [sflag:s13], $0x3200  }
0x61: {  	[sflag:s13] =	ssyncset.done $0x0  }
0x62: {  	s5 =	simm.s32 $0x460;
	[sflag:s13] =	ssyncadd.s32 $0xFFFFCE00  }
0x63: {  	[tilespmem:s18], [sflag:$0x4] =	stream.indirect.gather [hbm4b:s4+s15], $0xA0, s5, s15, $0xb8;
	[tilespmem:$0x1F900] =	vst v63  }
0x64: {  	_ =	swait.ge [sflag:s19], $0x3200  }
0x65: {  	[sflag:s19] =	ssyncset.done $0x0  }
0x66: {  	s5 =	simm.s32 $0x410;
	[sflag:s19] =	ssyncadd.s32 $0xFFFFCE00  }
0x67: {  	[spmem:s2] =	stream.indirect.scatter.add.bf16 [tilespmem:s16], [sflag:$0x5], $0xA0, s5, s15, $0xb8;
	[tilespmem:$0x1F900] =	vst v63  }
0x68: {  	_ =	swait.ge [sflag:s13], $0x3200  }
0x69: {  	[sflag:s13] =	ssyncset.done $0x0  }
0x6a: {  	[sflag:s13] =	ssyncadd.s32 $0xFFFFCE00  }
0x6b: {  	_ =	swait.ge [sflag:s21], $0x3200  }
0x6c: {  	[sflag:s21] =	ssyncset.done $0x0  }
0x6d: {  	s5 =	simm.s32 $0x4B0;
	[sflag:s21] =	ssyncadd.s32 $0xFFFFCE00  }
0x6e: {  	[spmem:s2] =	stream.indirect.scatter.add.bf16 [tilespmem:s18], [sflag:$0x5], $0xA0, s5, s15, $0xb8;
	[tilespmem:$0x1F900] =	vst v63  }
0x6f: {  	p0 =	seq.s32 s1, $0x0;
	_ =	swait.ge [sflag:s13], $0x3200  }
0x70: {  	s0 =	sadd.s32 @!p0 s1, s6;
	[sflag:s13] =	ssyncset.done $0x0  }
0x71: {  	s0 =	sadd.s32 @!p0 $0x500, s0;
	s5 =	simm.s32 @!p0 $0x0;
	[sflag:s13] =	ssyncadd.s32 $0xFFFFCE00  }
0x72: {  	[tilespmem:s5], [sflag:$0x1] =	stream.linear.gather @!p0 [hbm4b:s0+s5], $0x500, $0x38;
	[tilespmem:$0x1F900] =	vst v63  }
0x73: {  	_ =	swait.ge [sflag:s7], $0x500  }
0x74: {  	[sflag:s7] =	ssyncset.done $0x0  }
0x75: {  	[sflag:s7] =	ssyncadd.s32 $0xFFFFFB00  }
0x76: {  	[tilespmem:s16], [sflag:$0x3] =	stream.indirect.gather [hbm4b:s4+s15], $0xA0, s11, s15, $0xb8;
	[tilespmem:$0x1F900] =	vst v63  }
0x77: {  	_ = 	snop  }
0x78: {  	[tilespmem:s18], [sflag:$0x4] =	stream.indirect.gather [hbm4b:s4+s15], $0xA0, s9, s15, $0xb8;
	[tilespmem:$0x1F900] =	vst v63  }
0x79: {  	_ =	swait.ge [sflag:s19], $0x3200  }
0x7a: {  	[sflag:s19] =	ssyncset.done $0x0  }
0x7b: {  	[sflag:s19] =	ssyncadd.s32 $0xFFFFCE00  }
0x7c: {  	[spmem:s2] =	stream.indirect.scatter.add.bf16 [tilespmem:s16], [sflag:$0x5], $0xA0, s10, s15, $0xb8;
	[tilespmem:$0x1F900] =	vst v63  }
0x7d: {  	_ =	swait.ge [sflag:s13], $0x3200  }
0x7e: {  	[sflag:s13] =	ssyncset.done $0x0  }
0x7f: {  	[sflag:s13] =	ssyncadd.s32 $0xFFFFCE00  }
0x80: {  	[tilespmem:s16], [sflag:$0x3] =	stream.indirect.gather [hbm4b:s4+s15], $0xA0, s8, s15, $0xb8;
	[tilespmem:$0x1F900] =	vst v63  }
0x81: {  	_ =	swait.ge [sflag:s21], $0x3200  }
0x82: {  	[sflag:s21] =	ssyncset.done $0x0  }
0x83: {  	[sflag:s21] =	ssyncadd.s32 $0xFFFFCE00  }
0x84: {  	[spmem:s2] =	stream.indirect.scatter.add.bf16 [tilespmem:s18], [sflag:$0x5], $0xA0, s12, s15, $0xb8;
	[tilespmem:$0x1F900] =	vst v63  }
0x85: {  	_ =	swait.ge [sflag:s13], $0x3200  }
0x86: {  	[sflag:s13] =	ssyncset.done $0x0  }
0x87: {  	[sflag:s13] =	ssyncadd.s32 $0xFFFFCE00  }
0x88: {  	[tilespmem:s18], [sflag:$0x4] =	stream.indirect.gather [hbm4b:s4+s15], $0xA0, s17, s15, $0xb8;
	[tilespmem:$0x1F900] =	vst v63  }
0x89: {  	_ =	swait.ge [sflag:s19], $0x3200  }
0x8a: {  	[sflag:s19] =	ssyncset.done $0x0  }
0x8b: {  	[sflag:s19] =	ssyncadd.s32 $0xFFFFCE00  }
0x8c: {  	[spmem:s2] =	stream.indirect.scatter.add.bf16 [tilespmem:s16], [sflag:$0x5], $0xA0, s20, s15, $0xb8;
	[tilespmem:$0x1F900] =	vst v63  }
0x8d: {  	_ =	swait.ge [sflag:s13], $0x3200  }
0x8e: {  	[sflag:s13] =	ssyncset.done $0x0  }
0x8f: {  	[sflag:s13] =	ssyncadd.s32 $0xFFFFCE00  }
0x90: {  	[tilespmem:s16], [sflag:$0x3] =	stream.indirect.gather [hbm4b:s4+s15], $0xA0, s22, s15, $0xb8;
	[tilespmem:$0x1F900] =	vst v63  }
0x91: {  	_ =	swait.ge [sflag:s21], $0x3200  }
0x92: {  	[sflag:s21] =	ssyncset.done $0x0  }
0x93: {  	[sflag:s21] =	ssyncadd.s32 $0xFFFFCE00  }
0x94: {  	[spmem:s2] =	stream.indirect.scatter.add.bf16 [tilespmem:s18], [sflag:$0x5], $0xA0, s23, s15, $0xb8;
	[tilespmem:$0x1F900] =	vst v63  }
0x95: {  	_ =	swait.ge [sflag:s13], $0x3200  }
0x96: {  	[sflag:s13] =	ssyncset.done $0x0  }
0x97: {  	[sflag:s13] =	ssyncadd.s32 $0xFFFFCE00  }
0x98: {  	[tilespmem:s18], [sflag:$0x4] =	stream.indirect.gather [hbm4b:s4+s15], $0xA0, s24, s15, $0xb8;
	[tilespmem:$0x1F900] =	vst v63  }
0x99: {  	_ =	swait.ge [sflag:s19], $0x3200  }
0x9a: {  	[sflag:s19] =	ssyncset.done $0x0  }
0x9b: {  	[sflag:s19] =	ssyncadd.s32 $0xFFFFCE00  }
0x9c: {  	[spmem:s2] =	stream.indirect.scatter.add.bf16 [tilespmem:s16], [sflag:$0x5], $0xA0, s25, s15, $0xb8;
	[tilespmem:$0x1F900] =	vst v63  }
0x9d: {  	_ =	swait.ge [sflag:s13], $0x3200  }
0x9e: {  	[sflag:s13] =	ssyncset.done $0x0  }
0x9f: {  	[sflag:s13] =	ssyncadd.s32 $0xFFFFCE00  }
0xa0: {  	[tilespmem:s16], [sflag:$0x3] =	stream.indirect.gather [hbm4b:s4+s15], $0xA0, s26, s15, $0xb8;
	[tilespmem:$0x1F900] =	vst v63  }
0xa1: {  	_ =	swait.ge [sflag:s21], $0x3200  }
0xa2: {  	[sflag:s21] =	ssyncset.done $0x0  }
0xa3: {  	[sflag:s21] =	ssyncadd.s32 $0xFFFFCE00  }
0xa4: {  	[spmem:s2] =	stream.indirect.scatter.add.bf16 [tilespmem:s18], [sflag:$0x5], $0xA0, s28, s15, $0xb8;
	[tilespmem:$0x1F900] =	vst v63  }
0xa5: {  	_ =	swait.ge [sflag:s13], $0x3200  }
0xa6: {  	[sflag:s13] =	ssyncset.done $0x0  }
0xa7: {  	[sflag:s13] =	ssyncadd.s32 $0xFFFFCE00  }
0xa8: {  	[tilespmem:s18], [sflag:$0x4] =	stream.indirect.gather [hbm4b:s4+s15], $0xA0, s29, s15, $0xb8;
	[tilespmem:$0x1F900] =	vst v63  }
0xa9: {  	_ =	swait.ge [sflag:s19], $0x3200  }
0xaa: {  	[sflag:s19] =	ssyncset.done $0x0  }
0xab: {  	[sflag:s19] =	ssyncadd.s32 $0xFFFFCE00  }
0xac: {  	[spmem:s2] =	stream.indirect.scatter.add.bf16 [tilespmem:s16], [sflag:$0x5], $0xA0, s30, s15, $0xb8;
	[tilespmem:$0x1F900] =	vst v63  }
0xad: {  	_ =	swait.ge [sflag:s13], $0x3200  }
0xae: {  	[sflag:s13] =	ssyncset.done $0x0  }
0xaf: {  	[sflag:s13] =	ssyncadd.s32 $0xFFFFCE00  }
0xb0: {  	_ =	swait.ge [sflag:s21], $0x3200  }
0xb1: {  	[sflag:s21] =	ssyncset.done $0x0  }
.Ltmp2:
0xb2: {  	[sflag:s21] =	ssyncadd.s32 $0xFFFFCE00;
	(pc) =	sbr.rel @p0 .LBB2_4-.Ltmp2, $4  }
0xb3: {  	[spmem:s2] =	stream.indirect.scatter.add.bf16 [tilespmem:s18], [sflag:$0x5], $0xA0, s31, s15, $0xb8;
	[tilespmem:$0x1F900] =	vst v63  }
0xb4: {  	_ =	swait.ge [sflag:s13], $0x3200  }
0xb5: {  	[sflag:s13] =	ssyncset.done $0x0  }
0xb6: {  	[sflag:s13] =	ssyncadd.s32 $0xFFFFCE00  }
.Ltmp3:
0xb7: {  	(pc) =	sbr.rel .LBB2_2-.Ltmp3, $4  }
0xb8: {  	_ = 	snop  }
0xb9: {  	s0 =	sadd.s32 s1, s6  }
0xba: {  	s1 =	sadd.s32 $0x140, s1;
	s0 =	sadd.s32 $0x5A0, s0  }
0xbb: {  	[tilespmem:s11], [sflag:$0x2] =	stream.linear.gather [hbm4b:s0+s3], $0x500, $0x38;
	[tilespmem:$0x1F900] =	vst v63  }
.LBB2_5:
0xbc: {  	_ =	sfence.sel $0x180000  }
0xbd: {  	[bflag:$0x0] =	sbarrier.arrive $0xFFFF  }
0xbe: {  	_ =	strace $0x9000004A  }
0xbf: {  	s0 =	stileid.u32;
	[bflag:$0x2] =	sbarrier.arrive $0xFFFF  }
0xc0: {  	p0 =	sne.s32 s0, $0x0;
	s0 =	rddreg [dreg:$0x2]  }
0xc1: {  	s0 =	sadd.s32 @!p0 $0x100000, s0  }
0xc2: {  	[sflag:s0] =	ssyncadd.tile.s32 @!p0 $0x1;
	_ =	shalt  }
.Lfunc_end2:
_tile_overlayer_lowered:
.L_overlay_start_2:
0xc3: {  	(tag) =	ssettag $0x2  }
0xc4: {  	s0 =	rddreg [dreg:$0x0];
	s2 =	stileid.u32  }
0xc5: {  	s1 =	rddreg [dreg:$0x1];
	p0 =	sne.s32 s2, $0x0  }
0xc6: {  	s3 =	rddreg [dreg:$0x2];
	[bflag:$0x3] =	sbarrier.arrive $0xFFFF;
	s2 =	simm.s32 @!p0 $0x1C05  }
0xc7: {  	[timem:s3], [sflag:s2] =	dma.local @!p0 [hbm:s0], s1  }
0xc8: {  	s0 =	simm.s32 @!p0 $0x5  }
0xc9: {  	_ =	swait.ge @!p0 [sflag:s0], s1  }
0xca: {  	s1 =	ssub.s32 @!p0 $0x0, s1;
	[sflag:s0] =	ssyncset.done @!p0 $0x0  }
0xcb: {  	[sflag:s0] =	ssyncadd.s32 @!p0 s1  }
0xcc: {  	[bflag:$0x3] =	sbarrier.arrive $0xFFFF  }
0xcd: {  	_ =	shalt  }

</sc_bundles>
